<compile_context>
chip_gen: v7x
topology: tpu7x:2x2x1
jax: 0.10.2.dev20260603
libtpu: 0.0.44.dev20260713+nightly
codegen_flags: <defaults>
</compile_context>

<pallas_src>
import functools

import jax
import jax.numpy as jnp
from jax import lax
from jax.experimental import pallas as pl
from jax.experimental.pallas import tpu as pltpu
from jax.experimental.pallas import tpu_sc as plsc

DIM = 128
H = 40
HP = 128
NQ = 256
NP = 100000
BP = 8192
NP_PAD = 106496
PAD_DIST = 63
NBINS = 64
K = 64
IDX_BITS = 17
NB16 = NP_PAD // 16
NBLK = NP_PAD // 128
NBLKP = 896
NQH = 128



def _dist_body(q_ref, p_ref, proj_ref, out_ref, min_ref):
    j = pl.program_id(0)
    projT = proj_ref[...].T
    qh = (jnp.dot(q_ref[...], projT,
                  preferred_element_type=jnp.float32) > 0).astype(jnp.float32)
    ph = (jnp.dot(p_ref[...], projT,
                  preferred_element_type=jnp.float32) > 0).astype(jnp.float32)
    sq = jnp.sum(qh, axis=1, keepdims=True)
    sp = jnp.sum(ph, axis=1, keepdims=True).T
    cross = lax.dot_general(qh, ph, (((1,), (1,)), ((), ())),
                            preferred_element_type=jnp.float32)
    dist = sq + sp - 2.0 * cross
    gcol = j * BP + lax.broadcasted_iota(jnp.int32, (1, BP), 1)
    dist = jnp.where(gcol >= NP, float(PAD_DIST), dist)
    t32 = (dist.astype(jnp.int32) << 4) | (gcol & 15)
    out_ref[...] = t32
    min_ref[...] = jnp.min(t32.reshape(NQH, BP // 128, 128),
                           axis=-1).T.reshape(1, BP // 128, NQH)


def _distances(q, p, proj):
    return pl.pallas_call(
        _dist_body,
        grid=(NP_PAD // BP,),
        in_specs=[
            pl.BlockSpec((NQH, DIM), lambda j: (0, 0)),
            pl.BlockSpec((BP, DIM), lambda j: (j, 0)),
            pl.BlockSpec((HP, DIM), lambda j: (0, 0)),
        ],
        out_specs=[
            pl.BlockSpec((NQH, BP), lambda j: (0, j)),
            pl.BlockSpec((1, BP // 128, NQH), lambda j: (j, 0, 0)),
        ],
        out_shape=[
            jax.ShapeDtypeStruct((NQH, NP_PAD), jnp.int32),
            jax.ShapeDtypeStruct((NP_PAD // BP, BP // 128, NQH), jnp.int32),
        ],
    )(q, p, proj)



_MESH = plsc.VectorSubcoreMesh(core_axis_name="c", subcore_axis_name="s")
QPW = NQH // 32
NMV = NBLKP // 16


@functools.partial(
    pl.kernel,
    mesh=_MESH,
    out_type=(
        jax.ShapeDtypeStruct((NQH * 128,), jnp.int32),
        jax.ShapeDtypeStruct((NQH * 128,), jnp.float32),
    ),
    scratch_types=[
        pltpu.VMEM((NBLKP, 128), jnp.int32),
        pltpu.VMEM((QPW, NBLKP), jnp.int32),
        pltpu.VMEM((NBINS * 16,), jnp.int32),
        pltpu.VMEM((NBLKP + 16,), jnp.int32),
        pltpu.VMEM((NBLKP + 16,), jnp.int32),
        pltpu.VMEM((96,), jnp.int32),
        pltpu.VMEM((96,), jnp.int32),
        pltpu.VMEM((QPW * 128 + 32,), jnp.int32),
        pltpu.VMEM((QPW * 128 + 32,), jnp.float32),
        pltpu.SMEM((NBINS,), jnp.int32),
        pltpu.SemaphoreType.DMA,
    ],
    compiler_params=pltpu.CompilerParams(needs_layout_passes=False),
)
def _select(dist_hbm, minv_hbm, oidx_hbm, oval_hbm,
            gbuf, mbuf, hist, cblk, gidx, bufL, bufE, oi, ov, cum, sem):
    wid = lax.axis_index("s") * 2 + lax.axis_index("c")
    iota = lax.iota(jnp.int32, 16)
    ones = jnp.ones((16,), jnp.int32)
    zeros16 = jnp.zeros((16,), jnp.int32)
    lane0 = iota == 0

    def zero_hist(v, carry):
        hist[pl.ds(v * 16, 16)] = zeros16
        return carry

    lax.fori_loop(0, NBINS, zero_hist, 0)
    pltpu.sync_copy(minv_hbm.at[pl.ds(wid * QPW, QPW)], mbuf)

    def per_query(qi, carry):
        q = wid * QPW + qi
        qbase = qi * 128

        @plsc.parallel_loop(0, NMV)
        def s1(i):
            mv = mbuf[qi, pl.ds(i * 16, 16)]
            plsc.addupdate_scatter(hist, [((mv >> 4) << 4) + iota], ones)

        def mscan(v, c):
            run, t = c
            cnt = jnp.sum(hist[pl.ds(v * 16, 16)])
            hist[pl.ds(v * 16, 16)] = zeros16
            run2 = run + cnt
            t = jnp.where((t == NBINS) & (run2 >= K), v, t)
            return run2, t

        _, tmin = lax.fori_loop(0, NBINS, mscan,
                                (jnp.int32(0), jnp.int32(NBINS)))
        t16v = jnp.full((16,), tmin * 16 + 15, jnp.int32)

        def s2(i, nc):
            mv = mbuf[qi, pl.ds(i * 16, 16)]
            msk = mv <= t16v
            plsc.store_compressed(cblk.at[pl.ds(nc, 16)], i * 16 + iota,
                                  mask=msk)
            return nc + jnp.sum(msk.astype(jnp.int32))

        ncb = lax.fori_loop(0, NMV, s2, jnp.int32(0))

        qrow = jnp.full((16,), q * NBLK, jnp.int32)
        ncbv = jnp.full((16,), ncb, jnp.int32)

        @plsc.parallel_loop(0, NMV)
        def build_gidx(i):
            pos = i * 16 + iota
            gid = jnp.where(pos < ncbv, cblk[pl.ds(i * 16, 16)] + qrow, qrow)
            gidx[pl.ds(i * 16, 16)] = gid

        nch = (ncb + 127) >> 7

        def gather(ch, c):
            pltpu.async_copy(dist_hbm.at[gidx.at[pl.ds(ch * 128, 128)]],
                             gbuf.at[pl.ds(ch * 128, 128)], sem).wait()
            return c

        lax.fori_loop(0, nch, gather, 0)

        @plsc.parallel_loop(0, ncb)
        def s4(ci):
            for j in range(8):
                v = gbuf[ci, pl.ds(j * 16, 16)]
                plsc.addupdate_scatter(hist, [v], ones)

        def scan_bins(v, c):
            run, t = c
            cnt = jnp.sum(hist[pl.ds(v * 16, 16)])
            hist[pl.ds(v * 16, 16)] = zeros16
            cum[v] = run
            run2 = run + cnt
            t = jnp.where((t == NBINS) & (run2 >= K), v, t)
            return run2, t

        _, T = lax.fori_loop(0, NBINS, scan_bins,
                             (jnp.int32(0), jnp.int32(NBINS)))
        nL = cum[T]
        eq_target = K - nL
        Tv = jnp.full((16,), T, jnp.int32)

        def b_cond(c):
            ci, offL, offE = c
            return (ci < ncb) & ((offL < nL) | (offE < eq_target))

        def b_body(c):
            ci, offL, offE = c
            b = cblk[pl.ds(ci, 16)][0]
            offs = (ci, offL, offE)
            offL, offE = offs[1], offs[2]
            for j in range(8):
                v = gbuf[ci, pl.ds(j * 16, 16)]
                d = lax.shift_right_logical(v, 4)
                key = d * (1 << IDX_BITS) + (b * 128 + j * 16 + iota)
                mless = d < Tv
                plsc.store_compressed(bufL.at[pl.ds(offL, 16)], key,
                                      mask=mless)
                offL = offL + jnp.sum(mless.astype(jnp.int32))
                open_e = jnp.full((16,), offE < eq_target)
                meq = (d == Tv) & open_e
                plsc.store_compressed(bufE.at[pl.ds(offE, 16)], key,
                                      mask=meq)
                offE = offE + jnp.sum(meq.astype(jnp.int32))
            return ci + 1, offL, offE

        lax.while_loop(b_cond, b_body,
                       (jnp.int32(0), jnp.int32(0), jnp.int32(0)))

        def place_less(jj, c):
            kkey = bufL[pl.ds(jj, 16)][0]
            d = lax.shift_right_logical(kkey, IDX_BITS)
            pos = cum[d]
            cum[d] = pos + 1
            posv = jnp.full((16,), qbase + pos, jnp.int32)
            plsc.store_scatter(oi, [posv],
                               jnp.full((16,), kkey & ((1 << IDX_BITS) - 1),
                                        jnp.int32), mask=lane0)
            plsc.store_scatter(ov, [posv],
                               jnp.full((16,), d.astype(jnp.float32),
                                        jnp.float32), mask=lane0)
            return c

        lax.fori_loop(0, nL, place_less, 0)

        tfv = jnp.full((16,), T.astype(jnp.float32), jnp.float32)

        def place_eq(jj, c):
            kv = bufE[pl.ds(jj * 16, 16)]
            m = (jj * 16 + iota) < eq_target
            plsc.store_compressed(oi.at[pl.ds(qbase + nL + jj * 16, 16)],
                                  kv & ((1 << IDX_BITS) - 1), mask=m)
            plsc.store_compressed(ov.at[pl.ds(qbase + nL + jj * 16, 16)], tfv,
                                  mask=m)
            return c

        lax.fori_loop(0, K // 16, place_eq, 0)
        return carry

    lax.fori_loop(0, QPW, per_query, 0)
    pltpu.sync_copy(oi.at[pl.ds(0, QPW * 128)],
                    oidx_hbm.at[pl.ds(wid * QPW * 128, QPW * 128)])
    pltpu.sync_copy(ov.at[pl.ds(0, QPW * 128)],
                    oval_hbm.at[pl.ds(wid * QPW * 128, QPW * 128)])



def kernel(query_points, points, projection_matrices, k):
    q = query_points[0]
    p = points[0]
    proj = jnp.pad(projection_matrices, ((0, HP - H), (0, 0)))
    idxs, valss = [], []
    for h in range(NQ // NQH):
        dist, minv = _distances(q[h * NQH:(h + 1) * NQH], p, proj)
        minv = minv.reshape(NBLK, NQH).T
        minv = jnp.pad(minv, ((0, 0), (0, NBLKP - NBLK)),
                       constant_values=1023)
        idx, vals = _select(dist.reshape(NQH * NBLK, 128), minv)
        idxs.append(idx.reshape(NQH, 128)[:, :K])
        valss.append(vals.reshape(NQH, 128)[:, :K])
    return (jnp.concatenate(idxs)[None], jnp.concatenate(valss)[None])

# --- scband reference (transcript-rebuilt; emitter-appended) ---
"""Pipeline reference for scband-lshtable-14216341749766 (READ-ONLY COPY).

The authoritative reference and input builder live on the scoring server;
editing this copy changes nothing except your own understanding.
"""

import jax, jax.numpy as jnp
import numpy as np

DIM = 128
NUM_TABLES = 10
NUM_HASH = 4
B, NQ, NP = 1, 256, 100000


def setup_inputs(seed: int = 0) -> dict:
    key = jax.random.key(seed)
    k1, k2, k3 = jax.random.split(key, 3)
    return {
        "query_points": jax.random.normal(k1, (B, NQ, DIM), dtype=jnp.float32),
        "points": jax.random.normal(k2, (B, NP, DIM), dtype=jnp.float32),
        "projection_matrices": jax.random.normal(k3, (NUM_TABLES * NUM_HASH, DIM), dtype=jnp.float32),
        "k": 64,
    }


def _hash(pts, P):
    # pts: [B, N, D], P: [T*F, D] -> binary hash [B, N, T*F]
    proj = jnp.matmul(pts, P.T)
    return (proj > 0).astype(jnp.float32)


def reference(query_points, points, projection_matrices, k):
    qh = _hash(query_points, projection_matrices)  # [B, Nq, H]
    ph = _hash(points, projection_matrices)        # [B, Np, H]
    # torch.cdist(p=1) on binary vectors: |a-b| = a + b - 2ab elementwise,
    # so L1 distance = sum(a) + sum(b) - 2 * a.b  (exact for 0/1 inputs)
    sq = jnp.sum(qh, axis=-1)                      # [B, Nq]
    sp = jnp.sum(ph, axis=-1)                      # [B, Np]
    cross = jnp.einsum('bqh,bph->bqp', qh, ph)     # [B, Nq, Np]
    distances = sq[:, :, None] + sp[:, None, :] - 2.0 * cross
    distances = distances + 0.0 * jnp.asarray(k, dtype=distances.dtype)
    kk = min(64, points.shape[1])
    neg_vals, indices = jax.lax.top_k(-distances, kk)  # smallest distances
    values = -neg_vals
    return indices, values

if __name__ == "__main__":
    import jax
    _d = setup_inputs()
    print(jax.jit(kernel)(*tuple(_d.values())))

</pallas_src>

<mosaic_0001>
#map = affine_map<(d0, d1) -> (0, 0)>
#map1 = affine_map<(d0, d1) -> (0)>
module attributes {stable_mosaic.version = 14 : i64} {
  func.func @_select(%arg0: i32, %arg1: i32, %arg2: memref<106496x128xi32, #tpu.memory_space<hbm>>, %arg3: memref<128x896xi32, #tpu.memory_space<hbm>>, %arg4: memref<16384xi32, #tpu.memory_space<hbm>>, %arg5: memref<16384xf32, #tpu.memory_space<hbm>>, %arg6: memref<896x128xi32, #tpu.memory_space<vmem>>, %arg7: memref<4x896xi32, #tpu.memory_space<vmem>>, %arg8: memref<1024xi32, #tpu.memory_space<vmem>>, %arg9: memref<912xi32, #tpu.memory_space<vmem>>, %arg10: memref<912xi32, #tpu.memory_space<vmem>>, %arg11: memref<96xi32, #tpu.memory_space<vmem>>, %arg12: memref<96xi32, #tpu.memory_space<vmem>>, %arg13: memref<544xi32, #tpu.memory_space<vmem>>, %arg14: memref<544xf32, #tpu.memory_space<vmem>>, %arg15: memref<64xi32, #tpu.memory_space<smem>>, %arg16: memref<!tpu.dma_semaphore, #tpu.memory_space<semaphore_mem>>) attributes {dimension_semantics = [#tpu.dimension_semantics<core_parallel>, #tpu.dimension_semantics<subcore_parallel>], iteration_bounds = array<i64: 2, 16>, scalar_prefetch = 0 : i64, scratch_operands = 11 : i64, tpu.core_type = #tpu.core_type<sc_vector_subcore>, window_params = [{transform_indices = #map}, {transform_indices = #map}, {transform_indices = #map1}, {transform_indices = #map1}]} {
    %mul3A = arith.constant 2 : i32
    %mul3A_0 = arith.muli %arg1, %mul3A : i32
    %add3A = arith.addi %mul3A_0, %arg0 : i32
    %iota3A = tpu.iota {dimensions = array<i32: 0>} : vector<16xi32>
    %broadcast_in_dim3A = arith.constant 1 : i32
    %broadcast_in_dim3A_1 = vector.broadcast %broadcast_in_dim3A : i32 to vector<16xi32>
    %broadcast_in_dim3A_2 = arith.constant 0 : i32
    %broadcast_in_dim3A_3 = vector.broadcast %broadcast_in_dim3A_2 : i32 to vector<16xi32>
    %eq3A = arith.constant 0 : i32
    %eq3A_4 = vector.broadcast %eq3A : i32 to vector<16xi32>
    %eq3A_5 = arith.cmpi eq, %iota3A, %eq3A_4 : vector<16xi32>
    %scan3A = arith.constant 0 : i32
    %scan3A_6 = arith.constant 0 : i32
    %scan3A_7 = arith.constant 64 : i32
    %scan3A_8 = arith.addi %scan3A_6, %scan3A_7 : i32
    %scan3A_9 = arith.constant 1 : i32
    scf.for %scan3A_27 = %scan3A_6 to %scan3A_8 step %scan3A_9  : i32 {
      %mul3A_28 = arith.constant 16 : i32
      %mul3A_29 = arith.muli %scan3A_27, %mul3A_28 : i32
      %swap3A = arith.index_cast %mul3A_29 : i32 to index
      %swap3A_30 = tpu.vector_load %arg8[%swap3A] {strides = array<i32>} : memref<1024xi32, #tpu.memory_space<vmem>>, vector<16xi32>,
      tpu.vector_store %arg8[%swap3A], %broadcast_in_dim3A_3 {strides = array<i32>} : memref<1024xi32, #tpu.memory_space<vmem>>, vector<16xi32>,
    }
    %scan3A_10 = arith.constant 64 : i32
    %mul3A_11 = arith.constant 4 : i32
    %mul3A_12 = arith.muli %add3A, %mul3A_11 : i32
    "tpu.region"() ({
      %run_scoped3A = tpu.sem_alloc : memref<!tpu.dma_semaphore, #tpu.memory_space<semaphore_mem>>
      %dma_start3A = arith.constant 0 : i32
      %dma_start3A_27 = tpu.memref_slice %arg3[%mul3A_12, %dma_start3A] : memref<128x896xi32, #tpu.memory_space<hbm>> -> memref<4x896xi32, #tpu.memory_space<hbm>>
      %dma_start3A_28 = arith.constant 0 : i32
      %dma_start3A_29 = tpu.memref_slice %arg3[%mul3A_12, %dma_start3A_28] : memref<128x896xi32, #tpu.memory_space<hbm>> -> memref<4x896xi32, #tpu.memory_space<hbm>>
      tpu.enqueue_dma source(%dma_start3A_29 : memref<4x896xi32, #tpu.memory_space<hbm>>) target(%arg7 : memref<4x896xi32, #tpu.memory_space<vmem>>) target_semaphore(%run_scoped3A : memref<!tpu.dma_semaphore, #tpu.memory_space<semaphore_mem>>)
      %dma_wait3A = arith.constant 0 : i32
      %dma_wait3A_30 = tpu.memref_slice %arg3[%mul3A_12, %dma_wait3A] : memref<128x896xi32, #tpu.memory_space<hbm>> -> memref<4x896xi32, #tpu.memory_space<hbm>>
      %dma_wait3A_31 = arith.constant 0 : i32
      %dma_wait3A_32 = tpu.memref_slice %arg3[%mul3A_12, %dma_wait3A_31] : memref<128x896xi32, #tpu.memory_space<hbm>> -> memref<4x896xi32, #tpu.memory_space<hbm>>
      tpu.wait_dma2 semaphore(%run_scoped3A : memref<!tpu.dma_semaphore, #tpu.memory_space<semaphore_mem>>) src(%dma_wait3A_32 : memref<4x896xi32, #tpu.memory_space<hbm>>) dst(%arg7 : memref<4x896xi32, #tpu.memory_space<vmem>>)
      tpu.yield
    }) : () -> ()
    %scan3A_13 = arith.constant 0 : i32
    %scan3A_14 = arith.constant 0 : i32
    %scan3A_15 = arith.constant 4 : i32
    %scan3A_16 = arith.addi %scan3A_14, %scan3A_15 : i32
    %scan3A_17 = arith.constant 1 : i32
    scf.for %scan3A_27 = %scan3A_14 to %scan3A_16 step %scan3A_17  : i32 {
      %mul3A_28 = arith.constant 4 : i32
      %mul3A_29 = arith.muli %add3A, %mul3A_28 : i32
      %add3A_30 = arith.addi %mul3A_29, %scan3A_27 : i32
      %mul3A_31 = arith.constant 128 : i32
      %mul3A_32 = arith.muli %scan3A_27, %mul3A_31 : i32
      %parallel_loop3A = arith.constant 0 : i32
      %parallel_loop3A_33 = arith.constant 56 : i32
      %parallel_loop3A_34 = arith.constant 1 : i32
      scf.for %parallel_loop3A_108 = %parallel_loop3A to %parallel_loop3A_33 step %parallel_loop3A_34  : i32 {
        %parallel_loop3A_109 = arith.constant 16 : i32
        %parallel_loop3A_110 = arith.muli %parallel_loop3A_108, %parallel_loop3A_109 : i32
        %parallel_loop3A_111 = arith.index_cast %scan3A_27 : i32 to index
        %parallel_loop3A_112 = arith.index_cast %parallel_loop3A_110 : i32 to index
        %parallel_loop3A_113 = tpu.vector_load %arg7[%parallel_loop3A_111, %parallel_loop3A_112] {strides = array<i32>} : memref<4x896xi32, #tpu.memory_space<vmem>>, vector<16xi32>,
        %parallel_loop3A_114 = arith.constant 4 : i32
        %parallel_loop3A_115 = vector.broadcast %parallel_loop3A_114 : i32 to vector<16xi32>
        %parallel_loop3A_116 = arith.shrsi %parallel_loop3A_113, %parallel_loop3A_115 : vector<16xi32>
        %parallel_loop3A_117 = arith.constant 4 : i32
        %parallel_loop3A_118 = vector.broadcast %parallel_loop3A_117 : i32 to vector<16xi32>
        %parallel_loop3A_119 = arith.shli %parallel_loop3A_116, %parallel_loop3A_118 : vector<16xi32>
        %parallel_loop3A_120 = arith.addi %parallel_loop3A_119, %iota3A : vector<16xi32>
        tpu.vector_store_idx %arg8[%parallel_loop3A_120], %broadcast_in_dim3A_1 {add = true} : memref<1024xi32, #tpu.memory_space<vmem>>[vector<16xi32>], vector<16xi32>,
      } {sc.loop_unroll_factor = 1 : i64, sc.parallel_access}
      %scan3A_35 = arith.constant 0 : i32
      %scan3A_36 = arith.constant 64 : i32
      %scan3A_37 = arith.constant 0 : i32
      %scan3A_38 = arith.constant 64 : i32
      %scan3A_39 = arith.addi %scan3A_37, %scan3A_38 : i32
      %scan3A_40 = arith.constant 1 : i32
      %scan3A_41:2 = scf.for %scan3A_108 = %scan3A_37 to %scan3A_39 step %scan3A_40 iter_args(%scan3A_109 = %scan3A_35, %scan3A_110 = %scan3A_36) -> (i32, i32)  : i32 {
        %mul3A_111 = arith.constant 16 : i32
        %mul3A_112 = arith.muli %scan3A_108, %mul3A_111 : i32
        %get3A_113 = arith.index_cast %mul3A_112 : i32 to index
        %get3A_114 = tpu.vector_load %arg8[%get3A_113] {strides = array<i32>} : memref<1024xi32, #tpu.memory_space<vmem>>, vector<16xi32>,
        %reduce_sum3A = arith.constant true
        %reduce_sum3A_115 = vector.broadcast %reduce_sum3A : i1 to vector<16xi1>
        %reduce_sum3A_116 = tpu.scan <sum>, %get3A_114 masked %reduce_sum3A_115 : vector<16xi32>, vector<16xi1> -> vector<16xi32>
        %reduce_sum3A_117 = vector.extract %reduce_sum3A_116[15] : i32 from vector<16xi32>
        %mul3A_118 = arith.constant 16 : i32
        %mul3A_119 = arith.muli %scan3A_108, %mul3A_118 : i32
        %swap3A = arith.index_cast %mul3A_119 : i32 to index
        %swap3A_120 = tpu.vector_load %arg8[%swap3A] {strides = array<i32>} : memref<1024xi32, #tpu.memory_space<vmem>>, vector<16xi32>,
        tpu.vector_store %arg8[%swap3A], %broadcast_in_dim3A_3 {strides = array<i32>} : memref<1024xi32, #tpu.memory_space<vmem>>, vector<16xi32>,
        %add3A_121 = arith.addi %scan3A_109, %reduce_sum3A_117 : i32
        %eq3A_122 = arith.constant 64 : i32
        %eq3A_123 = arith.cmpi eq, %scan3A_110, %eq3A_122 : i32
        %ge3A = arith.constant 64 : i32
        %ge3A_124 = arith.cmpi sge, %add3A_121, %ge3A : i32
        %and3A = arith.andi %eq3A_123, %ge3A_124 : i1
        %select_n3A = arith.select %and3A, %scan3A_108, %scan3A_110 : i32
        scf.yield %add3A_121, %select_n3A : i32, i32
      }
      %scan3A_42 = arith.constant 64 : i32
      %mul3A_43 = arith.constant 16 : i32
      %mul3A_44 = arith.muli %scan3A_41#1, %mul3A_43 : i32
      %add3A_45 = arith.constant 15 : i32
      %add3A_46 = arith.addi %mul3A_44, %add3A_45 : i32
      %broadcast_in_dim3A_47 = vector.broadcast %add3A_46 : i32 to vector<16xi32>
      %scan3A_48 = arith.constant 0 : i32
      %scan3A_49 = arith.constant 0 : i32
      %scan3A_50 = arith.constant 56 : i32
      %scan3A_51 = arith.addi %scan3A_49, %scan3A_50 : i32
      %scan3A_52 = arith.constant 1 : i32
      %scan3A_53 = scf.for %scan3A_108 = %scan3A_49 to %scan3A_51 step %scan3A_52 iter_args(%scan3A_109 = %scan3A_48) -> (i32)  : i32 {
        %mul3A_110 = arith.constant 16 : i32
        %mul3A_111 = arith.muli %scan3A_108, %mul3A_110 : i32
        %get3A_112 = arith.index_cast %scan3A_27 : i32 to index
        %get3A_113 = arith.index_cast %mul3A_111 : i32 to index
        %get3A_114 = tpu.vector_load %arg7[%get3A_112, %get3A_113] {strides = array<i32>} : memref<4x896xi32, #tpu.memory_space<vmem>>, vector<16xi32>,
        %le3A = arith.cmpi sle, %get3A_114, %broadcast_in_dim3A_47 : vector<16xi32>
        %mul3A_115 = arith.constant 16 : i32
        %mul3A_116 = arith.muli %scan3A_108, %mul3A_115 : i32
        %add3A_117 = vector.broadcast %mul3A_116 : i32 to vector<16xi32>
        %add3A_118 = arith.addi %add3A_117, %iota3A : vector<16xi32>
        %swap3A = arith.index_cast %scan3A_109 : i32 to index
        %swap3A_119 = tpu.vector_load %arg9[%swap3A] masked %le3A {strides = array<i32>} : memref<912xi32, #tpu.memory_space<vmem>>, vector<16xi32>, vector<16xi1>
        tpu.vector_store %arg9[%swap3A], %add3A_118 masked %le3A {strides = array<i32>} : memref<912xi32, #tpu.memory_space<vmem>>, vector<16xi32>, vector<16xi1>
        %convert_element_type3A_120 = arith.extui %le3A : vector<16xi1> to vector<16xi32>
        %reduce_sum3A = arith.constant true
        %reduce_sum3A_121 = vector.broadcast %reduce_sum3A : i1 to vector<16xi1>
        %reduce_sum3A_122 = tpu.scan <sum>, %convert_element_type3A_120 masked %reduce_sum3A_121 : vector<16xi32>, vector<16xi1> -> vector<16xi32>
        %reduce_sum3A_123 = vector.extract %reduce_sum3A_122[15] : i32 from vector<16xi32>
        %add3A_124 = arith.addi %scan3A_109, %reduce_sum3A_123 : i32
        scf.yield %add3A_124 : i32
      }
      %scan3A_54 = arith.constant 56 : i32
      %mul3A_55 = arith.constant 832 : i32
      %mul3A_56 = arith.muli %add3A_30, %mul3A_55 : i32
      %broadcast_in_dim3A_57 = vector.broadcast %mul3A_56 : i32 to vector<16xi32>
      %broadcast_in_dim3A_58 = vector.broadcast %scan3A_53 : i32 to vector<16xi32>
      %parallel_loop3A_59 = arith.constant 0 : i32
      %parallel_loop3A_60 = arith.constant 56 : i32
      %parallel_loop3A_61 = arith.constant 1 : i32
      scf.for %parallel_loop3A_108 = %parallel_loop3A_59 to %parallel_loop3A_60 step %parallel_loop3A_61  : i32 {
        %parallel_loop3A_109 = arith.constant 16 : i32
        %parallel_loop3A_110 = arith.muli %parallel_loop3A_108, %parallel_loop3A_109 : i32
        %parallel_loop3A_111 = vector.broadcast %parallel_loop3A_110 : i32 to vector<16xi32>
        %parallel_loop3A_112 = arith.addi %parallel_loop3A_111, %iota3A : vector<16xi32>
        %parallel_loop3A_113 = arith.cmpi slt, %parallel_loop3A_112, %broadcast_in_dim3A_58 : vector<16xi32>
        %parallel_loop3A_114 = arith.constant 16 : i32
        %parallel_loop3A_115 = arith.muli %parallel_loop3A_108, %parallel_loop3A_114 : i32
        %parallel_loop3A_116 = arith.index_cast %parallel_loop3A_115 : i32 to index
        %parallel_loop3A_117 = tpu.vector_load %arg9[%parallel_loop3A_116] {strides = array<i32>} : memref<912xi32, #tpu.memory_space<vmem>>, vector<16xi32>,
        %parallel_loop3A_118 = arith.addi %parallel_loop3A_117, %broadcast_in_dim3A_57 : vector<16xi32>
        %parallel_loop3A_119 = arith.select %parallel_loop3A_113, %parallel_loop3A_118, %broadcast_in_dim3A_57 : vector<16xi1>, vector<16xi32>
        %parallel_loop3A_120 = arith.constant 16 : i32
        %parallel_loop3A_121 = arith.muli %parallel_loop3A_108, %parallel_loop3A_120 : i32
        %parallel_loop3A_122 = arith.index_cast %parallel_loop3A_121 : i32 to index
        %parallel_loop3A_123 = tpu.vector_load %arg10[%parallel_loop3A_122] {strides = array<i32>} : memref<912xi32, #tpu.memory_space<vmem>>, vector<16xi32>,
        tpu.vector_store %arg10[%parallel_loop3A_122], %parallel_loop3A_119 {strides = array<i32>} : memref<912xi32, #tpu.memory_space<vmem>>, vector<16xi32>,
      } {sc.loop_unroll_factor = 1 : i64, sc.parallel_access}
      %add3A_62 = arith.constant 127 : i32
      %add3A_63 = arith.addi %scan3A_53, %add3A_62 : i32
      %shift_right_arithmetic3A = arith.constant 7 : i32
      %shift_right_arithmetic3A_64 = arith.shrsi %add3A_63, %shift_right_arithmetic3A : i32
      %while3A = arith.constant 0 : i32
      %while3A_65 = arith.constant 0 : i32
      %while3A_66 = arith.subi %shift_right_arithmetic3A_64, %while3A_65 : i32
      %while3A_67 = arith.addi %while3A_65, %while3A_66 : i32
      %while3A_68 = arith.constant 1 : i32
      %while3A_69 = arith.divsi %while3A_66, %while3A_68 : i32
      %while3A_70 = arith.muli %while3A_69, %while3A_68 : i32
      %while3A_71 = arith.addi %while3A_65, %while3A_70 : i32
      %while3A_72 = arith.constant 1 : i32
      scf.for %while3A_108 = %while3A_65 to %while3A_71 step %while3A_72  : i32 {
        %mul3A_109 = arith.constant 128 : i32
        %mul3A_110 = arith.muli %while3A_108, %mul3A_109 : i32
        %mul3A_111 = arith.constant 128 : i32
        %mul3A_112 = arith.muli %while3A_108, %mul3A_111 : i32
        %dma_start3A = arith.constant 0 : i32
        %dma_start3A_113 = tpu.memref_slice %arg6[%mul3A_112, %dma_start3A] : memref<896x128xi32, #tpu.memory_space<vmem>> -> memref<128x128xi32, #tpu.memory_space<vmem>>
        %dma_start3A_114 = tpu.memref_slice %arg10[%mul3A_110] : memref<912xi32, #tpu.memory_space<vmem>> -> memref<128xi32, #tpu.memory_space<vmem>>
        %dma_start3A_115 = arith.constant 0 : i32
        %dma_start3A_116 = arith.constant 0 : i32
        %dma_start3A_117 = tpu.memref_slice %arg2[%dma_start3A_115, %dma_start3A_116] : memref<106496x128xi32, #tpu.memory_space<hbm>> -> memref<106496x128xi32, #tpu.memory_space<hbm>>
        tpu.enqueue_indirect_dma source(%dma_start3A_117 : memref<106496x128xi32, #tpu.memory_space<hbm>>) target(%dma_start3A_113 : memref<128x128xi32, #tpu.memory_space<vmem>>) offsets(%dma_start3A_114 : memref<128xi32, #tpu.memory_space<vmem>>) semaphore(%arg16 : memref<!tpu.dma_semaphore, #tpu.memory_space<semaphore_mem>>)
        %dma_wait3A = arith.constant 0 : i32
        %dma_wait3A_118 = tpu.memref_slice %arg6[%mul3A_112, %dma_wait3A] : memref<896x128xi32, #tpu.memory_space<vmem>> -> memref<128x128xi32, #tpu.memory_space<vmem>>
        %dma_wait3A_119 = tpu.memref_slice %arg10[%mul3A_110] : memref<912xi32, #tpu.memory_space<vmem>> -> memref<128xi32, #tpu.memory_space<vmem>>
        %dma_wait3A_120 = arith.constant 0 : i32
        %dma_wait3A_121 = arith.constant 0 : i32
        %dma_wait3A_122 = tpu.memref_slice %arg2[%dma_wait3A_120, %dma_wait3A_121] : memref<106496x128xi32, #tpu.memory_space<hbm>> -> memref<106496x128xi32, #tpu.memory_space<hbm>>
        tpu.wait_indirect_dma semaphore(%arg16 : memref<!tpu.dma_semaphore, #tpu.memory_space<semaphore_mem>>) src(%dma_wait3A_122 : memref<106496x128xi32, #tpu.memory_space<hbm>>) dst(%dma_wait3A_118 : memref<128x128xi32, #tpu.memory_space<vmem>>)
      }
      %while3A_73 = arith.constant 1 : i32
      scf.for %while3A_108 = %while3A_71 to %while3A_67 step %while3A_73  : i32 {
        %mul3A_109 = arith.constant 128 : i32
        %mul3A_110 = arith.muli %while3A_108, %mul3A_109 : i32
        %mul3A_111 = arith.constant 128 : i32
        %mul3A_112 = arith.muli %while3A_108, %mul3A_111 : i32
        %dma_start3A = arith.constant 0 : i32
        %dma_start3A_113 = tpu.memref_slice %arg6[%mul3A_112, %dma_start3A] : memref<896x128xi32, #tpu.memory_space<vmem>> -> memref<128x128xi32, #tpu.memory_space<vmem>>
        %dma_start3A_114 = tpu.memref_slice %arg10[%mul3A_110] : memref<912xi32, #tpu.memory_space<vmem>> -> memref<128xi32, #tpu.memory_space<vmem>>
        %dma_start3A_115 = arith.constant 0 : i32
        %dma_start3A_116 = arith.constant 0 : i32
        %dma_start3A_117 = tpu.memref_slice %arg2[%dma_start3A_115, %dma_start3A_116] : memref<106496x128xi32, #tpu.memory_space<hbm>> -> memref<106496x128xi32, #tpu.memory_space<hbm>>
        tpu.enqueue_indirect_dma source(%dma_start3A_117 : memref<106496x128xi32, #tpu.memory_space<hbm>>) target(%dma_start3A_113 : memref<128x128xi32, #tpu.memory_space<vmem>>) offsets(%dma_start3A_114 : memref<128xi32, #tpu.memory_space<vmem>>) semaphore(%arg16 : memref<!tpu.dma_semaphore, #tpu.memory_space<semaphore_mem>>)
        %dma_wait3A = arith.constant 0 : i32
        %dma_wait3A_118 = tpu.memref_slice %arg6[%mul3A_112, %dma_wait3A] : memref<896x128xi32, #tpu.memory_space<vmem>> -> memref<128x128xi32, #tpu.memory_space<vmem>>
        %dma_wait3A_119 = tpu.memref_slice %arg10[%mul3A_110] : memref<912xi32, #tpu.memory_space<vmem>> -> memref<128xi32, #tpu.memory_space<vmem>>
        %dma_wait3A_120 = arith.constant 0 : i32
        %dma_wait3A_121 = arith.constant 0 : i32
        %dma_wait3A_122 = tpu.memref_slice %arg2[%dma_wait3A_120, %dma_wait3A_121] : memref<106496x128xi32, #tpu.memory_space<hbm>> -> memref<106496x128xi32, #tpu.memory_space<hbm>>
        tpu.wait_indirect_dma semaphore(%arg16 : memref<!tpu.dma_semaphore, #tpu.memory_space<semaphore_mem>>) src(%dma_wait3A_122 : memref<106496x128xi32, #tpu.memory_space<hbm>>) dst(%dma_wait3A_118 : memref<128x128xi32, #tpu.memory_space<vmem>>)
      }
      %parallel_loop3A_74 = arith.constant 0 : i32
      %parallel_loop3A_75 = arith.constant 1 : i32
      scf.for %parallel_loop3A_108 = %parallel_loop3A_74 to %scan3A_53 step %parallel_loop3A_75  : i32 {
        %parallel_loop3A_109 = arith.index_cast %parallel_loop3A_108 : i32 to index
        %parallel_loop3A_110 = arith.constant 0 : index
        %parallel_loop3A_111 = tpu.vector_load %arg6[%parallel_loop3A_109, %parallel_loop3A_110] {strides = array<i32>} : memref<896x128xi32, #tpu.memory_space<vmem>>, vector<16xi32>,
        tpu.vector_store_idx %arg8[%parallel_loop3A_111], %broadcast_in_dim3A_1 {add = true} : memref<1024xi32, #tpu.memory_space<vmem>>[vector<16xi32>], vector<16xi32>,
        %parallel_loop3A_112 = arith.index_cast %parallel_loop3A_108 : i32 to index
        %parallel_loop3A_113 = arith.constant 16 : index
        %parallel_loop3A_114 = tpu.vector_load %arg6[%parallel_loop3A_112, %parallel_loop3A_113] {strides = array<i32>} : memref<896x128xi32, #tpu.memory_space<vmem>>, vector<16xi32>,
        tpu.vector_store_idx %arg8[%parallel_loop3A_114], %broadcast_in_dim3A_1 {add = true} : memref<1024xi32, #tpu.memory_space<vmem>>[vector<16xi32>], vector<16xi32>,
        %parallel_loop3A_115 = arith.index_cast %parallel_loop3A_108 : i32 to index
        %parallel_loop3A_116 = arith.constant 32 : index
        %parallel_loop3A_117 = tpu.vector_load %arg6[%parallel_loop3A_115, %parallel_loop3A_116] {strides = array<i32>} : memref<896x128xi32, #tpu.memory_space<vmem>>, vector<16xi32>,
        tpu.vector_store_idx %arg8[%parallel_loop3A_117], %broadcast_in_dim3A_1 {add = true} : memref<1024xi32, #tpu.memory_space<vmem>>[vector<16xi32>], vector<16xi32>,
        %parallel_loop3A_118 = arith.index_cast %parallel_loop3A_108 : i32 to index
        %parallel_loop3A_119 = arith.constant 48 : index
        %parallel_loop3A_120 = tpu.vector_load %arg6[%parallel_loop3A_118, %parallel_loop3A_119] {strides = array<i32>} : memref<896x128xi32, #tpu.memory_space<vmem>>, vector<16xi32>,
        tpu.vector_store_idx %arg8[%parallel_loop3A_120], %broadcast_in_dim3A_1 {add = true} : memref<1024xi32, #tpu.memory_space<vmem>>[vector<16xi32>], vector<16xi32>,
        %parallel_loop3A_121 = arith.index_cast %parallel_loop3A_108 : i32 to index
        %parallel_loop3A_122 = arith.constant 64 : index
        %parallel_loop3A_123 = tpu.vector_load %arg6[%parallel_loop3A_121, %parallel_loop3A_122] {strides = array<i32>} : memref<896x128xi32, #tpu.memory_space<vmem>>, vector<16xi32>,
        tpu.vector_store_idx %arg8[%parallel_loop3A_123], %broadcast_in_dim3A_1 {add = true} : memref<1024xi32, #tpu.memory_space<vmem>>[vector<16xi32>], vector<16xi32>,
        %parallel_loop3A_124 = arith.index_cast %parallel_loop3A_108 : i32 to index
        %parallel_loop3A_125 = arith.constant 80 : index
        %parallel_loop3A_126 = tpu.vector_load %arg6[%parallel_loop3A_124, %parallel_loop3A_125] {strides = array<i32>} : memref<896x128xi32, #tpu.memory_space<vmem>>, vector<16xi32>,
        tpu.vector_store_idx %arg8[%parallel_loop3A_126], %broadcast_in_dim3A_1 {add = true} : memref<1024xi32, #tpu.memory_space<vmem>>[vector<16xi32>], vector<16xi32>,
        %parallel_loop3A_127 = arith.index_cast %parallel_loop3A_108 : i32 to index
        %parallel_loop3A_128 = arith.constant 96 : index
        %parallel_loop3A_129 = tpu.vector_load %arg6[%parallel_loop3A_127, %parallel_loop3A_128] {strides = array<i32>} : memref<896x128xi32, #tpu.memory_space<vmem>>, vector<16xi32>,
        tpu.vector_store_idx %arg8[%parallel_loop3A_129], %broadcast_in_dim3A_1 {add = true} : memref<1024xi32, #tpu.memory_space<vmem>>[vector<16xi32>], vector<16xi32>,
        %parallel_loop3A_130 = arith.index_cast %parallel_loop3A_108 : i32 to index
        %parallel_loop3A_131 = arith.constant 112 : index
        %parallel_loop3A_132 = tpu.vector_load %arg6[%parallel_loop3A_130, %parallel_loop3A_131] {strides = array<i32>} : memref<896x128xi32, #tpu.memory_space<vmem>>, vector<16xi32>,
        tpu.vector_store_idx %arg8[%parallel_loop3A_132], %broadcast_in_dim3A_1 {add = true} : memref<1024xi32, #tpu.memory_space<vmem>>[vector<16xi32>], vector<16xi32>,
      } {sc.loop_unroll_factor = 1 : i64, sc.parallel_access}
      %scan3A_76 = arith.constant 0 : i32
      %scan3A_77 = arith.constant 64 : i32
      %scan3A_78 = arith.constant 0 : i32
      %scan3A_79 = arith.constant 64 : i32
      %scan3A_80 = arith.addi %scan3A_78, %scan3A_79 : i32
      %scan3A_81 = arith.constant 1 : i32
      %scan3A_82:2 = scf.for %scan3A_108 = %scan3A_78 to %scan3A_80 step %scan3A_81 iter_args(%scan3A_109 = %scan3A_76, %scan3A_110 = %scan3A_77) -> (i32, i32)  : i32 {
        %mul3A_111 = arith.constant 16 : i32
        %mul3A_112 = arith.muli %scan3A_108, %mul3A_111 : i32
        %get3A_113 = arith.index_cast %mul3A_112 : i32 to index
        %get3A_114 = tpu.vector_load %arg8[%get3A_113] {strides = array<i32>} : memref<1024xi32, #tpu.memory_space<vmem>>, vector<16xi32>,
        %reduce_sum3A = arith.constant true
        %reduce_sum3A_115 = vector.broadcast %reduce_sum3A : i1 to vector<16xi1>
        %reduce_sum3A_116 = tpu.scan <sum>, %get3A_114 masked %reduce_sum3A_115 : vector<16xi32>, vector<16xi1> -> vector<16xi32>
        %reduce_sum3A_117 = vector.extract %reduce_sum3A_116[15] : i32 from vector<16xi32>
        %mul3A_118 = arith.constant 16 : i32
        %mul3A_119 = arith.muli %scan3A_108, %mul3A_118 : i32
        %swap3A = arith.index_cast %mul3A_119 : i32 to index
        %swap3A_120 = tpu.vector_load %arg8[%swap3A] {strides = array<i32>} : memref<1024xi32, #tpu.memory_space<vmem>>, vector<16xi32>,
        tpu.vector_store %arg8[%swap3A], %broadcast_in_dim3A_3 {strides = array<i32>} : memref<1024xi32, #tpu.memory_space<vmem>>, vector<16xi32>,
        %swap3A_121 = arith.index_cast %scan3A_108 : i32 to index
        %swap3A_122 = memref.load %arg15[%swap3A_121] : memref<64xi32, #tpu.memory_space<smem>>
        memref.store %scan3A_109, %arg15[%swap3A_121] : memref<64xi32, #tpu.memory_space<smem>>
        %add3A_123 = arith.addi %scan3A_109, %reduce_sum3A_117 : i32
        %eq3A_124 = arith.constant 64 : i32
        %eq3A_125 = arith.cmpi eq, %scan3A_110, %eq3A_124 : i32
        %ge3A = arith.constant 64 : i32
        %ge3A_126 = arith.cmpi sge, %add3A_123, %ge3A : i32
        %and3A = arith.andi %eq3A_125, %ge3A_126 : i1
        %select_n3A = arith.select %and3A, %scan3A_108, %scan3A_110 : i32
        scf.yield %add3A_123, %select_n3A : i32, i32
      }
      %scan3A_83 = arith.constant 64 : i32
      %get3A = arith.index_cast %scan3A_82#1 : i32 to index
      %get3A_84 = memref.load %arg15[%get3A] : memref<64xi32, #tpu.memory_space<smem>>
      %sub3A = arith.constant 64 : i32
      %sub3A_85 = arith.subi %sub3A, %get3A_84 : i32
      %broadcast_in_dim3A_86 = vector.broadcast %scan3A_82#1 : i32 to vector<16xi32>
      %while3A_87 = arith.constant 0 : i32
      %while3A_88 = arith.constant 0 : i32
      %while3A_89 = arith.constant 0 : i32
      %while3A_90:3 = scf.while (%while3A_108 = %while3A_87, %while3A_109 = %while3A_88, %while3A_110 = %while3A_89) : (i32, i32, i32) -> (i32, i32, i32) {
        %lt3A = arith.cmpi slt, %while3A_108, %scan3A_53 : i32
        %lt3A_111 = arith.cmpi slt, %while3A_109, %get3A_84 : i32
        %lt3A_112 = arith.cmpi slt, %while3A_110, %sub3A_85 : i32
        %or3A = arith.ori %lt3A_111, %lt3A_112 : i1
        %and3A = arith.andi %lt3A, %or3A : i1
        scf.condition(%and3A) %while3A_108, %while3A_109, %while3A_110 : i32, i32, i32
      } do {
      ^bb0(%while3A_108: i32, %while3A_109: i32, %while3A_110: i32):
        %get3A_111 = arith.index_cast %while3A_108 : i32 to index
        %get3A_112 = tpu.vector_load %arg9[%get3A_111] {strides = array<i32>} : memref<912xi32, #tpu.memory_space<vmem>>, vector<16xi32>,
        %slice3A = vector.extract_strided_slice %get3A_112 {offsets = [0], sizes = [1], strides = [1]} : vector<16xi32> to vector<1xi32>
        %squeeze3A = vector.extract %slice3A[0] : i32 from vector<1xi32>
        %get3A_113 = arith.index_cast %while3A_108 : i32 to index
        %get3A_114 = arith.constant 0 : index
        %get3A_115 = tpu.vector_load %arg6[%get3A_113, %get3A_114] {strides = array<i32>} : memref<896x128xi32, #tpu.memory_space<vmem>>, vector<16xi32>,
        %shift_right_logical3A = arith.constant 4 : i32
        %shift_right_logical3A_116 = vector.broadcast %shift_right_logical3A : i32 to vector<16xi32>
        %shift_right_logical3A_117 = arith.shrui %get3A_115, %shift_right_logical3A_116 : vector<16xi32>
        %mul3A_118 = arith.constant 131072 : i32
        %mul3A_119 = vector.broadcast %mul3A_118 : i32 to vector<16xi32>
        %mul3A_120 = arith.muli %shift_right_logical3A_117, %mul3A_119 : vector<16xi32>
        %mul3A_121 = arith.constant 128 : i32
        %mul3A_122 = arith.muli %squeeze3A, %mul3A_121 : i32
        %add3A_123 = arith.constant 0 : i32
        %add3A_124 = arith.addi %mul3A_122, %add3A_123 : i32
        %add3A_125 = vector.broadcast %add3A_124 : i32 to vector<16xi32>
        %add3A_126 = arith.addi %add3A_125, %iota3A : vector<16xi32>
        %add3A_127 = arith.addi %mul3A_120, %add3A_126 : vector<16xi32>
        %lt3A = arith.cmpi slt, %shift_right_logical3A_117, %broadcast_in_dim3A_86 : vector<16xi32>
        %swap3A = arith.index_cast %while3A_109 : i32 to index
        %swap3A_128 = tpu.vector_load %arg11[%swap3A] masked %lt3A {strides = array<i32>} : memref<96xi32, #tpu.memory_space<vmem>>, vector<16xi32>, vector<16xi1>
        tpu.vector_store %arg11[%swap3A], %add3A_127 masked %lt3A {strides = array<i32>} : memref<96xi32, #tpu.memory_space<vmem>>, vector<16xi32>, vector<16xi1>
        %convert_element_type3A_129 = arith.extui %lt3A : vector<16xi1> to vector<16xi32>
        %reduce_sum3A = arith.constant true
        %reduce_sum3A_130 = vector.broadcast %reduce_sum3A : i1 to vector<16xi1>
        %reduce_sum3A_131 = tpu.scan <sum>, %convert_element_type3A_129 masked %reduce_sum3A_130 : vector<16xi32>, vector<16xi1> -> vector<16xi32>
        %reduce_sum3A_132 = vector.extract %reduce_sum3A_131[15] : i32 from vector<16xi32>
        %add3A_133 = arith.addi %while3A_109, %reduce_sum3A_132 : i32
        %lt3A_134 = arith.cmpi slt, %while3A_110, %sub3A_85 : i32
        %broadcast_in_dim3A_135 = vector.broadcast %lt3A_134 : i1 to vector<16xi1>
        %eq3A_136 = arith.cmpi eq, %shift_right_logical3A_117, %broadcast_in_dim3A_86 : vector<16xi32>
        %and3A = arith.andi %eq3A_136, %broadcast_in_dim3A_135 : vector<16xi1>
        %swap3A_137 = arith.index_cast %while3A_110 : i32 to index
        %swap3A_138 = tpu.vector_load %arg12[%swap3A_137] masked %and3A {strides = array<i32>} : memref<96xi32, #tpu.memory_space<vmem>>, vector<16xi32>, vector<16xi1>
        tpu.vector_store %arg12[%swap3A_137], %add3A_127 masked %and3A {strides = array<i32>} : memref<96xi32, #tpu.memory_space<vmem>>, vector<16xi32>, vector<16xi1>
        %convert_element_type3A_139 = arith.extui %and3A : vector<16xi1> to vector<16xi32>
        %reduce_sum3A_140 = arith.constant true
        %reduce_sum3A_141 = vector.broadcast %reduce_sum3A_140 : i1 to vector<16xi1>
        %reduce_sum3A_142 = tpu.scan <sum>, %convert_element_type3A_139 masked %reduce_sum3A_141 : vector<16xi32>, vector<16xi1> -> vector<16xi32>
        %reduce_sum3A_143 = vector.extract %reduce_sum3A_142[15] : i32 from vector<16xi32>
        %add3A_144 = arith.addi %while3A_110, %reduce_sum3A_143 : i32
        %get3A_145 = arith.index_cast %while3A_108 : i32 to index
        %get3A_146 = arith.constant 16 : index
        %get3A_147 = tpu.vector_load %arg6[%get3A_145, %get3A_146] {strides = array<i32>} : memref<896x128xi32, #tpu.memory_space<vmem>>, vector<16xi32>,
        %shift_right_logical3A_148 = arith.constant 4 : i32
        %shift_right_logical3A_149 = vector.broadcast %shift_right_logical3A_148 : i32 to vector<16xi32>
        %shift_right_logical3A_150 = arith.shrui %get3A_147, %shift_right_logical3A_149 : vector<16xi32>
        %mul3A_151 = arith.constant 131072 : i32
        %mul3A_152 = vector.broadcast %mul3A_151 : i32 to vector<16xi32>
        %mul3A_153 = arith.muli %shift_right_logical3A_150, %mul3A_152 : vector<16xi32>
        %mul3A_154 = arith.constant 128 : i32
        %mul3A_155 = arith.muli %squeeze3A, %mul3A_154 : i32
        %add3A_156 = arith.constant 16 : i32
        %add3A_157 = arith.addi %mul3A_155, %add3A_156 : i32
        %add3A_158 = vector.broadcast %add3A_157 : i32 to vector<16xi32>
        %add3A_159 = arith.addi %add3A_158, %iota3A : vector<16xi32>
        %add3A_160 = arith.addi %mul3A_153, %add3A_159 : vector<16xi32>
        %lt3A_161 = arith.cmpi slt, %shift_right_logical3A_150, %broadcast_in_dim3A_86 : vector<16xi32>
        %swap3A_162 = arith.index_cast %add3A_133 : i32 to index
        %swap3A_163 = tpu.vector_load %arg11[%swap3A_162] masked %lt3A_161 {strides = array<i32>} : memref<96xi32, #tpu.memory_space<vmem>>, vector<16xi32>, vector<16xi1>
        tpu.vector_store %arg11[%swap3A_162], %add3A_160 masked %lt3A_161 {strides = array<i32>} : memref<96xi32, #tpu.memory_space<vmem>>, vector<16xi32>, vector<16xi1>
        %convert_element_type3A_164 = arith.extui %lt3A_161 : vector<16xi1> to vector<16xi32>
        %reduce_sum3A_165 = arith.constant true
        %reduce_sum3A_166 = vector.broadcast %reduce_sum3A_165 : i1 to vector<16xi1>
        %reduce_sum3A_167 = tpu.scan <sum>, %convert_element_type3A_164 masked %reduce_sum3A_166 : vector<16xi32>, vector<16xi1> -> vector<16xi32>
        %reduce_sum3A_168 = vector.extract %reduce_sum3A_167[15] : i32 from vector<16xi32>
        %add3A_169 = arith.addi %add3A_133, %reduce_sum3A_168 : i32
        %lt3A_170 = arith.cmpi slt, %add3A_144, %sub3A_85 : i32
        %broadcast_in_dim3A_171 = vector.broadcast %lt3A_170 : i1 to vector<16xi1>
        %eq3A_172 = arith.cmpi eq, %shift_right_logical3A_150, %broadcast_in_dim3A_86 : vector<16xi32>
        %and3A_173 = arith.andi %eq3A_172, %broadcast_in_dim3A_171 : vector<16xi1>
        %swap3A_174 = arith.index_cast %add3A_144 : i32 to index
        %swap3A_175 = tpu.vector_load %arg12[%swap3A_174] masked %and3A_173 {strides = array<i32>} : memref<96xi32, #tpu.memory_space<vmem>>, vector<16xi32>, vector<16xi1>
        tpu.vector_store %arg12[%swap3A_174], %add3A_160 masked %and3A_173 {strides = array<i32>} : memref<96xi32, #tpu.memory_space<vmem>>, vector<16xi32>, vector<16xi1>
        %convert_element_type3A_176 = arith.extui %and3A_173 : vector<16xi1> to vector<16xi32>
        %reduce_sum3A_177 = arith.constant true
        %reduce_sum3A_178 = vector.broadcast %reduce_sum3A_177 : i1 to vector<16xi1>
        %reduce_sum3A_179 = tpu.scan <sum>, %convert_element_type3A_176 masked %reduce_sum3A_178 : vector<16xi32>, vector<16xi1> -> vector<16xi32>
        %reduce_sum3A_180 = vector.extract %reduce_sum3A_179[15] : i32 from vector<16xi32>
        %add3A_181 = arith.addi %add3A_144, %reduce_sum3A_180 : i32
        %get3A_182 = arith.index_cast %while3A_108 : i32 to index
        %get3A_183 = arith.constant 32 : index
        %get3A_184 = tpu.vector_load %arg6[%get3A_182, %get3A_183] {strides = array<i32>} : memref<896x128xi32, #tpu.memory_space<vmem>>, vector<16xi32>,
        %shift_right_logical3A_185 = arith.constant 4 : i32
        %shift_right_logical3A_186 = vector.broadcast %shift_right_logical3A_185 : i32 to vector<16xi32>
        %shift_right_logical3A_187 = arith.shrui %get3A_184, %shift_right_logical3A_186 : vector<16xi32>
        %mul3A_188 = arith.constant 131072 : i32
        %mul3A_189 = vector.broadcast %mul3A_188 : i32 to vector<16xi32>
        %mul3A_190 = arith.muli %shift_right_logical3A_187, %mul3A_189 : vector<16xi32>
        %mul3A_191 = arith.constant 128 : i32
        %mul3A_192 = arith.muli %squeeze3A, %mul3A_191 : i32
        %add3A_193 = arith.constant 32 : i32
        %add3A_194 = arith.addi %mul3A_192, %add3A_193 : i32
        %add3A_195 = vector.broadcast %add3A_194 : i32 to vector<16xi32>
        %add3A_196 = arith.addi %add3A_195, %iota3A : vector<16xi32>
        %add3A_197 = arith.addi %mul3A_190, %add3A_196 : vector<16xi32>
        %lt3A_198 = arith.cmpi slt, %shift_right_logical3A_187, %broadcast_in_dim3A_86 : vector<16xi32>
        %swap3A_199 = arith.index_cast %add3A_169 : i32 to index
        %swap3A_200 = tpu.vector_load %arg11[%swap3A_199] masked %lt3A_198 {strides = array<i32>} : memref<96xi32, #tpu.memory_space<vmem>>, vector<16xi32>, vector<16xi1>
        tpu.vector_store %arg11[%swap3A_199], %add3A_197 masked %lt3A_198 {strides = array<i32>} : memref<96xi32, #tpu.memory_space<vmem>>, vector<16xi32>, vector<16xi1>
        %convert_element_type3A_201 = arith.extui %lt3A_198 : vector<16xi1> to vector<16xi32>
        %reduce_sum3A_202 = arith.constant true
        %reduce_sum3A_203 = vector.broadcast %reduce_sum3A_202 : i1 to vector<16xi1>
        %reduce_sum3A_204 = tpu.scan <sum>, %convert_element_type3A_201 masked %reduce_sum3A_203 : vector<16xi32>, vector<16xi1> -> vector<16xi32>
        %reduce_sum3A_205 = vector.extract %reduce_sum3A_204[15] : i32 from vector<16xi32>
        %add3A_206 = arith.addi %add3A_169, %reduce_sum3A_205 : i32
        %lt3A_207 = arith.cmpi slt, %add3A_181, %sub3A_85 : i32
        %broadcast_in_dim3A_208 = vector.broadcast %lt3A_207 : i1 to vector<16xi1>
        %eq3A_209 = arith.cmpi eq, %shift_right_logical3A_187, %broadcast_in_dim3A_86 : vector<16xi32>
        %and3A_210 = arith.andi %eq3A_209, %broadcast_in_dim3A_208 : vector<16xi1>
        %swap3A_211 = arith.index_cast %add3A_181 : i32 to index
        %swap3A_212 = tpu.vector_load %arg12[%swap3A_211] masked %and3A_210 {strides = array<i32>} : memref<96xi32, #tpu.memory_space<vmem>>, vector<16xi32>, vector<16xi1>
        tpu.vector_store %arg12[%swap3A_211], %add3A_197 masked %and3A_210 {strides = array<i32>} : memref<96xi32, #tpu.memory_space<vmem>>, vector<16xi32>, vector<16xi1>
        %convert_element_type3A_213 = arith.extui %and3A_210 : vector<16xi1> to vector<16xi32>
        %reduce_sum3A_214 = arith.constant true
        %reduce_sum3A_215 = vector.broadcast %reduce_sum3A_214 : i1 to vector<16xi1>
        %reduce_sum3A_216 = tpu.scan <sum>, %convert_element_type3A_213 masked %reduce_sum3A_215 : vector<16xi32>, vector<16xi1> -> vector<16xi32>
        %reduce_sum3A_217 = vector.extract %reduce_sum3A_216[15] : i32 from vector<16xi32>
        %add3A_218 = arith.addi %add3A_181, %reduce_sum3A_217 : i32
        %get3A_219 = arith.index_cast %while3A_108 : i32 to index
        %get3A_220 = arith.constant 48 : index
        %get3A_221 = tpu.vector_load %arg6[%get3A_219, %get3A_220] {strides = array<i32>} : memref<896x128xi32, #tpu.memory_space<vmem>>, vector<16xi32>,
        %shift_right_logical3A_222 = arith.constant 4 : i32
        %shift_right_logical3A_223 = vector.broadcast %shift_right_logical3A_222 : i32 to vector<16xi32>
        %shift_right_logical3A_224 = arith.shrui %get3A_221, %shift_right_logical3A_223 : vector<16xi32>
        %mul3A_225 = arith.constant 131072 : i32
        %mul3A_226 = vector.broadcast %mul3A_225 : i32 to vector<16xi32>
        %mul3A_227 = arith.muli %shift_right_logical3A_224, %mul3A_226 : vector<16xi32>
        %mul3A_228 = arith.constant 128 : i32
        %mul3A_229 = arith.muli %squeeze3A, %mul3A_228 : i32
        %add3A_230 = arith.constant 48 : i32
        %add3A_231 = arith.addi %mul3A_229, %add3A_230 : i32
        %add3A_232 = vector.broadcast %add3A_231 : i32 to vector<16xi32>
        %add3A_233 = arith.addi %add3A_232, %iota3A : vector<16xi32>
        %add3A_234 = arith.addi %mul3A_227, %add3A_233 : vector<16xi32>
        %lt3A_235 = arith.cmpi slt, %shift_right_logical3A_224, %broadcast_in_dim3A_86 : vector<16xi32>
        %swap3A_236 = arith.index_cast %add3A_206 : i32 to index
        %swap3A_237 = tpu.vector_load %arg11[%swap3A_236] masked %lt3A_235 {strides = array<i32>} : memref<96xi32, #tpu.memory_space<vmem>>, vector<16xi32>, vector<16xi1>
        tpu.vector_store %arg11[%swap3A_236], %add3A_234 masked %lt3A_235 {strides = array<i32>} : memref<96xi32, #tpu.memory_space<vmem>>, vector<16xi32>, vector<16xi1>
        %convert_element_type3A_238 = arith.extui %lt3A_235 : vector<16xi1> to vector<16xi32>
        %reduce_sum3A_239 = arith.constant true
        %reduce_sum3A_240 = vector.broadcast %reduce_sum3A_239 : i1 to vector<16xi1>
        %reduce_sum3A_241 = tpu.scan <sum>, %convert_element_type3A_238 masked %reduce_sum3A_240 : vector<16xi32>, vector<16xi1> -> vector<16xi32>
        %reduce_sum3A_242 = vector.extract %reduce_sum3A_241[15] : i32 from vector<16xi32>
        %add3A_243 = arith.addi %add3A_206, %reduce_sum3A_242 : i32
        %lt3A_244 = arith.cmpi slt, %add3A_218, %sub3A_85 : i32
        %broadcast_in_dim3A_245 = vector.broadcast %lt3A_244 : i1 to vector<16xi1>
        %eq3A_246 = arith.cmpi eq, %shift_right_logical3A_224, %broadcast_in_dim3A_86 : vector<16xi32>
        %and3A_247 = arith.andi %eq3A_246, %broadcast_in_dim3A_245 : vector<16xi1>
        %swap3A_248 = arith.index_cast %add3A_218 : i32 to index
        %swap3A_249 = tpu.vector_load %arg12[%swap3A_248] masked %and3A_247 {strides = array<i32>} : memref<96xi32, #tpu.memory_space<vmem>>, vector<16xi32>, vector<16xi1>
        tpu.vector_store %arg12[%swap3A_248], %add3A_234 masked %and3A_247 {strides = array<i32>} : memref<96xi32, #tpu.memory_space<vmem>>, vector<16xi32>, vector<16xi1>
        %convert_element_type3A_250 = arith.extui %and3A_247 : vector<16xi1> to vector<16xi32>
        %reduce_sum3A_251 = arith.constant true
        %reduce_sum3A_252 = vector.broadcast %reduce_sum3A_251 : i1 to vector<16xi1>
        %reduce_sum3A_253 = tpu.scan <sum>, %convert_element_type3A_250 masked %reduce_sum3A_252 : vector<16xi32>, vector<16xi1> -> vector<16xi32>
        %reduce_sum3A_254 = vector.extract %reduce_sum3A_253[15] : i32 from vector<16xi32>
        %add3A_255 = arith.addi %add3A_218, %reduce_sum3A_254 : i32
        %get3A_256 = arith.index_cast %while3A_108 : i32 to index
        %get3A_257 = arith.constant 64 : index
        %get3A_258 = tpu.vector_load %arg6[%get3A_256, %get3A_257] {strides = array<i32>} : memref<896x128xi32, #tpu.memory_space<vmem>>, vector<16xi32>,
        %shift_right_logical3A_259 = arith.constant 4 : i32
        %shift_right_logical3A_260 = vector.broadcast %shift_right_logical3A_259 : i32 to vector<16xi32>
        %shift_right_logical3A_261 = arith.shrui %get3A_258, %shift_right_logical3A_260 : vector<16xi32>
        %mul3A_262 = arith.constant 131072 : i32
        %mul3A_263 = vector.broadcast %mul3A_262 : i32 to vector<16xi32>
        %mul3A_264 = arith.muli %shift_right_logical3A_261, %mul3A_263 : vector<16xi32>
        %mul3A_265 = arith.constant 128 : i32
        %mul3A_266 = arith.muli %squeeze3A, %mul3A_265 : i32
        %add3A_267 = arith.constant 64 : i32
        %add3A_268 = arith.addi %mul3A_266, %add3A_267 : i32
        %add3A_269 = vector.broadcast %add3A_268 : i32 to vector<16xi32>
        %add3A_270 = arith.addi %add3A_269, %iota3A : vector<16xi32>
        %add3A_271 = arith.addi %mul3A_264, %add3A_270 : vector<16xi32>
        %lt3A_272 = arith.cmpi slt, %shift_right_logical3A_261, %broadcast_in_dim3A_86 : vector<16xi32>
        %swap3A_273 = arith.index_cast %add3A_243 : i32 to index
        %swap3A_274 = tpu.vector_load %arg11[%swap3A_273] masked %lt3A_272 {strides = array<i32>} : memref<96xi32, #tpu.memory_space<vmem>>, vector<16xi32>, vector<16xi1>
        tpu.vector_store %arg11[%swap3A_273], %add3A_271 masked %lt3A_272 {strides = array<i32>} : memref<96xi32, #tpu.memory_space<vmem>>, vector<16xi32>, vector<16xi1>
        %convert_element_type3A_275 = arith.extui %lt3A_272 : vector<16xi1> to vector<16xi32>
        %reduce_sum3A_276 = arith.constant true
        %reduce_sum3A_277 = vector.broadcast %reduce_sum3A_276 : i1 to vector<16xi1>
        %reduce_sum3A_278 = tpu.scan <sum>, %convert_element_type3A_275 masked %reduce_sum3A_277 : vector<16xi32>, vector<16xi1> -> vector<16xi32>
        %reduce_sum3A_279 = vector.extract %reduce_sum3A_278[15] : i32 from vector<16xi32>
        %add3A_280 = arith.addi %add3A_243, %reduce_sum3A_279 : i32
        %lt3A_281 = arith.cmpi slt, %add3A_255, %sub3A_85 : i32
        %broadcast_in_dim3A_282 = vector.broadcast %lt3A_281 : i1 to vector<16xi1>
        %eq3A_283 = arith.cmpi eq, %shift_right_logical3A_261, %broadcast_in_dim3A_86 : vector<16xi32>
        %and3A_284 = arith.andi %eq3A_283, %broadcast_in_dim3A_282 : vector<16xi1>
        %swap3A_285 = arith.index_cast %add3A_255 : i32 to index
        %swap3A_286 = tpu.vector_load %arg12[%swap3A_285] masked %and3A_284 {strides = array<i32>} : memref<96xi32, #tpu.memory_space<vmem>>, vector<16xi32>, vector<16xi1>
        tpu.vector_store %arg12[%swap3A_285], %add3A_271 masked %and3A_284 {strides = array<i32>} : memref<96xi32, #tpu.memory_space<vmem>>, vector<16xi32>, vector<16xi1>
        %convert_element_type3A_287 = arith.extui %and3A_284 : vector<16xi1> to vector<16xi32>
        %reduce_sum3A_288 = arith.constant true
        %reduce_sum3A_289 = vector.broadcast %reduce_sum3A_288 : i1 to vector<16xi1>
        %reduce_sum3A_290 = tpu.scan <sum>, %convert_element_type3A_287 masked %reduce_sum3A_289 : vector<16xi32>, vector<16xi1> -> vector<16xi32>
        %reduce_sum3A_291 = vector.extract %reduce_sum3A_290[15] : i32 from vector<16xi32>
        %add3A_292 = arith.addi %add3A_255, %reduce_sum3A_291 : i32
        %get3A_293 = arith.index_cast %while3A_108 : i32 to index
        %get3A_294 = arith.constant 80 : index
        %get3A_295 = tpu.vector_load %arg6[%get3A_293, %get3A_294] {strides = array<i32>} : memref<896x128xi32, #tpu.memory_space<vmem>>, vector<16xi32>,
        %shift_right_logical3A_296 = arith.constant 4 : i32
        %shift_right_logical3A_297 = vector.broadcast %shift_right_logical3A_296 : i32 to vector<16xi32>
        %shift_right_logical3A_298 = arith.shrui %get3A_295, %shift_right_logical3A_297 : vector<16xi32>
        %mul3A_299 = arith.constant 131072 : i32
        %mul3A_300 = vector.broadcast %mul3A_299 : i32 to vector<16xi32>
        %mul3A_301 = arith.muli %shift_right_logical3A_298, %mul3A_300 : vector<16xi32>
        %mul3A_302 = arith.constant 128 : i32
        %mul3A_303 = arith.muli %squeeze3A, %mul3A_302 : i32
        %add3A_304 = arith.constant 80 : i32
        %add3A_305 = arith.addi %mul3A_303, %add3A_304 : i32
        %add3A_306 = vector.broadcast %add3A_305 : i32 to vector<16xi32>
        %add3A_307 = arith.addi %add3A_306, %iota3A : vector<16xi32>
        %add3A_308 = arith.addi %mul3A_301, %add3A_307 : vector<16xi32>
        %lt3A_309 = arith.cmpi slt, %shift_right_logical3A_298, %broadcast_in_dim3A_86 : vector<16xi32>
        %swap3A_310 = arith.index_cast %add3A_280 : i32 to index
        %swap3A_311 = tpu.vector_load %arg11[%swap3A_310] masked %lt3A_309 {strides = array<i32>} : memref<96xi32, #tpu.memory_space<vmem>>, vector<16xi32>, vector<16xi1>
        tpu.vector_store %arg11[%swap3A_310], %add3A_308 masked %lt3A_309 {strides = array<i32>} : memref<96xi32, #tpu.memory_space<vmem>>, vector<16xi32>, vector<16xi1>
        %convert_element_type3A_312 = arith.extui %lt3A_309 : vector<16xi1> to vector<16xi32>
        %reduce_sum3A_313 = arith.constant true
        %reduce_sum3A_314 = vector.broadcast %reduce_sum3A_313 : i1 to vector<16xi1>
        %reduce_sum3A_315 = tpu.scan <sum>, %convert_element_type3A_312 masked %reduce_sum3A_314 : vector<16xi32>, vector<16xi1> -> vector<16xi32>
        %reduce_sum3A_316 = vector.extract %reduce_sum3A_315[15] : i32 from vector<16xi32>
        %add3A_317 = arith.addi %add3A_280, %reduce_sum3A_316 : i32
        %lt3A_318 = arith.cmpi slt, %add3A_292, %sub3A_85 : i32
        %broadcast_in_dim3A_319 = vector.broadcast %lt3A_318 : i1 to vector<16xi1>
        %eq3A_320 = arith.cmpi eq, %shift_right_logical3A_298, %broadcast_in_dim3A_86 : vector<16xi32>
        %and3A_321 = arith.andi %eq3A_320, %broadcast_in_dim3A_319 : vector<16xi1>
        %swap3A_322 = arith.index_cast %add3A_292 : i32 to index
        %swap3A_323 = tpu.vector_load %arg12[%swap3A_322] masked %and3A_321 {strides = array<i32>} : memref<96xi32, #tpu.memory_space<vmem>>, vector<16xi32>, vector<16xi1>
        tpu.vector_store %arg12[%swap3A_322], %add3A_308 masked %and3A_321 {strides = array<i32>} : memref<96xi32, #tpu.memory_space<vmem>>, vector<16xi32>, vector<16xi1>
        %convert_element_type3A_324 = arith.extui %and3A_321 : vector<16xi1> to vector<16xi32>
        %reduce_sum3A_325 = arith.constant true
        %reduce_sum3A_326 = vector.broadcast %reduce_sum3A_325 : i1 to vector<16xi1>
        %reduce_sum3A_327 = tpu.scan <sum>, %convert_element_type3A_324 masked %reduce_sum3A_326 : vector<16xi32>, vector<16xi1> -> vector<16xi32>
        %reduce_sum3A_328 = vector.extract %reduce_sum3A_327[15] : i32 from vector<16xi32>
        %add3A_329 = arith.addi %add3A_292, %reduce_sum3A_328 : i32
        %get3A_330 = arith.index_cast %while3A_108 : i32 to index
        %get3A_331 = arith.constant 96 : index
        %get3A_332 = tpu.vector_load %arg6[%get3A_330, %get3A_331] {strides = array<i32>} : memref<896x128xi32, #tpu.memory_space<vmem>>, vector<16xi32>,
        %shift_right_logical3A_333 = arith.constant 4 : i32
        %shift_right_logical3A_334 = vector.broadcast %shift_right_logical3A_333 : i32 to vector<16xi32>
        %shift_right_logical3A_335 = arith.shrui %get3A_332, %shift_right_logical3A_334 : vector<16xi32>
        %mul3A_336 = arith.constant 131072 : i32
        %mul3A_337 = vector.broadcast %mul3A_336 : i32 to vector<16xi32>
        %mul3A_338 = arith.muli %shift_right_logical3A_335, %mul3A_337 : vector<16xi32>
        %mul3A_339 = arith.constant 128 : i32
        %mul3A_340 = arith.muli %squeeze3A, %mul3A_339 : i32
        %add3A_341 = arith.constant 96 : i32
        %add3A_342 = arith.addi %mul3A_340, %add3A_341 : i32
        %add3A_343 = vector.broadcast %add3A_342 : i32 to vector<16xi32>
        %add3A_344 = arith.addi %add3A_343, %iota3A : vector<16xi32>
        %add3A_345 = arith.addi %mul3A_338, %add3A_344 : vector<16xi32>
        %lt3A_346 = arith.cmpi slt, %shift_right_logical3A_335, %broadcast_in_dim3A_86 : vector<16xi32>
        %swap3A_347 = arith.index_cast %add3A_317 : i32 to index
        %swap3A_348 = tpu.vector_load %arg11[%swap3A_347] masked %lt3A_346 {strides = array<i32>} : memref<96xi32, #tpu.memory_space<vmem>>, vector<16xi32>, vector<16xi1>
        tpu.vector_store %arg11[%swap3A_347], %add3A_345 masked %lt3A_346 {strides = array<i32>} : memref<96xi32, #tpu.memory_space<vmem>>, vector<16xi32>, vector<16xi1>
        %convert_element_type3A_349 = arith.extui %lt3A_346 : vector<16xi1> to vector<16xi32>
        %reduce_sum3A_350 = arith.constant true
        %reduce_sum3A_351 = vector.broadcast %reduce_sum3A_350 : i1 to vector<16xi1>
        %reduce_sum3A_352 = tpu.scan <sum>, %convert_element_type3A_349 masked %reduce_sum3A_351 : vector<16xi32>, vector<16xi1> -> vector<16xi32>
        %reduce_sum3A_353 = vector.extract %reduce_sum3A_352[15] : i32 from vector<16xi32>
        %add3A_354 = arith.addi %add3A_317, %reduce_sum3A_353 : i32
        %lt3A_355 = arith.cmpi slt, %add3A_329, %sub3A_85 : i32
        %broadcast_in_dim3A_356 = vector.broadcast %lt3A_355 : i1 to vector<16xi1>
        %eq3A_357 = arith.cmpi eq, %shift_right_logical3A_335, %broadcast_in_dim3A_86 : vector<16xi32>
        %and3A_358 = arith.andi %eq3A_357, %broadcast_in_dim3A_356 : vector<16xi1>
        %swap3A_359 = arith.index_cast %add3A_329 : i32 to index
        %swap3A_360 = tpu.vector_load %arg12[%swap3A_359] masked %and3A_358 {strides = array<i32>} : memref<96xi32, #tpu.memory_space<vmem>>, vector<16xi32>, vector<16xi1>
        tpu.vector_store %arg12[%swap3A_359], %add3A_345 masked %and3A_358 {strides = array<i32>} : memref<96xi32, #tpu.memory_space<vmem>>, vector<16xi32>, vector<16xi1>
        %convert_element_type3A_361 = arith.extui %and3A_358 : vector<16xi1> to vector<16xi32>
        %reduce_sum3A_362 = arith.constant true
        %reduce_sum3A_363 = vector.broadcast %reduce_sum3A_362 : i1 to vector<16xi1>
        %reduce_sum3A_364 = tpu.scan <sum>, %convert_element_type3A_361 masked %reduce_sum3A_363 : vector<16xi32>, vector<16xi1> -> vector<16xi32>
        %reduce_sum3A_365 = vector.extract %reduce_sum3A_364[15] : i32 from vector<16xi32>
        %add3A_366 = arith.addi %add3A_329, %reduce_sum3A_365 : i32
        %get3A_367 = arith.index_cast %while3A_108 : i32 to index
        %get3A_368 = arith.constant 112 : index
        %get3A_369 = tpu.vector_load %arg6[%get3A_367, %get3A_368] {strides = array<i32>} : memref<896x128xi32, #tpu.memory_space<vmem>>, vector<16xi32>,
        %shift_right_logical3A_370 = arith.constant 4 : i32
        %shift_right_logical3A_371 = vector.broadcast %shift_right_logical3A_370 : i32 to vector<16xi32>
        %shift_right_logical3A_372 = arith.shrui %get3A_369, %shift_right_logical3A_371 : vector<16xi32>
        %mul3A_373 = arith.constant 131072 : i32
        %mul3A_374 = vector.broadcast %mul3A_373 : i32 to vector<16xi32>
        %mul3A_375 = arith.muli %shift_right_logical3A_372, %mul3A_374 : vector<16xi32>
        %mul3A_376 = arith.constant 128 : i32
        %mul3A_377 = arith.muli %squeeze3A, %mul3A_376 : i32
        %add3A_378 = arith.constant 112 : i32
        %add3A_379 = arith.addi %mul3A_377, %add3A_378 : i32
        %add3A_380 = vector.broadcast %add3A_379 : i32 to vector<16xi32>
        %add3A_381 = arith.addi %add3A_380, %iota3A : vector<16xi32>
        %add3A_382 = arith.addi %mul3A_375, %add3A_381 : vector<16xi32>
        %lt3A_383 = arith.cmpi slt, %shift_right_logical3A_372, %broadcast_in_dim3A_86 : vector<16xi32>
        %swap3A_384 = arith.index_cast %add3A_354 : i32 to index
        %swap3A_385 = tpu.vector_load %arg11[%swap3A_384] masked %lt3A_383 {strides = array<i32>} : memref<96xi32, #tpu.memory_space<vmem>>, vector<16xi32>, vector<16xi1>
        tpu.vector_store %arg11[%swap3A_384], %add3A_382 masked %lt3A_383 {strides = array<i32>} : memref<96xi32, #tpu.memory_space<vmem>>, vector<16xi32>, vector<16xi1>
        %convert_element_type3A_386 = arith.extui %lt3A_383 : vector<16xi1> to vector<16xi32>
        %reduce_sum3A_387 = arith.constant true
        %reduce_sum3A_388 = vector.broadcast %reduce_sum3A_387 : i1 to vector<16xi1>
        %reduce_sum3A_389 = tpu.scan <sum>, %convert_element_type3A_386 masked %reduce_sum3A_388 : vector<16xi32>, vector<16xi1> -> vector<16xi32>
        %reduce_sum3A_390 = vector.extract %reduce_sum3A_389[15] : i32 from vector<16xi32>
        %add3A_391 = arith.addi %add3A_354, %reduce_sum3A_390 : i32
        %lt3A_392 = arith.cmpi slt, %add3A_366, %sub3A_85 : i32
        %broadcast_in_dim3A_393 = vector.broadcast %lt3A_392 : i1 to vector<16xi1>
        %eq3A_394 = arith.cmpi eq, %shift_right_logical3A_372, %broadcast_in_dim3A_86 : vector<16xi32>
        %and3A_395 = arith.andi %eq3A_394, %broadcast_in_dim3A_393 : vector<16xi1>
        %swap3A_396 = arith.index_cast %add3A_366 : i32 to index
        %swap3A_397 = tpu.vector_load %arg12[%swap3A_396] masked %and3A_395 {strides = array<i32>} : memref<96xi32, #tpu.memory_space<vmem>>, vector<16xi32>, vector<16xi1>
        tpu.vector_store %arg12[%swap3A_396], %add3A_382 masked %and3A_395 {strides = array<i32>} : memref<96xi32, #tpu.memory_space<vmem>>, vector<16xi32>, vector<16xi1>
        %convert_element_type3A_398 = arith.extui %and3A_395 : vector<16xi1> to vector<16xi32>
        %reduce_sum3A_399 = arith.constant true
        %reduce_sum3A_400 = vector.broadcast %reduce_sum3A_399 : i1 to vector<16xi1>
        %reduce_sum3A_401 = tpu.scan <sum>, %convert_element_type3A_398 masked %reduce_sum3A_400 : vector<16xi32>, vector<16xi1> -> vector<16xi32>
        %reduce_sum3A_402 = vector.extract %reduce_sum3A_401[15] : i32 from vector<16xi32>
        %add3A_403 = arith.addi %add3A_366, %reduce_sum3A_402 : i32
        %add3A_404 = arith.constant 1 : i32
        %add3A_405 = arith.addi %while3A_108, %add3A_404 : i32
        scf.yield %add3A_405, %add3A_391, %add3A_403 : i32, i32, i32
      }
      %while3A_91 = arith.constant 0 : i32
      %while3A_92 = arith.constant 0 : i32
      %while3A_93 = arith.subi %get3A_84, %while3A_92 : i32
      %while3A_94 = arith.addi %while3A_92, %while3A_93 : i32
      %while3A_95 = arith.constant 1 : i32
      %while3A_96 = arith.divsi %while3A_93, %while3A_95 : i32
      %while3A_97 = arith.muli %while3A_96, %while3A_95 : i32
      %while3A_98 = arith.addi %while3A_92, %while3A_97 : i32
      %while3A_99 = arith.constant 1 : i32
      scf.for %while3A_108 = %while3A_92 to %while3A_98 step %while3A_99  : i32 {
        %get3A_109 = arith.index_cast %while3A_108 : i32 to index
        %get3A_110 = tpu.vector_load %arg11[%get3A_109] {strides = array<i32>} : memref<96xi32, #tpu.memory_space<vmem>>, vector<16xi32>,
        %slice3A = vector.extract_strided_slice %get3A_110 {offsets = [0], sizes = [1], strides = [1]} : vector<16xi32> to vector<1xi32>
        %squeeze3A = vector.extract %slice3A[0] : i32 from vector<1xi32>
        %shift_right_logical3A = arith.constant 17 : i32
        %shift_right_logical3A_111 = arith.shrui %squeeze3A, %shift_right_logical3A : i32
        %get3A_112 = arith.index_cast %shift_right_logical3A_111 : i32 to index
        %get3A_113 = memref.load %arg15[%get3A_112] : memref<64xi32, #tpu.memory_space<smem>>
        %add3A_114 = arith.constant 1 : i32
        %add3A_115 = arith.addi %get3A_113, %add3A_114 : i32
        %swap3A = arith.index_cast %shift_right_logical3A_111 : i32 to index
        %swap3A_116 = memref.load %arg15[%swap3A] : memref<64xi32, #tpu.memory_space<smem>>
        memref.store %add3A_115, %arg15[%swap3A] : memref<64xi32, #tpu.memory_space<smem>>
        %add3A_117 = arith.addi %mul3A_32, %get3A_113 : i32
        %broadcast_in_dim3A_118 = vector.broadcast %add3A_117 : i32 to vector<16xi32>
        %and3A = arith.constant 131071 : i32
        %and3A_119 = arith.andi %squeeze3A, %and3A : i32
        %broadcast_in_dim3A_120 = vector.broadcast %and3A_119 : i32 to vector<16xi32>
        tpu.vector_store_idx %arg13[%broadcast_in_dim3A_118], %broadcast_in_dim3A_120 masked %eq3A_5 : memref<544xi32, #tpu.memory_space<vmem>>[vector<16xi32>], vector<16xi32>, vector<16xi1>
        %convert_element_type3A_121 = arith.sitofp %shift_right_logical3A_111 : i32 to f32
        %broadcast_in_dim3A_122 = vector.broadcast %convert_element_type3A_121 : f32 to vector<16xf32>
        tpu.vector_store_idx %arg14[%broadcast_in_dim3A_118], %broadcast_in_dim3A_122 masked %eq3A_5 : memref<544xf32, #tpu.memory_space<vmem>>[vector<16xi32>], vector<16xf32>, vector<16xi1>
      }
      %while3A_100 = arith.constant 1 : i32
      scf.for %while3A_108 = %while3A_98 to %while3A_94 step %while3A_100  : i32 {
        %get3A_109 = arith.index_cast %while3A_108 : i32 to index
        %get3A_110 = tpu.vector_load %arg11[%get3A_109] {strides = array<i32>} : memref<96xi32, #tpu.memory_space<vmem>>, vector<16xi32>,
        %slice3A = vector.extract_strided_slice %get3A_110 {offsets = [0], sizes = [1], strides = [1]} : vector<16xi32> to vector<1xi32>
        %squeeze3A = vector.extract %slice3A[0] : i32 from vector<1xi32>
        %shift_right_logical3A = arith.constant 17 : i32
        %shift_right_logical3A_111 = arith.shrui %squeeze3A, %shift_right_logical3A : i32
        %get3A_112 = arith.index_cast %shift_right_logical3A_111 : i32 to index
        %get3A_113 = memref.load %arg15[%get3A_112] : memref<64xi32, #tpu.memory_space<smem>>
        %add3A_114 = arith.constant 1 : i32
        %add3A_115 = arith.addi %get3A_113, %add3A_114 : i32
        %swap3A = arith.index_cast %shift_right_logical3A_111 : i32 to index
        %swap3A_116 = memref.load %arg15[%swap3A] : memref<64xi32, #tpu.memory_space<smem>>
        memref.store %add3A_115, %arg15[%swap3A] : memref<64xi32, #tpu.memory_space<smem>>
        %add3A_117 = arith.addi %mul3A_32, %get3A_113 : i32
        %broadcast_in_dim3A_118 = vector.broadcast %add3A_117 : i32 to vector<16xi32>
        %and3A = arith.constant 131071 : i32
        %and3A_119 = arith.andi %squeeze3A, %and3A : i32
        %broadcast_in_dim3A_120 = vector.broadcast %and3A_119 : i32 to vector<16xi32>
        tpu.vector_store_idx %arg13[%broadcast_in_dim3A_118], %broadcast_in_dim3A_120 masked %eq3A_5 : memref<544xi32, #tpu.memory_space<vmem>>[vector<16xi32>], vector<16xi32>, vector<16xi1>
        %convert_element_type3A_121 = arith.sitofp %shift_right_logical3A_111 : i32 to f32
        %broadcast_in_dim3A_122 = vector.broadcast %convert_element_type3A_121 : f32 to vector<16xf32>
        tpu.vector_store_idx %arg14[%broadcast_in_dim3A_118], %broadcast_in_dim3A_122 masked %eq3A_5 : memref<544xf32, #tpu.memory_space<vmem>>[vector<16xi32>], vector<16xf32>, vector<16xi1>
      }
      %convert_element_type3A = arith.sitofp %scan3A_82#1 : i32 to f32
      %broadcast_in_dim3A_101 = vector.broadcast %convert_element_type3A : f32 to vector<16xf32>
      %scan3A_102 = arith.constant 0 : i32
      %scan3A_103 = arith.constant 0 : i32
      %scan3A_104 = arith.constant 4 : i32
      %scan3A_105 = arith.addi %scan3A_103, %scan3A_104 : i32
      %scan3A_106 = arith.constant 1 : i32
      scf.for %scan3A_108 = %scan3A_103 to %scan3A_105 step %scan3A_106  : i32 {
        %mul3A_109 = arith.constant 16 : i32
        %mul3A_110 = arith.muli %scan3A_108, %mul3A_109 : i32
        %get3A_111 = arith.index_cast %mul3A_110 : i32 to index
        %get3A_112 = tpu.vector_load %arg12[%get3A_111] {strides = array<i32>} : memref<96xi32, #tpu.memory_space<vmem>>, vector<16xi32>,
        %mul3A_113 = arith.constant 16 : i32
        %mul3A_114 = arith.muli %scan3A_108, %mul3A_113 : i32
        %add3A_115 = vector.broadcast %mul3A_114 : i32 to vector<16xi32>
        %add3A_116 = arith.addi %add3A_115, %iota3A : vector<16xi32>
        %lt3A = vector.broadcast %sub3A_85 : i32 to vector<16xi32>
        %lt3A_117 = arith.cmpi slt, %add3A_116, %lt3A : vector<16xi32>
        %add3A_118 = arith.addi %mul3A_32, %get3A_84 : i32
        %mul3A_119 = arith.constant 16 : i32
        %mul3A_120 = arith.muli %scan3A_108, %mul3A_119 : i32
        %add3A_121 = arith.addi %add3A_118, %mul3A_120 : i32
        %and3A = arith.constant 131071 : i32
        %and3A_122 = vector.broadcast %and3A : i32 to vector<16xi32>
        %and3A_123 = arith.andi %get3A_112, %and3A_122 : vector<16xi32>
        %swap3A = arith.index_cast %add3A_121 : i32 to index
        %swap3A_124 = tpu.vector_load %arg13[%swap3A] masked %lt3A_117 {strides = array<i32>} : memref<544xi32, #tpu.memory_space<vmem>>, vector<16xi32>, vector<16xi1>
        tpu.vector_store %arg13[%swap3A], %and3A_123 masked %lt3A_117 {strides = array<i32>} : memref<544xi32, #tpu.memory_space<vmem>>, vector<16xi32>, vector<16xi1>
        %add3A_125 = arith.addi %mul3A_32, %get3A_84 : i32
        %mul3A_126 = arith.constant 16 : i32
        %mul3A_127 = arith.muli %scan3A_108, %mul3A_126 : i32
        %add3A_128 = arith.addi %add3A_125, %mul3A_127 : i32
        %swap3A_129 = arith.index_cast %add3A_128 : i32 to index
        %swap3A_130 = tpu.vector_load %arg14[%swap3A_129] masked %lt3A_117 {strides = array<i32>} : memref<544xf32, #tpu.memory_space<vmem>>, vector<16xf32>, vector<16xi1>
        tpu.vector_store %arg14[%swap3A_129], %broadcast_in_dim3A_101 masked %lt3A_117 {strides = array<i32>} : memref<544xf32, #tpu.memory_space<vmem>>, vector<16xf32>, vector<16xi1>
      }
      %scan3A_107 = arith.constant 4 : i32
    }
    %scan3A_18 = arith.constant 4 : i32
    %mul3A_19 = arith.constant 4 : i32
    %mul3A_20 = arith.muli %add3A, %mul3A_19 : i32
    %mul3A_21 = arith.constant 128 : i32
    %mul3A_22 = arith.muli %mul3A_20, %mul3A_21 : i32
    "tpu.region"() ({
      %run_scoped3A = tpu.sem_alloc : memref<!tpu.dma_semaphore, #tpu.memory_space<semaphore_mem>>
      %dma_start3A = arith.constant 0 : i32
      %dma_start3A_27 = tpu.memref_slice %arg13[%dma_start3A] : memref<544xi32, #tpu.memory_space<vmem>> -> memref<512xi32, #tpu.memory_space<vmem>>
      %dma_start3A_28 = tpu.memref_slice %arg4[%mul3A_22] : memref<16384xi32, #tpu.memory_space<hbm>> -> memref<512xi32, #tpu.memory_space<hbm>>
      %dma_start3A_29 = tpu.memref_slice %arg4[%mul3A_22] : memref<16384xi32, #tpu.memory_space<hbm>> -> memref<512xi32, #tpu.memory_space<hbm>>
      %dma_start3A_30 = arith.constant 0 : i32
      %dma_start3A_31 = tpu.memref_slice %arg13[%dma_start3A_30] : memref<544xi32, #tpu.memory_space<vmem>> -> memref<512xi32, #tpu.memory_space<vmem>>
      tpu.enqueue_dma source(%dma_start3A_31 : memref<512xi32, #tpu.memory_space<vmem>>) target(%dma_start3A_29 : memref<512xi32, #tpu.memory_space<hbm>>) target_semaphore(%run_scoped3A : memref<!tpu.dma_semaphore, #tpu.memory_space<semaphore_mem>>)
      %dma_wait3A = arith.constant 0 : i32
      %dma_wait3A_32 = tpu.memref_slice %arg13[%dma_wait3A] : memref<544xi32, #tpu.memory_space<vmem>> -> memref<512xi32, #tpu.memory_space<vmem>>
      %dma_wait3A_33 = tpu.memref_slice %arg4[%mul3A_22] : memref<16384xi32, #tpu.memory_space<hbm>> -> memref<512xi32, #tpu.memory_space<hbm>>
      %dma_wait3A_34 = tpu.memref_slice %arg4[%mul3A_22] : memref<16384xi32, #tpu.memory_space<hbm>> -> memref<512xi32, #tpu.memory_space<hbm>>
      %dma_wait3A_35 = arith.constant 0 : i32
      %dma_wait3A_36 = tpu.memref_slice %arg13[%dma_wait3A_35] : memref<544xi32, #tpu.memory_space<vmem>> -> memref<512xi32, #tpu.memory_space<vmem>>
      tpu.wait_dma2 semaphore(%run_scoped3A : memref<!tpu.dma_semaphore, #tpu.memory_space<semaphore_mem>>) src(%dma_wait3A_36 : memref<512xi32, #tpu.memory_space<vmem>>) dst(%dma_wait3A_34 : memref<512xi32, #tpu.memory_space<hbm>>)
      tpu.yield
    }) : () -> ()
    %mul3A_23 = arith.constant 4 : i32
    %mul3A_24 = arith.muli %add3A, %mul3A_23 : i32
    %mul3A_25 = arith.constant 128 : i32
    %mul3A_26 = arith.muli %mul3A_24, %mul3A_25 : i32
    "tpu.region"() ({
      %run_scoped3A = tpu.sem_alloc : memref<!tpu.dma_semaphore, #tpu.memory_space<semaphore_mem>>
      %dma_start3A = arith.constant 0 : i32
      %dma_start3A_27 = tpu.memref_slice %arg14[%dma_start3A] : memref<544xf32, #tpu.memory_space<vmem>> -> memref<512xf32, #tpu.memory_space<vmem>>
      %dma_start3A_28 = tpu.memref_slice %arg5[%mul3A_26] : memref<16384xf32, #tpu.memory_space<hbm>> -> memref<512xf32, #tpu.memory_space<hbm>>
      %dma_start3A_29 = tpu.memref_slice %arg5[%mul3A_26] : memref<16384xf32, #tpu.memory_space<hbm>> -> memref<512xf32, #tpu.memory_space<hbm>>
      %dma_start3A_30 = arith.constant 0 : i32
      %dma_start3A_31 = tpu.memref_slice %arg14[%dma_start3A_30] : memref<544xf32, #tpu.memory_space<vmem>> -> memref<512xf32, #tpu.memory_space<vmem>>
      tpu.enqueue_dma source(%dma_start3A_31 : memref<512xf32, #tpu.memory_space<vmem>>) target(%dma_start3A_29 : memref<512xf32, #tpu.memory_space<hbm>>) target_semaphore(%run_scoped3A : memref<!tpu.dma_semaphore, #tpu.memory_space<semaphore_mem>>)
      %dma_wait3A = arith.constant 0 : i32
      %dma_wait3A_32 = tpu.memref_slice %arg14[%dma_wait3A] : memref<544xf32, #tpu.memory_space<vmem>> -> memref<512xf32, #tpu.memory_space<vmem>>
      %dma_wait3A_33 = tpu.memref_slice %arg5[%mul3A_26] : memref<16384xf32, #tpu.memory_space<hbm>> -> memref<512xf32, #tpu.memory_space<hbm>>
      %dma_wait3A_34 = tpu.memref_slice %arg5[%mul3A_26] : memref<16384xf32, #tpu.memory_space<hbm>> -> memref<512xf32, #tpu.memory_space<hbm>>
      %dma_wait3A_35 = arith.constant 0 : i32
      %dma_wait3A_36 = tpu.memref_slice %arg14[%dma_wait3A_35] : memref<544xf32, #tpu.memory_space<vmem>> -> memref<512xf32, #tpu.memory_space<vmem>>
      tpu.wait_dma2 semaphore(%run_scoped3A : memref<!tpu.dma_semaphore, #tpu.memory_space<semaphore_mem>>) src(%dma_wait3A_36 : memref<512xf32, #tpu.memory_space<vmem>>) dst(%dma_wait3A_34 : memref<512xf32, #tpu.memory_space<hbm>>)
      tpu.yield
    }) : () -> ()
    return
  }
}

#map = affine_map<(d0, d1) -> (0, 0)>
#map1 = affine_map<(d0, d1) -> (0)>
module attributes {stable_mosaic.version = 14 : i64} {
  func.func @_select(%arg0: i32, %arg1: i32, %arg2: memref<106496x128xi32, #tpu.memory_space<hbm>>, %arg3: memref<128x896xi32, #tpu.memory_space<hbm>>, %arg4: memref<16384xi32, #tpu.memory_space<hbm>>, %arg5: memref<16384xf32, #tpu.memory_space<hbm>>, %arg6: memref<896x128xi32, #tpu.memory_space<vmem>>, %arg7: memref<4x896xi32, #tpu.memory_space<vmem>>, %arg8: memref<1024xi32, #tpu.memory_space<vmem>>, %arg9: memref<912xi32, #tpu.memory_space<vmem>>, %arg10: memref<912xi32, #tpu.memory_space<vmem>>, %arg11: memref<96xi32, #tpu.memory_space<vmem>>, %arg12: memref<96xi32, #tpu.memory_space<vmem>>, %arg13: memref<544xi32, #tpu.memory_space<vmem>>, %arg14: memref<544xf32, #tpu.memory_space<vmem>>, %arg15: memref<64xi32, #tpu.memory_space<smem>>, %arg16: memref<!tpu.dma_semaphore, #tpu.memory_space<semaphore_mem>>) attributes {dimension_semantics = [#tpu.dimension_semantics<core_parallel>, #tpu.dimension_semantics<subcore_parallel>], iteration_bounds = array<i64: 2, 16>, scalar_prefetch = 0 : i64, scratch_operands = 11 : i64, tpu.core_type = #tpu.core_type<sc_vector_subcore>, window_params = [{transform_indices = #map}, {transform_indices = #map}, {transform_indices = #map1}, {transform_indices = #map1}]} {
    %mul3A = arith.constant 2 : i32
    %mul3A_0 = arith.muli %arg1, %mul3A : i32
    %add3A = arith.addi %mul3A_0, %arg0 : i32
    %iota3A = tpu.iota {dimensions = array<i32: 0>} : vector<16xi32>
    %broadcast_in_dim3A = arith.constant 1 : i32
    %broadcast_in_dim3A_1 = vector.broadcast %broadcast_in_dim3A : i32 to vector<16xi32>
    %broadcast_in_dim3A_2 = arith.constant 0 : i32
    %broadcast_in_dim3A_3 = vector.broadcast %broadcast_in_dim3A_2 : i32 to vector<16xi32>
    %eq3A = arith.constant 0 : i32
    %eq3A_4 = vector.broadcast %eq3A : i32 to vector<16xi32>
    %eq3A_5 = arith.cmpi eq, %iota3A, %eq3A_4 : vector<16xi32>
    %scan3A = arith.constant 0 : i32
    %scan3A_6 = arith.constant 0 : i32
    %scan3A_7 = arith.constant 64 : i32
    %scan3A_8 = arith.addi %scan3A_6, %scan3A_7 : i32
    %scan3A_9 = arith.constant 1 : i32
    scf.for %scan3A_27 = %scan3A_6 to %scan3A_8 step %scan3A_9  : i32 {
      %mul3A_28 = arith.constant 16 : i32
      %mul3A_29 = arith.muli %scan3A_27, %mul3A_28 : i32
      %swap3A = arith.index_cast %mul3A_29 : i32 to index
      %swap3A_30 = tpu.vector_load %arg8[%swap3A] {strides = array<i32>} : memref<1024xi32, #tpu.memory_space<vmem>>, vector<16xi32>,
      tpu.vector_store %arg8[%swap3A], %broadcast_in_dim3A_3 {strides = array<i32>} : memref<1024xi32, #tpu.memory_space<vmem>>, vector<16xi32>,
    }
    %scan3A_10 = arith.constant 64 : i32
    %mul3A_11 = arith.constant 4 : i32
    %mul3A_12 = arith.muli %add3A, %mul3A_11 : i32
    "tpu.region"() ({
      %run_scoped3A = tpu.sem_alloc : memref<!tpu.dma_semaphore, #tpu.memory_space<semaphore_mem>>
      %dma_start3A = arith.constant 0 : i32
      %dma_start3A_27 = tpu.memref_slice %arg3[%mul3A_12, %dma_start3A] : memref<128x896xi32, #tpu.memory_space<hbm>> -> memref<4x896xi32, #tpu.memory_space<hbm>>
      %dma_start3A_28 = arith.constant 0 : i32
      %dma_start3A_29 = tpu.memref_slice %arg3[%mul3A_12, %dma_start3A_28] : memref<128x896xi32, #tpu.memory_space<hbm>> -> memref<4x896xi32, #tpu.memory_space<hbm>>
      tpu.enqueue_dma source(%dma_start3A_29 : memref<4x896xi32, #tpu.memory_space<hbm>>) target(%arg7 : memref<4x896xi32, #tpu.memory_space<vmem>>) target_semaphore(%run_scoped3A : memref<!tpu.dma_semaphore, #tpu.memory_space<semaphore_mem>>)
      %dma_wait3A = arith.constant 0 : i32
      %dma_wait3A_30 = tpu.memref_slice %arg3[%mul3A_12, %dma_wait3A] : memref<128x896xi32, #tpu.memory_space<hbm>> -> memref<4x896xi32, #tpu.memory_space<hbm>>
      %dma_wait3A_31 = arith.constant 0 : i32
      %dma_wait3A_32 = tpu.memref_slice %arg3[%mul3A_12, %dma_wait3A_31] : memref<128x896xi32, #tpu.memory_space<hbm>> -> memref<4x896xi32, #tpu.memory_space<hbm>>
      tpu.wait_dma2 semaphore(%run_scoped3A : memref<!tpu.dma_semaphore, #tpu.memory_space<semaphore_mem>>) src(%dma_wait3A_32 : memref<4x896xi32, #tpu.memory_space<hbm>>) dst(%arg7 : memref<4x896xi32, #tpu.memory_space<vmem>>)
      tpu.yield
    }) : () -> ()
    %scan3A_13 = arith.constant 0 : i32
    %scan3A_14 = arith.constant 0 : i32
    %scan3A_15 = arith.constant 4 : i32
    %scan3A_16 = arith.addi %scan3A_14, %scan3A_15 : i32
    %scan3A_17 = arith.constant 1 : i32
    scf.for %scan3A_27 = %scan3A_14 to %scan3A_16 step %scan3A_17  : i32 {
      %mul3A_28 = arith.constant 4 : i32
      %mul3A_29 = arith.muli %add3A, %mul3A_28 : i32
      %add3A_30 = arith.addi %mul3A_29, %scan3A_27 : i32
      %mul3A_31 = arith.constant 128 : i32
      %mul3A_32 = arith.muli %scan3A_27, %mul3A_31 : i32
      %parallel_loop3A = arith.constant 0 : i32
      %parallel_loop3A_33 = arith.constant 56 : i32
      %parallel_loop3A_34 = arith.constant 1 : i32
      scf.for %parallel_loop3A_108 = %parallel_loop3A to %parallel_loop3A_33 step %parallel_loop3A_34  : i32 {
        %parallel_loop3A_109 = arith.constant 16 : i32
        %parallel_loop3A_110 = arith.muli %parallel_loop3A_108, %parallel_loop3A_109 : i32
        %parallel_loop3A_111 = arith.index_cast %scan3A_27 : i32 to index
        %parallel_loop3A_112 = arith.index_cast %parallel_loop3A_110 : i32 to index
        %parallel_loop3A_113 = tpu.vector_load %arg7[%parallel_loop3A_111, %parallel_loop3A_112] {strides = array<i32>} : memref<4x896xi32, #tpu.memory_space<vmem>>, vector<16xi32>,
        %parallel_loop3A_114 = arith.constant 4 : i32
        %parallel_loop3A_115 = vector.broadcast %parallel_loop3A_114 : i32 to vector<16xi32>
        %parallel_loop3A_116 = arith.shrsi %parallel_loop3A_113, %parallel_loop3A_115 : vector<16xi32>
        %parallel_loop3A_117 = arith.constant 4 : i32
        %parallel_loop3A_118 = vector.broadcast %parallel_loop3A_117 : i32 to vector<16xi32>
        %parallel_loop3A_119 = arith.shli %parallel_loop3A_116, %parallel_loop3A_118 : vector<16xi32>
        %parallel_loop3A_120 = arith.addi %parallel_loop3A_119, %iota3A : vector<16xi32>
        tpu.vector_store_idx %arg8[%parallel_loop3A_120], %broadcast_in_dim3A_1 {add = true} : memref<1024xi32, #tpu.memory_space<vmem>>[vector<16xi32>], vector<16xi32>,
      } {sc.loop_unroll_factor = 1 : i64, sc.parallel_access}
      %scan3A_35 = arith.constant 0 : i32
      %scan3A_36 = arith.constant 64 : i32
      %scan3A_37 = arith.constant 0 : i32
      %scan3A_38 = arith.constant 64 : i32
      %scan3A_39 = arith.addi %scan3A_37, %scan3A_38 : i32
      %scan3A_40 = arith.constant 1 : i32
      %scan3A_41:2 = scf.for %scan3A_108 = %scan3A_37 to %scan3A_39 step %scan3A_40 iter_args(%scan3A_109 = %scan3A_35, %scan3A_110 = %scan3A_36) -> (i32, i32)  : i32 {
        %mul3A_111 = arith.constant 16 : i32
        %mul3A_112 = arith.muli %scan3A_108, %mul3A_111 : i32
        %get3A_113 = arith.index_cast %mul3A_112 : i32 to index
        %get3A_114 = tpu.vector_load %arg8[%get3A_113] {strides = array<i32>} : memref<1024xi32, #tpu.memory_space<vmem>>, vector<16xi32>,
        %reduce_sum3A = arith.constant true
        %reduce_sum3A_115 = vector.broadcast %reduce_sum3A : i1 to vector<16xi1>
        %reduce_sum3A_116 = tpu.scan <sum>, %get3A_114 masked %reduce_sum3A_115 : vector<16xi32>, vector<16xi1> -> vector<16xi32>
        %reduce_sum3A_117 = vector.extract %reduce_sum3A_116[15] : i32 from vector<16xi32>
        %mul3A_118 = arith.constant 16 : i32
        %mul3A_119 = arith.muli %scan3A_108, %mul3A_118 : i32
        %swap3A = arith.index_cast %mul3A_119 : i32 to index
        %swap3A_120 = tpu.vector_load %arg8[%swap3A] {strides = array<i32>} : memref<1024xi32, #tpu.memory_space<vmem>>, vector<16xi32>,
        tpu.vector_store %arg8[%swap3A], %broadcast_in_dim3A_3 {strides = array<i32>} : memref<1024xi32, #tpu.memory_space<vmem>>, vector<16xi32>,
        %add3A_121 = arith.addi %scan3A_109, %reduce_sum3A_117 : i32
        %eq3A_122 = arith.constant 64 : i32
        %eq3A_123 = arith.cmpi eq, %scan3A_110, %eq3A_122 : i32
        %ge3A = arith.constant 64 : i32
        %ge3A_124 = arith.cmpi sge, %add3A_121, %ge3A : i32
        %and3A = arith.andi %eq3A_123, %ge3A_124 : i1
        %select_n3A = arith.select %and3A, %scan3A_108, %scan3A_110 : i32
        scf.yield %add3A_121, %select_n3A : i32, i32
      }
      %scan3A_42 = arith.constant 64 : i32
      %mul3A_43 = arith.constant 16 : i32
      %mul3A_44 = arith.muli %scan3A_41#1, %mul3A_43 : i32
      %add3A_45 = arith.constant 15 : i32
      %add3A_46 = arith.addi %mul3A_44, %add3A_45 : i32
      %broadcast_in_dim3A_47 = vector.broadcast %add3A_46 : i32 to vector<16xi32>
      %scan3A_48 = arith.constant 0 : i32
      %scan3A_49 = arith.constant 0 : i32
      %scan3A_50 = arith.constant 56 : i32
      %scan3A_51 = arith.addi %scan3A_49, %scan3A_50 : i32
      %scan3A_52 = arith.constant 1 : i32
      %scan3A_53 = scf.for %scan3A_108 = %scan3A_49 to %scan3A_51 step %scan3A_52 iter_args(%scan3A_109 = %scan3A_48) -> (i32)  : i32 {
        %mul3A_110 = arith.constant 16 : i32
        %mul3A_111 = arith.muli %scan3A_108, %mul3A_110 : i32
        %get3A_112 = arith.index_cast %scan3A_27 : i32 to index
        %get3A_113 = arith.index_cast %mul3A_111 : i32 to index
        %get3A_114 = tpu.vector_load %arg7[%get3A_112, %get3A_113] {strides = array<i32>} : memref<4x896xi32, #tpu.memory_space<vmem>>, vector<16xi32>,
        %le3A = arith.cmpi sle, %get3A_114, %broadcast_in_dim3A_47 : vector<16xi32>
        %mul3A_115 = arith.constant 16 : i32
        %mul3A_116 = arith.muli %scan3A_108, %mul3A_115 : i32
        %add3A_117 = vector.broadcast %mul3A_116 : i32 to vector<16xi32>
        %add3A_118 = arith.addi %add3A_117, %iota3A : vector<16xi32>
        %swap3A = arith.index_cast %scan3A_109 : i32 to index
        %swap3A_119 = tpu.vector_load %arg9[%swap3A] masked %le3A {strides = array<i32>} : memref<912xi32, #tpu.memory_space<vmem>>, vector<16xi32>, vector<16xi1>
        tpu.vector_store %arg9[%swap3A], %add3A_118 masked %le3A {strides = array<i32>} : memref<912xi32, #tpu.memory_space<vmem>>, vector<16xi32>, vector<16xi1>
        %convert_element_type3A_120 = arith.extui %le3A : vector<16xi1> to vector<16xi32>
        %reduce_sum3A = arith.constant true
        %reduce_sum3A_121 = vector.broadcast %reduce_sum3A : i1 to vector<16xi1>
        %reduce_sum3A_122 = tpu.scan <sum>, %convert_element_type3A_120 masked %reduce_sum3A_121 : vector<16xi32>, vector<16xi1> -> vector<16xi32>
        %reduce_sum3A_123 = vector.extract %reduce_sum3A_122[15] : i32 from vector<16xi32>
        %add3A_124 = arith.addi %scan3A_109, %reduce_sum3A_123 : i32
        scf.yield %add3A_124 : i32
      }
      %scan3A_54 = arith.constant 56 : i32
      %mul3A_55 = arith.constant 832 : i32
      %mul3A_56 = arith.muli %add3A_30, %mul3A_55 : i32
      %broadcast_in_dim3A_57 = vector.broadcast %mul3A_56 : i32 to vector<16xi32>
      %broadcast_in_dim3A_58 = vector.broadcast %scan3A_53 : i32 to vector<16xi32>
      %parallel_loop3A_59 = arith.constant 0 : i32
      %parallel_loop3A_60 = arith.constant 56 : i32
      %parallel_loop3A_61 = arith.constant 1 : i32
      scf.for %parallel_loop3A_108 = %parallel_loop3A_59 to %parallel_loop3A_60 step %parallel_loop3A_61  : i32 {
        %parallel_loop3A_109 = arith.constant 16 : i32
        %parallel_loop3A_110 = arith.muli %parallel_loop3A_108, %parallel_loop3A_109 : i32
        %parallel_loop3A_111 = vector.broadcast %parallel_loop3A_110 : i32 to vector<16xi32>
        %parallel_loop3A_112 = arith.addi %parallel_loop3A_111, %iota3A : vector<16xi32>
        %parallel_loop3A_113 = arith.cmpi slt, %parallel_loop3A_112, %broadcast_in_dim3A_58 : vector<16xi32>
        %parallel_loop3A_114 = arith.constant 16 : i32
        %parallel_loop3A_115 = arith.muli %parallel_loop3A_108, %parallel_loop3A_114 : i32
        %parallel_loop3A_116 = arith.index_cast %parallel_loop3A_115 : i32 to index
        %parallel_loop3A_117 = tpu.vector_load %arg9[%parallel_loop3A_116] {strides = array<i32>} : memref<912xi32, #tpu.memory_space<vmem>>, vector<16xi32>,
        %parallel_loop3A_118 = arith.addi %parallel_loop3A_117, %broadcast_in_dim3A_57 : vector<16xi32>
        %parallel_loop3A_119 = arith.select %parallel_loop3A_113, %parallel_loop3A_118, %broadcast_in_dim3A_57 : vector<16xi1>, vector<16xi32>
        %parallel_loop3A_120 = arith.constant 16 : i32
        %parallel_loop3A_121 = arith.muli %parallel_loop3A_108, %parallel_loop3A_120 : i32
        %parallel_loop3A_122 = arith.index_cast %parallel_loop3A_121 : i32 to index
        %parallel_loop3A_123 = tpu.vector_load %arg10[%parallel_loop3A_122] {strides = array<i32>} : memref<912xi32, #tpu.memory_space<vmem>>, vector<16xi32>,
        tpu.vector_store %arg10[%parallel_loop3A_122], %parallel_loop3A_119 {strides = array<i32>} : memref<912xi32, #tpu.memory_space<vmem>>, vector<16xi32>,
      } {sc.loop_unroll_factor = 1 : i64, sc.parallel_access}
      %add3A_62 = arith.constant 127 : i32
      %add3A_63 = arith.addi %scan3A_53, %add3A_62 : i32
      %shift_right_arithmetic3A = arith.constant 7 : i32
      %shift_right_arithmetic3A_64 = arith.shrsi %add3A_63, %shift_right_arithmetic3A : i32
      %while3A = arith.constant 0 : i32
      %while3A_65 = arith.constant 0 : i32
      %while3A_66 = arith.subi %shift_right_arithmetic3A_64, %while3A_65 : i32
      %while3A_67 = arith.addi %while3A_65, %while3A_66 : i32
      %while3A_68 = arith.constant 1 : i32
      %while3A_69 = arith.divsi %while3A_66, %while3A_68 : i32
      %while3A_70 = arith.muli %while3A_69, %while3A_68 : i32
      %while3A_71 = arith.addi %while3A_65, %while3A_70 : i32
      %while3A_72 = arith.constant 1 : i32
      scf.for %while3A_108 = %while3A_65 to %while3A_71 step %while3A_72  : i32 {
        %mul3A_109 = arith.constant 128 : i32
        %mul3A_110 = arith.muli %while3A_108, %mul3A_109 : i32
        %mul3A_111 = arith.constant 128 : i32
        %mul3A_112 = arith.muli %while3A_108, %mul3A_111 : i32
        %dma_start3A = arith.constant 0 : i32
        %dma_start3A_113 = tpu.memref_slice %arg6[%mul3A_112, %dma_start3A] : memref<896x128xi32, #tpu.memory_space<vmem>> -> memref<128x128xi32, #tpu.memory_space<vmem>>
        %dma_start3A_114 = tpu.memref_slice %arg10[%mul3A_110] : memref<912xi32, #tpu.memory_space<vmem>> -> memref<128xi32, #tpu.memory_space<vmem>>
        %dma_start3A_115 = arith.constant 0 : i32
        %dma_start3A_116 = arith.constant 0 : i32
        %dma_start3A_117 = tpu.memref_slice %arg2[%dma_start3A_115, %dma_start3A_116] : memref<106496x128xi32, #tpu.memory_space<hbm>> -> memref<106496x128xi32, #tpu.memory_space<hbm>>
        tpu.enqueue_indirect_dma source(%dma_start3A_117 : memref<106496x128xi32, #tpu.memory_space<hbm>>) target(%dma_start3A_113 : memref<128x128xi32, #tpu.memory_space<vmem>>) offsets(%dma_start3A_114 : memref<128xi32, #tpu.memory_space<vmem>>) semaphore(%arg16 : memref<!tpu.dma_semaphore, #tpu.memory_space<semaphore_mem>>)
        %dma_wait3A = arith.constant 0 : i32
        %dma_wait3A_118 = tpu.memref_slice %arg6[%mul3A_112, %dma_wait3A] : memref<896x128xi32, #tpu.memory_space<vmem>> -> memref<128x128xi32, #tpu.memory_space<vmem>>
        %dma_wait3A_119 = tpu.memref_slice %arg10[%mul3A_110] : memref<912xi32, #tpu.memory_space<vmem>> -> memref<128xi32, #tpu.memory_space<vmem>>
        %dma_wait3A_120 = arith.constant 0 : i32
        %dma_wait3A_121 = arith.constant 0 : i32
        %dma_wait3A_122 = tpu.memref_slice %arg2[%dma_wait3A_120, %dma_wait3A_121] : memref<106496x128xi32, #tpu.memory_space<hbm>> -> memref<106496x128xi32, #tpu.memory_space<hbm>>
        tpu.wait_indirect_dma semaphore(%arg16 : memref<!tpu.dma_semaphore, #tpu.memory_space<semaphore_mem>>) src(%dma_wait3A_122 : memref<106496x128xi32, #tpu.memory_space<hbm>>) dst(%dma_wait3A_118 : memref<128x128xi32, #tpu.memory_space<vmem>>)
      }
      %while3A_73 = arith.constant 1 : i32
      scf.for %while3A_108 = %while3A_71 to %while3A_67 step %while3A_73  : i32 {
        %mul3A_109 = arith.constant 128 : i32
        %mul3A_110 = arith.muli %while3A_108, %mul3A_109 : i32
        %mul3A_111 = arith.constant 128 : i32
        %mul3A_112 = arith.muli %while3A_108, %mul3A_111 : i32
        %dma_start3A = arith.constant 0 : i32
        %dma_start3A_113 = tpu.memref_slice %arg6[%mul3A_112, %dma_start3A] : memref<896x128xi32, #tpu.memory_space<vmem>> -> memref<128x128xi32, #tpu.memory_space<vmem>>
        %dma_start3A_114 = tpu.memref_slice %arg10[%mul3A_110] : memref<912xi32, #tpu.memory_space<vmem>> -> memref<128xi32, #tpu.memory_space<vmem>>
        %dma_start3A_115 = arith.constant 0 : i32
        %dma_start3A_116 = arith.constant 0 : i32
        %dma_start3A_117 = tpu.memref_slice %arg2[%dma_start3A_115, %dma_start3A_116] : memref<106496x128xi32, #tpu.memory_space<hbm>> -> memref<106496x128xi32, #tpu.memory_space<hbm>>
        tpu.enqueue_indirect_dma source(%dma_start3A_117 : memref<106496x128xi32, #tpu.memory_space<hbm>>) target(%dma_start3A_113 : memref<128x128xi32, #tpu.memory_space<vmem>>) offsets(%dma_start3A_114 : memref<128xi32, #tpu.memory_space<vmem>>) semaphore(%arg16 : memref<!tpu.dma_semaphore, #tpu.memory_space<semaphore_mem>>)
        %dma_wait3A = arith.constant 0 : i32
        %dma_wait3A_118 = tpu.memref_slice %arg6[%mul3A_112, %dma_wait3A] : memref<896x128xi32, #tpu.memory_space<vmem>> -> memref<128x128xi32, #tpu.memory_space<vmem>>
        %dma_wait3A_119 = tpu.memref_slice %arg10[%mul3A_110] : memref<912xi32, #tpu.memory_space<vmem>> -> memref<128xi32, #tpu.memory_space<vmem>>
        %dma_wait3A_120 = arith.constant 0 : i32
        %dma_wait3A_121 = arith.constant 0 : i32
        %dma_wait3A_122 = tpu.memref_slice %arg2[%dma_wait3A_120, %dma_wait3A_121] : memref<106496x128xi32, #tpu.memory_space<hbm>> -> memref<106496x128xi32, #tpu.memory_space<hbm>>
        tpu.wait_indirect_dma semaphore(%arg16 : memref<!tpu.dma_semaphore, #tpu.memory_space<semaphore_mem>>) src(%dma_wait3A_122 : memref<106496x128xi32, #tpu.memory_space<hbm>>) dst(%dma_wait3A_118 : memref<128x128xi32, #tpu.memory_space<vmem>>)
      }
      %parallel_loop3A_74 = arith.constant 0 : i32
      %parallel_loop3A_75 = arith.constant 1 : i32
      scf.for %parallel_loop3A_108 = %parallel_loop3A_74 to %scan3A_53 step %parallel_loop3A_75  : i32 {
        %parallel_loop3A_109 = arith.index_cast %parallel_loop3A_108 : i32 to index
        %parallel_loop3A_110 = arith.constant 0 : index
        %parallel_loop3A_111 = tpu.vector_load %arg6[%parallel_loop3A_109, %parallel_loop3A_110] {strides = array<i32>} : memref<896x128xi32, #tpu.memory_space<vmem>>, vector<16xi32>,
        tpu.vector_store_idx %arg8[%parallel_loop3A_111], %broadcast_in_dim3A_1 {add = true} : memref<1024xi32, #tpu.memory_space<vmem>>[vector<16xi32>], vector<16xi32>,
        %parallel_loop3A_112 = arith.index_cast %parallel_loop3A_108 : i32 to index
        %parallel_loop3A_113 = arith.constant 16 : index
        %parallel_loop3A_114 = tpu.vector_load %arg6[%parallel_loop3A_112, %parallel_loop3A_113] {strides = array<i32>} : memref<896x128xi32, #tpu.memory_space<vmem>>, vector<16xi32>,
        tpu.vector_store_idx %arg8[%parallel_loop3A_114], %broadcast_in_dim3A_1 {add = true} : memref<1024xi32, #tpu.memory_space<vmem>>[vector<16xi32>], vector<16xi32>,
        %parallel_loop3A_115 = arith.index_cast %parallel_loop3A_108 : i32 to index
        %parallel_loop3A_116 = arith.constant 32 : index
        %parallel_loop3A_117 = tpu.vector_load %arg6[%parallel_loop3A_115, %parallel_loop3A_116] {strides = array<i32>} : memref<896x128xi32, #tpu.memory_space<vmem>>, vector<16xi32>,
        tpu.vector_store_idx %arg8[%parallel_loop3A_117], %broadcast_in_dim3A_1 {add = true} : memref<1024xi32, #tpu.memory_space<vmem>>[vector<16xi32>], vector<16xi32>,
        %parallel_loop3A_118 = arith.index_cast %parallel_loop3A_108 : i32 to index
        %parallel_loop3A_119 = arith.constant 48 : index
        %parallel_loop3A_120 = tpu.vector_load %arg6[%parallel_loop3A_118, %parallel_loop3A_119] {strides = array<i32>} : memref<896x128xi32, #tpu.memory_space<vmem>>, vector<16xi32>,
        tpu.vector_store_idx %arg8[%parallel_loop3A_120], %broadcast_in_dim3A_1 {add = true} : memref<1024xi32, #tpu.memory_space<vmem>>[vector<16xi32>], vector<16xi32>,
        %parallel_loop3A_121 = arith.index_cast %parallel_loop3A_108 : i32 to index
        %parallel_loop3A_122 = arith.constant 64 : index
        %parallel_loop3A_123 = tpu.vector_load %arg6[%parallel_loop3A_121, %parallel_loop3A_122] {strides = array<i32>} : memref<896x128xi32, #tpu.memory_space<vmem>>, vector<16xi32>,
        tpu.vector_store_idx %arg8[%parallel_loop3A_123], %broadcast_in_dim3A_1 {add = true} : memref<1024xi32, #tpu.memory_space<vmem>>[vector<16xi32>], vector<16xi32>,
        %parallel_loop3A_124 = arith.index_cast %parallel_loop3A_108 : i32 to index
        %parallel_loop3A_125 = arith.constant 80 : index
        %parallel_loop3A_126 = tpu.vector_load %arg6[%parallel_loop3A_124, %parallel_loop3A_125] {strides = array<i32>} : memref<896x128xi32, #tpu.memory_space<vmem>>, vector<16xi32>,
        tpu.vector_store_idx %arg8[%parallel_loop3A_126], %broadcast_in_dim3A_1 {add = true} : memref<1024xi32, #tpu.memory_space<vmem>>[vector<16xi32>], vector<16xi32>,
        %parallel_loop3A_127 = arith.index_cast %parallel_loop3A_108 : i32 to index
        %parallel_loop3A_128 = arith.constant 96 : index
        %parallel_loop3A_129 = tpu.vector_load %arg6[%parallel_loop3A_127, %parallel_loop3A_128] {strides = array<i32>} : memref<896x128xi32, #tpu.memory_space<vmem>>, vector<16xi32>,
        tpu.vector_store_idx %arg8[%parallel_loop3A_129], %broadcast_in_dim3A_1 {add = true} : memref<1024xi32, #tpu.memory_space<vmem>>[vector<16xi32>], vector<16xi32>,
        %parallel_loop3A_130 = arith.index_cast %parallel_loop3A_108 : i32 to index
        %parallel_loop3A_131 = arith.constant 112 : index
        %parallel_loop3A_132 = tpu.vector_load %arg6[%parallel_loop3A_130, %parallel_loop3A_131] {strides = array<i32>} : memref<896x128xi32, #tpu.memory_space<vmem>>, vector<16xi32>,
        tpu.vector_store_idx %arg8[%parallel_loop3A_132], %broadcast_in_dim3A_1 {add = true} : memref<1024xi32, #tpu.memory_space<vmem>>[vector<16xi32>], vector<16xi32>,
      } {sc.loop_unroll_factor = 1 : i64, sc.parallel_access}
      %scan3A_76 = arith.constant 0 : i32
      %scan3A_77 = arith.constant 64 : i32
      %scan3A_78 = arith.constant 0 : i32
      %scan3A_79 = arith.constant 64 : i32
      %scan3A_80 = arith.addi %scan3A_78, %scan3A_79 : i32
      %scan3A_81 = arith.constant 1 : i32
      %scan3A_82:2 = scf.for %scan3A_108 = %scan3A_78 to %scan3A_80 step %scan3A_81 iter_args(%scan3A_109 = %scan3A_76, %scan3A_110 = %scan3A_77) -> (i32, i32)  : i32 {
        %mul3A_111 = arith.constant 16 : i32
        %mul3A_112 = arith.muli %scan3A_108, %mul3A_111 : i32
        %get3A_113 = arith.index_cast %mul3A_112 : i32 to index
        %get3A_114 = tpu.vector_load %arg8[%get3A_113] {strides = array<i32>} : memref<1024xi32, #tpu.memory_space<vmem>>, vector<16xi32>,
        %reduce_sum3A = arith.constant true
        %reduce_sum3A_115 = vector.broadcast %reduce_sum3A : i1 to vector<16xi1>
        %reduce_sum3A_116 = tpu.scan <sum>, %get3A_114 masked %reduce_sum3A_115 : vector<16xi32>, vector<16xi1> -> vector<16xi32>
        %reduce_sum3A_117 = vector.extract %reduce_sum3A_116[15] : i32 from vector<16xi32>
        %mul3A_118 = arith.constant 16 : i32
        %mul3A_119 = arith.muli %scan3A_108, %mul3A_118 : i32
        %swap3A = arith.index_cast %mul3A_119 : i32 to index
        %swap3A_120 = tpu.vector_load %arg8[%swap3A] {strides = array<i32>} : memref<1024xi32, #tpu.memory_space<vmem>>, vector<16xi32>,
        tpu.vector_store %arg8[%swap3A], %broadcast_in_dim3A_3 {strides = array<i32>} : memref<1024xi32, #tpu.memory_space<vmem>>, vector<16xi32>,
        %swap3A_121 = arith.index_cast %scan3A_108 : i32 to index
        %swap3A_122 = memref.load %arg15[%swap3A_121] : memref<64xi32, #tpu.memory_space<smem>>
        memref.store %scan3A_109, %arg15[%swap3A_121] : memref<64xi32, #tpu.memory_space<smem>>
        %add3A_123 = arith.addi %scan3A_109, %reduce_sum3A_117 : i32
        %eq3A_124 = arith.constant 64 : i32
        %eq3A_125 = arith.cmpi eq, %scan3A_110, %eq3A_124 : i32
        %ge3A = arith.constant 64 : i32
        %ge3A_126 = arith.cmpi sge, %add3A_123, %ge3A : i32
        %and3A = arith.andi %eq3A_125, %ge3A_126 : i1
        %select_n3A = arith.select %and3A, %scan3A_108, %scan3A_110 : i32
        scf.yield %add3A_123, %select_n3A : i32, i32
      }
      %scan3A_83 = arith.constant 64 : i32
      %get3A = arith.index_cast %scan3A_82#1 : i32 to index
      %get3A_84 = memref.load %arg15[%get3A] : memref<64xi32, #tpu.memory_space<smem>>
      %sub3A = arith.constant 64 : i32
      %sub3A_85 = arith.subi %sub3A, %get3A_84 : i32
      %broadcast_in_dim3A_86 = vector.broadcast %scan3A_82#1 : i32 to vector<16xi32>
      %while3A_87 = arith.constant 0 : i32
      %while3A_88 = arith.constant 0 : i32
      %while3A_89 = arith.constant 0 : i32
      %while3A_90:3 = scf.while (%while3A_108 = %while3A_87, %while3A_109 = %while3A_88, %while3A_110 = %while3A_89) : (i32, i32, i32) -> (i32, i32, i32) {
        %lt3A = arith.cmpi slt, %while3A_108, %scan3A_53 : i32
        %lt3A_111 = arith.cmpi slt, %while3A_109, %get3A_84 : i32
        %lt3A_112 = arith.cmpi slt, %while3A_110, %sub3A_85 : i32
        %or3A = arith.ori %lt3A_111, %lt3A_112 : i1
        %and3A = arith.andi %lt3A, %or3A : i1
        scf.condition(%and3A) %while3A_108, %while3A_109, %while3A_110 : i32, i32, i32
      } do {
      ^bb0(%while3A_108: i32, %while3A_109: i32, %while3A_110: i32):
        %get3A_111 = arith.index_cast %while3A_108 : i32 to index
        %get3A_112 = tpu.vector_load %arg9[%get3A_111] {strides = array<i32>} : memref<912xi32, #tpu.memory_space<vmem>>, vector<16xi32>,
        %slice3A = vector.extract_strided_slice %get3A_112 {offsets = [0], sizes = [1], strides = [1]} : vector<16xi32> to vector<1xi32>
        %squeeze3A = vector.extract %slice3A[0] : i32 from vector<1xi32>
        %get3A_113 = arith.index_cast %while3A_108 : i32 to index
        %get3A_114 = arith.constant 0 : index
        %get3A_115 = tpu.vector_load %arg6[%get3A_113, %get3A_114] {strides = array<i32>} : memref<896x128xi32, #tpu.memory_space<vmem>>, vector<16xi32>,
        %shift_right_logical3A = arith.constant 4 : i32
        %shift_right_logical3A_116 = vector.broadcast %shift_right_logical3A : i32 to vector<16xi32>
        %shift_right_logical3A_117 = arith.shrui %get3A_115, %shift_right_logical3A_116 : vector<16xi32>
        %mul3A_118 = arith.constant 131072 : i32
        %mul3A_119 = vector.broadcast %mul3A_118 : i32 to vector<16xi32>
        %mul3A_120 = arith.muli %shift_right_logical3A_117, %mul3A_119 : vector<16xi32>
        %mul3A_121 = arith.constant 128 : i32
        %mul3A_122 = arith.muli %squeeze3A, %mul3A_121 : i32
        %add3A_123 = arith.constant 0 : i32
        %add3A_124 = arith.addi %mul3A_122, %add3A_123 : i32
        %add3A_125 = vector.broadcast %add3A_124 : i32 to vector<16xi32>
        %add3A_126 = arith.addi %add3A_125, %iota3A : vector<16xi32>
        %add3A_127 = arith.addi %mul3A_120, %add3A_126 : vector<16xi32>
        %lt3A = arith.cmpi slt, %shift_right_logical3A_117, %broadcast_in_dim3A_86 : vector<16xi32>
        %swap3A = arith.index_cast %while3A_109 : i32 to index
        %swap3A_128 = tpu.vector_load %arg11[%swap3A] masked %lt3A {strides = array<i32>} : memref<96xi32, #tpu.memory_space<vmem>>, vector<16xi32>, vector<16xi1>
        tpu.vector_store %arg11[%swap3A], %add3A_127 masked %lt3A {strides = array<i32>} : memref<96xi32, #tpu.memory_space<vmem>>, vector<16xi32>, vector<16xi1>
        %convert_element_type3A_129 = arith.extui %lt3A : vector<16xi1> to vector<16xi32>
        %reduce_sum3A = arith.constant true
        %reduce_sum3A_130 = vector.broadcast %reduce_sum3A : i1 to vector<16xi1>
        %reduce_sum3A_131 = tpu.scan <sum>, %convert_element_type3A_129 masked %reduce_sum3A_130 : vector<16xi32>, vector<16xi1> -> vector<16xi32>
        %reduce_sum3A_132 = vector.extract %reduce_sum3A_131[15] : i32 from vector<16xi32>
        %add3A_133 = arith.addi %while3A_109, %reduce_sum3A_132 : i32
        %lt3A_134 = arith.cmpi slt, %while3A_110, %sub3A_85 : i32
        %broadcast_in_dim3A_135 = vector.broadcast %lt3A_134 : i1 to vector<16xi1>
        %eq3A_136 = arith.cmpi eq, %shift_right_logical3A_117, %broadcast_in_dim3A_86 : vector<16xi32>
        %and3A = arith.andi %eq3A_136, %broadcast_in_dim3A_135 : vector<16xi1>
        %swap3A_137 = arith.index_cast %while3A_110 : i32 to index
        %swap3A_138 = tpu.vector_load %arg12[%swap3A_137] masked %and3A {strides = array<i32>} : memref<96xi32, #tpu.memory_space<vmem>>, vector<16xi32>, vector<16xi1>
        tpu.vector_store %arg12[%swap3A_137], %add3A_127 masked %and3A {strides = array<i32>} : memref<96xi32, #tpu.memory_space<vmem>>, vector<16xi32>, vector<16xi1>
        %convert_element_type3A_139 = arith.extui %and3A : vector<16xi1> to vector<16xi32>
        %reduce_sum3A_140 = arith.constant true
        %reduce_sum3A_141 = vector.broadcast %reduce_sum3A_140 : i1 to vector<16xi1>
        %reduce_sum3A_142 = tpu.scan <sum>, %convert_element_type3A_139 masked %reduce_sum3A_141 : vector<16xi32>, vector<16xi1> -> vector<16xi32>
        %reduce_sum3A_143 = vector.extract %reduce_sum3A_142[15] : i32 from vector<16xi32>
        %add3A_144 = arith.addi %while3A_110, %reduce_sum3A_143 : i32
        %get3A_145 = arith.index_cast %while3A_108 : i32 to index
        %get3A_146 = arith.constant 16 : index
        %get3A_147 = tpu.vector_load %arg6[%get3A_145, %get3A_146] {strides = array<i32>} : memref<896x128xi32, #tpu.memory_space<vmem>>, vector<16xi32>,
        %shift_right_logical3A_148 = arith.constant 4 : i32
        %shift_right_logical3A_149 = vector.broadcast %shift_right_logical3A_148 : i32 to vector<16xi32>
        %shift_right_logical3A_150 = arith.shrui %get3A_147, %shift_right_logical3A_149 : vector<16xi32>
        %mul3A_151 = arith.constant 131072 : i32
        %mul3A_152 = vector.broadcast %mul3A_151 : i32 to vector<16xi32>
        %mul3A_153 = arith.muli %shift_right_logical3A_150, %mul3A_152 : vector<16xi32>
        %mul3A_154 = arith.constant 128 : i32
        %mul3A_155 = arith.muli %squeeze3A, %mul3A_154 : i32
        %add3A_156 = arith.constant 16 : i32
        %add3A_157 = arith.addi %mul3A_155, %add3A_156 : i32
        %add3A_158 = vector.broadcast %add3A_157 : i32 to vector<16xi32>
        %add3A_159 = arith.addi %add3A_158, %iota3A : vector<16xi32>
        %add3A_160 = arith.addi %mul3A_153, %add3A_159 : vector<16xi32>
        %lt3A_161 = arith.cmpi slt, %shift_right_logical3A_150, %broadcast_in_dim3A_86 : vector<16xi32>
        %swap3A_162 = arith.index_cast %add3A_133 : i32 to index
        %swap3A_163 = tpu.vector_load %arg11[%swap3A_162] masked %lt3A_161 {strides = array<i32>} : memref<96xi32, #tpu.memory_space<vmem>>, vector<16xi32>, vector<16xi1>
        tpu.vector_store %arg11[%swap3A_162], %add3A_160 masked %lt3A_161 {strides = array<i32>} : memref<96xi32, #tpu.memory_space<vmem>>, vector<16xi32>, vector<16xi1>
        %convert_element_type3A_164 = arith.extui %lt3A_161 : vector<16xi1> to vector<16xi32>
        %reduce_sum3A_165 = arith.constant true
        %reduce_sum3A_166 = vector.broadcast %reduce_sum3A_165 : i1 to vector<16xi1>
        %reduce_sum3A_167 = tpu.scan <sum>, %convert_element_type3A_164 masked %reduce_sum3A_166 : vector<16xi32>, vector<16xi1> -> vector<16xi32>
        %reduce_sum3A_168 = vector.extract %reduce_sum3A_167[15] : i32 from vector<16xi32>
        %add3A_169 = arith.addi %add3A_133, %reduce_sum3A_168 : i32
        %lt3A_170 = arith.cmpi slt, %add3A_144, %sub3A_85 : i32
        %broadcast_in_dim3A_171 = vector.broadcast %lt3A_170 : i1 to vector<16xi1>
        %eq3A_172 = arith.cmpi eq, %shift_right_logical3A_150, %broadcast_in_dim3A_86 : vector<16xi32>
        %and3A_173 = arith.andi %eq3A_172, %broadcast_in_dim3A_171 : vector<16xi1>
        %swap3A_174 = arith.index_cast %add3A_144 : i32 to index
        %swap3A_175 = tpu.vector_load %arg12[%swap3A_174] masked %and3A_173 {strides = array<i32>} : memref<96xi32, #tpu.memory_space<vmem>>, vector<16xi32>, vector<16xi1>
        tpu.vector_store %arg12[%swap3A_174], %add3A_160 masked %and3A_173 {strides = array<i32>} : memref<96xi32, #tpu.memory_space<vmem>>, vector<16xi32>, vector<16xi1>
        %convert_element_type3A_176 = arith.extui %and3A_173 : vector<16xi1> to vector<16xi32>
        %reduce_sum3A_177 = arith.constant true
        %reduce_sum3A_178 = vector.broadcast %reduce_sum3A_177 : i1 to vector<16xi1>
        %reduce_sum3A_179 = tpu.scan <sum>, %convert_element_type3A_176 masked %reduce_sum3A_178 : vector<16xi32>, vector<16xi1> -> vector<16xi32>
        %reduce_sum3A_180 = vector.extract %reduce_sum3A_179[15] : i32 from vector<16xi32>
        %add3A_181 = arith.addi %add3A_144, %reduce_sum3A_180 : i32
        %get3A_182 = arith.index_cast %while3A_108 : i32 to index
        %get3A_183 = arith.constant 32 : index
        %get3A_184 = tpu.vector_load %arg6[%get3A_182, %get3A_183] {strides = array<i32>} : memref<896x128xi32, #tpu.memory_space<vmem>>, vector<16xi32>,
        %shift_right_logical3A_185 = arith.constant 4 : i32
        %shift_right_logical3A_186 = vector.broadcast %shift_right_logical3A_185 : i32 to vector<16xi32>
        %shift_right_logical3A_187 = arith.shrui %get3A_184, %shift_right_logical3A_186 : vector<16xi32>
        %mul3A_188 = arith.constant 131072 : i32
        %mul3A_189 = vector.broadcast %mul3A_188 : i32 to vector<16xi32>
        %mul3A_190 = arith.muli %shift_right_logical3A_187, %mul3A_189 : vector<16xi32>
        %mul3A_191 = arith.constant 128 : i32
        %mul3A_192 = arith.muli %squeeze3A, %mul3A_191 : i32
        %add3A_193 = arith.constant 32 : i32
        %add3A_194 = arith.addi %mul3A_192, %add3A_193 : i32
        %add3A_195 = vector.broadcast %add3A_194 : i32 to vector<16xi32>
        %add3A_196 = arith.addi %add3A_195, %iota3A : vector<16xi32>
        %add3A_197 = arith.addi %mul3A_190, %add3A_196 : vector<16xi32>
        %lt3A_198 = arith.cmpi slt, %shift_right_logical3A_187, %broadcast_in_dim3A_86 : vector<16xi32>
        %swap3A_199 = arith.index_cast %add3A_169 : i32 to index
        %swap3A_200 = tpu.vector_load %arg11[%swap3A_199] masked %lt3A_198 {strides = array<i32>} : memref<96xi32, #tpu.memory_space<vmem>>, vector<16xi32>, vector<16xi1>
        tpu.vector_store %arg11[%swap3A_199], %add3A_197 masked %lt3A_198 {strides = array<i32>} : memref<96xi32, #tpu.memory_space<vmem>>, vector<16xi32>, vector<16xi1>
        %convert_element_type3A_201 = arith.extui %lt3A_198 : vector<16xi1> to vector<16xi32>
        %reduce_sum3A_202 = arith.constant true
        %reduce_sum3A_203 = vector.broadcast %reduce_sum3A_202 : i1 to vector<16xi1>
        %reduce_sum3A_204 = tpu.scan <sum>, %convert_element_type3A_201 masked %reduce_sum3A_203 : vector<16xi32>, vector<16xi1> -> vector<16xi32>
        %reduce_sum3A_205 = vector.extract %reduce_sum3A_204[15] : i32 from vector<16xi32>
        %add3A_206 = arith.addi %add3A_169, %reduce_sum3A_205 : i32
        %lt3A_207 = arith.cmpi slt, %add3A_181, %sub3A_85 : i32
        %broadcast_in_dim3A_208 = vector.broadcast %lt3A_207 : i1 to vector<16xi1>
        %eq3A_209 = arith.cmpi eq, %shift_right_logical3A_187, %broadcast_in_dim3A_86 : vector<16xi32>
        %and3A_210 = arith.andi %eq3A_209, %broadcast_in_dim3A_208 : vector<16xi1>
        %swap3A_211 = arith.index_cast %add3A_181 : i32 to index
        %swap3A_212 = tpu.vector_load %arg12[%swap3A_211] masked %and3A_210 {strides = array<i32>} : memref<96xi32, #tpu.memory_space<vmem>>, vector<16xi32>, vector<16xi1>
        tpu.vector_store %arg12[%swap3A_211], %add3A_197 masked %and3A_210 {strides = array<i32>} : memref<96xi32, #tpu.memory_space<vmem>>, vector<16xi32>, vector<16xi1>
        %convert_element_type3A_213 = arith.extui %and3A_210 : vector<16xi1> to vector<16xi32>
        %reduce_sum3A_214 = arith.constant true
        %reduce_sum3A_215 = vector.broadcast %reduce_sum3A_214 : i1 to vector<16xi1>
        %reduce_sum3A_216 = tpu.scan <sum>, %convert_element_type3A_213 masked %reduce_sum3A_215 : vector<16xi32>, vector<16xi1> -> vector<16xi32>
        %reduce_sum3A_217 = vector.extract %reduce_sum3A_216[15] : i32 from vector<16xi32>
        %add3A_218 = arith.addi %add3A_181, %reduce_sum3A_217 : i32
        %get3A_219 = arith.index_cast %while3A_108 : i32 to index
        %get3A_220 = arith.constant 48 : index
        %get3A_221 = tpu.vector_load %arg6[%get3A_219, %get3A_220] {strides = array<i32>} : memref<896x128xi32, #tpu.memory_space<vmem>>, vector<16xi32>,
        %shift_right_logical3A_222 = arith.constant 4 : i32
        %shift_right_logical3A_223 = vector.broadcast %shift_right_logical3A_222 : i32 to vector<16xi32>
        %shift_right_logical3A_224 = arith.shrui %get3A_221, %shift_right_logical3A_223 : vector<16xi32>
        %mul3A_225 = arith.constant 131072 : i32
        %mul3A_226 = vector.broadcast %mul3A_225 : i32 to vector<16xi32>
        %mul3A_227 = arith.muli %shift_right_logical3A_224, %mul3A_226 : vector<16xi32>
        %mul3A_228 = arith.constant 128 : i32
        %mul3A_229 = arith.muli %squeeze3A, %mul3A_228 : i32
        %add3A_230 = arith.constant 48 : i32
        %add3A_231 = arith.addi %mul3A_229, %add3A_230 : i32
        %add3A_232 = vector.broadcast %add3A_231 : i32 to vector<16xi32>
        %add3A_233 = arith.addi %add3A_232, %iota3A : vector<16xi32>
        %add3A_234 = arith.addi %mul3A_227, %add3A_233 : vector<16xi32>
        %lt3A_235 = arith.cmpi slt, %shift_right_logical3A_224, %broadcast_in_dim3A_86 : vector<16xi32>
        %swap3A_236 = arith.index_cast %add3A_206 : i32 to index
        %swap3A_237 = tpu.vector_load %arg11[%swap3A_236] masked %lt3A_235 {strides = array<i32>} : memref<96xi32, #tpu.memory_space<vmem>>, vector<16xi32>, vector<16xi1>
        tpu.vector_store %arg11[%swap3A_236], %add3A_234 masked %lt3A_235 {strides = array<i32>} : memref<96xi32, #tpu.memory_space<vmem>>, vector<16xi32>, vector<16xi1>
        %convert_element_type3A_238 = arith.extui %lt3A_235 : vector<16xi1> to vector<16xi32>
        %reduce_sum3A_239 = arith.constant true
        %reduce_sum3A_240 = vector.broadcast %reduce_sum3A_239 : i1 to vector<16xi1>
        %reduce_sum3A_241 = tpu.scan <sum>, %convert_element_type3A_238 masked %reduce_sum3A_240 : vector<16xi32>, vector<16xi1> -> vector<16xi32>
        %reduce_sum3A_242 = vector.extract %reduce_sum3A_241[15] : i32 from vector<16xi32>
        %add3A_243 = arith.addi %add3A_206, %reduce_sum3A_242 : i32
        %lt3A_244 = arith.cmpi slt, %add3A_218, %sub3A_85 : i32
        %broadcast_in_dim3A_245 = vector.broadcast %lt3A_244 : i1 to vector<16xi1>
        %eq3A_246 = arith.cmpi eq, %shift_right_logical3A_224, %broadcast_in_dim3A_86 : vector<16xi32>
        %and3A_247 = arith.andi %eq3A_246, %broadcast_in_dim3A_245 : vector<16xi1>
        %swap3A_248 = arith.index_cast %add3A_218 : i32 to index
        %swap3A_249 = tpu.vector_load %arg12[%swap3A_248] masked %and3A_247 {strides = array<i32>} : memref<96xi32, #tpu.memory_space<vmem>>, vector<16xi32>, vector<16xi1>
        tpu.vector_store %arg12[%swap3A_248], %add3A_234 masked %and3A_247 {strides = array<i32>} : memref<96xi32, #tpu.memory_space<vmem>>, vector<16xi32>, vector<16xi1>
        %convert_element_type3A_250 = arith.extui %and3A_247 : vector<16xi1> to vector<16xi32>
        %reduce_sum3A_251 = arith.constant true
        %reduce_sum3A_252 = vector.broadcast %reduce_sum3A_251 : i1 to vector<16xi1>
        %reduce_sum3A_253 = tpu.scan <sum>, %convert_element_type3A_250 masked %reduce_sum3A_252 : vector<16xi32>, vector<16xi1> -> vector<16xi32>
        %reduce_sum3A_254 = vector.extract %reduce_sum3A_253[15] : i32 from vector<16xi32>
        %add3A_255 = arith.addi %add3A_218, %reduce_sum3A_254 : i32
        %get3A_256 = arith.index_cast %while3A_108 : i32 to index
        %get3A_257 = arith.constant 64 : index
        %get3A_258 = tpu.vector_load %arg6[%get3A_256, %get3A_257] {strides = array<i32>} : memref<896x128xi32, #tpu.memory_space<vmem>>, vector<16xi32>,
        %shift_right_logical3A_259 = arith.constant 4 : i32
        %shift_right_logical3A_260 = vector.broadcast %shift_right_logical3A_259 : i32 to vector<16xi32>
        %shift_right_logical3A_261 = arith.shrui %get3A_258, %shift_right_logical3A_260 : vector<16xi32>
        %mul3A_262 = arith.constant 131072 : i32
        %mul3A_263 = vector.broadcast %mul3A_262 : i32 to vector<16xi32>
        %mul3A_264 = arith.muli %shift_right_logical3A_261, %mul3A_263 : vector<16xi32>
        %mul3A_265 = arith.constant 128 : i32
        %mul3A_266 = arith.muli %squeeze3A, %mul3A_265 : i32
        %add3A_267 = arith.constant 64 : i32
        %add3A_268 = arith.addi %mul3A_266, %add3A_267 : i32
        %add3A_269 = vector.broadcast %add3A_268 : i32 to vector<16xi32>
        %add3A_270 = arith.addi %add3A_269, %iota3A : vector<16xi32>
        %add3A_271 = arith.addi %mul3A_264, %add3A_270 : vector<16xi32>
        %lt3A_272 = arith.cmpi slt, %shift_right_logical3A_261, %broadcast_in_dim3A_86 : vector<16xi32>
        %swap3A_273 = arith.index_cast %add3A_243 : i32 to index
        %swap3A_274 = tpu.vector_load %arg11[%swap3A_273] masked %lt3A_272 {strides = array<i32>} : memref<96xi32, #tpu.memory_space<vmem>>, vector<16xi32>, vector<16xi1>
        tpu.vector_store %arg11[%swap3A_273], %add3A_271 masked %lt3A_272 {strides = array<i32>} : memref<96xi32, #tpu.memory_space<vmem>>, vector<16xi32>, vector<16xi1>
        %convert_element_type3A_275 = arith.extui %lt3A_272 : vector<16xi1> to vector<16xi32>
        %reduce_sum3A_276 = arith.constant true
        %reduce_sum3A_277 = vector.broadcast %reduce_sum3A_276 : i1 to vector<16xi1>
        %reduce_sum3A_278 = tpu.scan <sum>, %convert_element_type3A_275 masked %reduce_sum3A_277 : vector<16xi32>, vector<16xi1> -> vector<16xi32>
        %reduce_sum3A_279 = vector.extract %reduce_sum3A_278[15] : i32 from vector<16xi32>
        %add3A_280 = arith.addi %add3A_243, %reduce_sum3A_279 : i32
        %lt3A_281 = arith.cmpi slt, %add3A_255, %sub3A_85 : i32
        %broadcast_in_dim3A_282 = vector.broadcast %lt3A_281 : i1 to vector<16xi1>
        %eq3A_283 = arith.cmpi eq, %shift_right_logical3A_261, %broadcast_in_dim3A_86 : vector<16xi32>
        %and3A_284 = arith.andi %eq3A_283, %broadcast_in_dim3A_282 : vector<16xi1>
        %swap3A_285 = arith.index_cast %add3A_255 : i32 to index
        %swap3A_286 = tpu.vector_load %arg12[%swap3A_285] masked %and3A_284 {strides = array<i32>} : memref<96xi32, #tpu.memory_space<vmem>>, vector<16xi32>, vector<16xi1>
        tpu.vector_store %arg12[%swap3A_285], %add3A_271 masked %and3A_284 {strides = array<i32>} : memref<96xi32, #tpu.memory_space<vmem>>, vector<16xi32>, vector<16xi1>
        %convert_element_type3A_287 = arith.extui %and3A_284 : vector<16xi1> to vector<16xi32>
        %reduce_sum3A_288 = arith.constant true
        %reduce_sum3A_289 = vector.broadcast %reduce_sum3A_288 : i1 to vector<16xi1>
        %reduce_sum3A_290 = tpu.scan <sum>, %convert_element_type3A_287 masked %reduce_sum3A_289 : vector<16xi32>, vector<16xi1> -> vector<16xi32>
        %reduce_sum3A_291 = vector.extract %reduce_sum3A_290[15] : i32 from vector<16xi32>
        %add3A_292 = arith.addi %add3A_255, %reduce_sum3A_291 : i32
        %get3A_293 = arith.index_cast %while3A_108 : i32 to index
        %get3A_294 = arith.constant 80 : index
        %get3A_295 = tpu.vector_load %arg6[%get3A_293, %get3A_294] {strides = array<i32>} : memref<896x128xi32, #tpu.memory_space<vmem>>, vector<16xi32>,
        %shift_right_logical3A_296 = arith.constant 4 : i32
        %shift_right_logical3A_297 = vector.broadcast %shift_right_logical3A_296 : i32 to vector<16xi32>
        %shift_right_logical3A_298 = arith.shrui %get3A_295, %shift_right_logical3A_297 : vector<16xi32>
        %mul3A_299 = arith.constant 131072 : i32
        %mul3A_300 = vector.broadcast %mul3A_299 : i32 to vector<16xi32>
        %mul3A_301 = arith.muli %shift_right_logical3A_298, %mul3A_300 : vector<16xi32>
        %mul3A_302 = arith.constant 128 : i32
        %mul3A_303 = arith.muli %squeeze3A, %mul3A_302 : i32
        %add3A_304 = arith.constant 80 : i32
        %add3A_305 = arith.addi %mul3A_303, %add3A_304 : i32
        %add3A_306 = vector.broadcast %add3A_305 : i32 to vector<16xi32>
        %add3A_307 = arith.addi %add3A_306, %iota3A : vector<16xi32>
        %add3A_308 = arith.addi %mul3A_301, %add3A_307 : vector<16xi32>
        %lt3A_309 = arith.cmpi slt, %shift_right_logical3A_298, %broadcast_in_dim3A_86 : vector<16xi32>
        %swap3A_310 = arith.index_cast %add3A_280 : i32 to index
        %swap3A_311 = tpu.vector_load %arg11[%swap3A_310] masked %lt3A_309 {strides = array<i32>} : memref<96xi32, #tpu.memory_space<vmem>>, vector<16xi32>, vector<16xi1>
        tpu.vector_store %arg11[%swap3A_310], %add3A_308 masked %lt3A_309 {strides = array<i32>} : memref<96xi32, #tpu.memory_space<vmem>>, vector<16xi32>, vector<16xi1>
        %convert_element_type3A_312 = arith.extui %lt3A_309 : vector<16xi1> to vector<16xi32>
        %reduce_sum3A_313 = arith.constant true
        %reduce_sum3A_314 = vector.broadcast %reduce_sum3A_313 : i1 to vector<16xi1>
        %reduce_sum3A_315 = tpu.scan <sum>, %convert_element_type3A_312 masked %reduce_sum3A_314 : vector<16xi32>, vector<16xi1> -> vector<16xi32>
        %reduce_sum3A_316 = vector.extract %reduce_sum3A_315[15] : i32 from vector<16xi32>
        %add3A_317 = arith.addi %add3A_280, %reduce_sum3A_316 : i32
        %lt3A_318 = arith.cmpi slt, %add3A_292, %sub3A_85 : i32
        %broadcast_in_dim3A_319 = vector.broadcast %lt3A_318 : i1 to vector<16xi1>
        %eq3A_320 = arith.cmpi eq, %shift_right_logical3A_298, %broadcast_in_dim3A_86 : vector<16xi32>
        %and3A_321 = arith.andi %eq3A_320, %broadcast_in_dim3A_319 : vector<16xi1>
        %swap3A_322 = arith.index_cast %add3A_292 : i32 to index
        %swap3A_323 = tpu.vector_load %arg12[%swap3A_322] masked %and3A_321 {strides = array<i32>} : memref<96xi32, #tpu.memory_space<vmem>>, vector<16xi32>, vector<16xi1>
        tpu.vector_store %arg12[%swap3A_322], %add3A_308 masked %and3A_321 {strides = array<i32>} : memref<96xi32, #tpu.memory_space<vmem>>, vector<16xi32>, vector<16xi1>
        %convert_element_type3A_324 = arith.extui %and3A_321 : vector<16xi1> to vector<16xi32>
        %reduce_sum3A_325 = arith.constant true
        %reduce_sum3A_326 = vector.broadcast %reduce_sum3A_325 : i1 to vector<16xi1>
        %reduce_sum3A_327 = tpu.scan <sum>, %convert_element_type3A_324 masked %reduce_sum3A_326 : vector<16xi32>, vector<16xi1> -> vector<16xi32>
        %reduce_sum3A_328 = vector.extract %reduce_sum3A_327[15] : i32 from vector<16xi32>
        %add3A_329 = arith.addi %add3A_292, %reduce_sum3A_328 : i32
        %get3A_330 = arith.index_cast %while3A_108 : i32 to index
        %get3A_331 = arith.constant 96 : index
        %get3A_332 = tpu.vector_load %arg6[%get3A_330, %get3A_331] {strides = array<i32>} : memref<896x128xi32, #tpu.memory_space<vmem>>, vector<16xi32>,
        %shift_right_logical3A_333 = arith.constant 4 : i32
        %shift_right_logical3A_334 = vector.broadcast %shift_right_logical3A_333 : i32 to vector<16xi32>
        %shift_right_logical3A_335 = arith.shrui %get3A_332, %shift_right_logical3A_334 : vector<16xi32>
        %mul3A_336 = arith.constant 131072 : i32
        %mul3A_337 = vector.broadcast %mul3A_336 : i32 to vector<16xi32>
        %mul3A_338 = arith.muli %shift_right_logical3A_335, %mul3A_337 : vector<16xi32>
        %mul3A_339 = arith.constant 128 : i32
        %mul3A_340 = arith.muli %squeeze3A, %mul3A_339 : i32
        %add3A_341 = arith.constant 96 : i32
        %add3A_342 = arith.addi %mul3A_340, %add3A_341 : i32
        %add3A_343 = vector.broadcast %add3A_342 : i32 to vector<16xi32>
        %add3A_344 = arith.addi %add3A_343, %iota3A : vector<16xi32>
        %add3A_345 = arith.addi %mul3A_338, %add3A_344 : vector<16xi32>
        %lt3A_346 = arith.cmpi slt, %shift_right_logical3A_335, %broadcast_in_dim3A_86 : vector<16xi32>
        %swap3A_347 = arith.index_cast %add3A_317 : i32 to index
        %swap3A_348 = tpu.vector_load %arg11[%swap3A_347] masked %lt3A_346 {strides = array<i32>} : memref<96xi32, #tpu.memory_space<vmem>>, vector<16xi32>, vector<16xi1>
        tpu.vector_store %arg11[%swap3A_347], %add3A_345 masked %lt3A_346 {strides = array<i32>} : memref<96xi32, #tpu.memory_space<vmem>>, vector<16xi32>, vector<16xi1>
        %convert_element_type3A_349 = arith.extui %lt3A_346 : vector<16xi1> to vector<16xi32>
        %reduce_sum3A_350 = arith.constant true
        %reduce_sum3A_351 = vector.broadcast %reduce_sum3A_350 : i1 to vector<16xi1>
        %reduce_sum3A_352 = tpu.scan <sum>, %convert_element_type3A_349 masked %reduce_sum3A_351 : vector<16xi32>, vector<16xi1> -> vector<16xi32>
        %reduce_sum3A_353 = vector.extract %reduce_sum3A_352[15] : i32 from vector<16xi32>
        %add3A_354 = arith.addi %add3A_317, %reduce_sum3A_353 : i32
        %lt3A_355 = arith.cmpi slt, %add3A_329, %sub3A_85 : i32
        %broadcast_in_dim3A_356 = vector.broadcast %lt3A_355 : i1 to vector<16xi1>
        %eq3A_357 = arith.cmpi eq, %shift_right_logical3A_335, %broadcast_in_dim3A_86 : vector<16xi32>
        %and3A_358 = arith.andi %eq3A_357, %broadcast_in_dim3A_356 : vector<16xi1>
        %swap3A_359 = arith.index_cast %add3A_329 : i32 to index
        %swap3A_360 = tpu.vector_load %arg12[%swap3A_359] masked %and3A_358 {strides = array<i32>} : memref<96xi32, #tpu.memory_space<vmem>>, vector<16xi32>, vector<16xi1>
        tpu.vector_store %arg12[%swap3A_359], %add3A_345 masked %and3A_358 {strides = array<i32>} : memref<96xi32, #tpu.memory_space<vmem>>, vector<16xi32>, vector<16xi1>
        %convert_element_type3A_361 = arith.extui %and3A_358 : vector<16xi1> to vector<16xi32>
        %reduce_sum3A_362 = arith.constant true
        %reduce_sum3A_363 = vector.broadcast %reduce_sum3A_362 : i1 to vector<16xi1>
        %reduce_sum3A_364 = tpu.scan <sum>, %convert_element_type3A_361 masked %reduce_sum3A_363 : vector<16xi32>, vector<16xi1> -> vector<16xi32>
        %reduce_sum3A_365 = vector.extract %reduce_sum3A_364[15] : i32 from vector<16xi32>
        %add3A_366 = arith.addi %add3A_329, %reduce_sum3A_365 : i32
        %get3A_367 = arith.index_cast %while3A_108 : i32 to index
        %get3A_368 = arith.constant 112 : index
        %get3A_369 = tpu.vector_load %arg6[%get3A_367, %get3A_368] {strides = array<i32>} : memref<896x128xi32, #tpu.memory_space<vmem>>, vector<16xi32>,
        %shift_right_logical3A_370 = arith.constant 4 : i32
        %shift_right_logical3A_371 = vector.broadcast %shift_right_logical3A_370 : i32 to vector<16xi32>
        %shift_right_logical3A_372 = arith.shrui %get3A_369, %shift_right_logical3A_371 : vector<16xi32>
        %mul3A_373 = arith.constant 131072 : i32
        %mul3A_374 = vector.broadcast %mul3A_373 : i32 to vector<16xi32>
        %mul3A_375 = arith.muli %shift_right_logical3A_372, %mul3A_374 : vector<16xi32>
        %mul3A_376 = arith.constant 128 : i32
        %mul3A_377 = arith.muli %squeeze3A, %mul3A_376 : i32
        %add3A_378 = arith.constant 112 : i32
        %add3A_379 = arith.addi %mul3A_377, %add3A_378 : i32
        %add3A_380 = vector.broadcast %add3A_379 : i32 to vector<16xi32>
        %add3A_381 = arith.addi %add3A_380, %iota3A : vector<16xi32>
        %add3A_382 = arith.addi %mul3A_375, %add3A_381 : vector<16xi32>
        %lt3A_383 = arith.cmpi slt, %shift_right_logical3A_372, %broadcast_in_dim3A_86 : vector<16xi32>
        %swap3A_384 = arith.index_cast %add3A_354 : i32 to index
        %swap3A_385 = tpu.vector_load %arg11[%swap3A_384] masked %lt3A_383 {strides = array<i32>} : memref<96xi32, #tpu.memory_space<vmem>>, vector<16xi32>, vector<16xi1>
        tpu.vector_store %arg11[%swap3A_384], %add3A_382 masked %lt3A_383 {strides = array<i32>} : memref<96xi32, #tpu.memory_space<vmem>>, vector<16xi32>, vector<16xi1>
        %convert_element_type3A_386 = arith.extui %lt3A_383 : vector<16xi1> to vector<16xi32>
        %reduce_sum3A_387 = arith.constant true
        %reduce_sum3A_388 = vector.broadcast %reduce_sum3A_387 : i1 to vector<16xi1>
        %reduce_sum3A_389 = tpu.scan <sum>, %convert_element_type3A_386 masked %reduce_sum3A_388 : vector<16xi32>, vector<16xi1> -> vector<16xi32>
        %reduce_sum3A_390 = vector.extract %reduce_sum3A_389[15] : i32 from vector<16xi32>
        %add3A_391 = arith.addi %add3A_354, %reduce_sum3A_390 : i32
        %lt3A_392 = arith.cmpi slt, %add3A_366, %sub3A_85 : i32
        %broadcast_in_dim3A_393 = vector.broadcast %lt3A_392 : i1 to vector<16xi1>
        %eq3A_394 = arith.cmpi eq, %shift_right_logical3A_372, %broadcast_in_dim3A_86 : vector<16xi32>
        %and3A_395 = arith.andi %eq3A_394, %broadcast_in_dim3A_393 : vector<16xi1>
        %swap3A_396 = arith.index_cast %add3A_366 : i32 to index
        %swap3A_397 = tpu.vector_load %arg12[%swap3A_396] masked %and3A_395 {strides = array<i32>} : memref<96xi32, #tpu.memory_space<vmem>>, vector<16xi32>, vector<16xi1>
        tpu.vector_store %arg12[%swap3A_396], %add3A_382 masked %and3A_395 {strides = array<i32>} : memref<96xi32, #tpu.memory_space<vmem>>, vector<16xi32>, vector<16xi1>
        %convert_element_type3A_398 = arith.extui %and3A_395 : vector<16xi1> to vector<16xi32>
        %reduce_sum3A_399 = arith.constant true
        %reduce_sum3A_400 = vector.broadcast %reduce_sum3A_399 : i1 to vector<16xi1>
        %reduce_sum3A_401 = tpu.scan <sum>, %convert_element_type3A_398 masked %reduce_sum3A_400 : vector<16xi32>, vector<16xi1> -> vector<16xi32>
        %reduce_sum3A_402 = vector.extract %reduce_sum3A_401[15] : i32 from vector<16xi32>
        %add3A_403 = arith.addi %add3A_366, %reduce_sum3A_402 : i32
        %add3A_404 = arith.constant 1 : i32
        %add3A_405 = arith.addi %while3A_108, %add3A_404 : i32
        scf.yield %add3A_405, %add3A_391, %add3A_403 : i32, i32, i32
      }
      %while3A_91 = arith.constant 0 : i32
      %while3A_92 = arith.constant 0 : i32
      %while3A_93 = arith.subi %get3A_84, %while3A_92 : i32
      %while3A_94 = arith.addi %while3A_92, %while3A_93 : i32
      %while3A_95 = arith.constant 1 : i32
      %while3A_96 = arith.divsi %while3A_93, %while3A_95 : i32
      %while3A_97 = arith.muli %while3A_96, %while3A_95 : i32
      %while3A_98 = arith.addi %while3A_92, %while3A_97 : i32
      %while3A_99 = arith.constant 1 : i32
      scf.for %while3A_108 = %while3A_92 to %while3A_98 step %while3A_99  : i32 {
        %get3A_109 = arith.index_cast %while3A_108 : i32 to index
        %get3A_110 = tpu.vector_load %arg11[%get3A_109] {strides = array<i32>} : memref<96xi32, #tpu.memory_space<vmem>>, vector<16xi32>,
        %slice3A = vector.extract_strided_slice %get3A_110 {offsets = [0], sizes = [1], strides = [1]} : vector<16xi32> to vector<1xi32>
        %squeeze3A = vector.extract %slice3A[0] : i32 from vector<1xi32>
        %shift_right_logical3A = arith.constant 17 : i32
        %shift_right_logical3A_111 = arith.shrui %squeeze3A, %shift_right_logical3A : i32
        %get3A_112 = arith.index_cast %shift_right_logical3A_111 : i32 to index
        %get3A_113 = memref.load %arg15[%get3A_112] : memref<64xi32, #tpu.memory_space<smem>>
        %add3A_114 = arith.constant 1 : i32
        %add3A_115 = arith.addi %get3A_113, %add3A_114 : i32
        %swap3A = arith.index_cast %shift_right_logical3A_111 : i32 to index
        %swap3A_116 = memref.load %arg15[%swap3A] : memref<64xi32, #tpu.memory_space<smem>>
        memref.store %add3A_115, %arg15[%swap3A] : memref<64xi32, #tpu.memory_space<smem>>
        %add3A_117 = arith.addi %mul3A_32, %get3A_113 : i32
        %broadcast_in_dim3A_118 = vector.broadcast %add3A_117 : i32 to vector<16xi32>
        %and3A = arith.constant 131071 : i32
        %and3A_119 = arith.andi %squeeze3A, %and3A : i32
        %broadcast_in_dim3A_120 = vector.broadcast %and3A_119 : i32 to vector<16xi32>
        tpu.vector_store_idx %arg13[%broadcast_in_dim3A_118], %broadcast_in_dim3A_120 masked %eq3A_5 : memref<544xi32, #tpu.memory_space<vmem>>[vector<16xi32>], vector<16xi32>, vector<16xi1>
        %convert_element_type3A_121 = arith.sitofp %shift_right_logical3A_111 : i32 to f32
        %broadcast_in_dim3A_122 = vector.broadcast %convert_element_type3A_121 : f32 to vector<16xf32>
        tpu.vector_store_idx %arg14[%broadcast_in_dim3A_118], %broadcast_in_dim3A_122 masked %eq3A_5 : memref<544xf32, #tpu.memory_space<vmem>>[vector<16xi32>], vector<16xf32>, vector<16xi1>
      }
      %while3A_100 = arith.constant 1 : i32
      scf.for %while3A_108 = %while3A_98 to %while3A_94 step %while3A_100  : i32 {
        %get3A_109 = arith.index_cast %while3A_108 : i32 to index
        %get3A_110 = tpu.vector_load %arg11[%get3A_109] {strides = array<i32>} : memref<96xi32, #tpu.memory_space<vmem>>, vector<16xi32>,
        %slice3A = vector.extract_strided_slice %get3A_110 {offsets = [0], sizes = [1], strides = [1]} : vector<16xi32> to vector<1xi32>
        %squeeze3A = vector.extract %slice3A[0] : i32 from vector<1xi32>
        %shift_right_logical3A = arith.constant 17 : i32
        %shift_right_logical3A_111 = arith.shrui %squeeze3A, %shift_right_logical3A : i32
        %get3A_112 = arith.index_cast %shift_right_logical3A_111 : i32 to index
        %get3A_113 = memref.load %arg15[%get3A_112] : memref<64xi32, #tpu.memory_space<smem>>
        %add3A_114 = arith.constant 1 : i32
        %add3A_115 = arith.addi %get3A_113, %add3A_114 : i32
        %swap3A = arith.index_cast %shift_right_logical3A_111 : i32 to index
        %swap3A_116 = memref.load %arg15[%swap3A] : memref<64xi32, #tpu.memory_space<smem>>
        memref.store %add3A_115, %arg15[%swap3A] : memref<64xi32, #tpu.memory_space<smem>>
        %add3A_117 = arith.addi %mul3A_32, %get3A_113 : i32
        %broadcast_in_dim3A_118 = vector.broadcast %add3A_117 : i32 to vector<16xi32>
        %and3A = arith.constant 131071 : i32
        %and3A_119 = arith.andi %squeeze3A, %and3A : i32
        %broadcast_in_dim3A_120 = vector.broadcast %and3A_119 : i32 to vector<16xi32>
        tpu.vector_store_idx %arg13[%broadcast_in_dim3A_118], %broadcast_in_dim3A_120 masked %eq3A_5 : memref<544xi32, #tpu.memory_space<vmem>>[vector<16xi32>], vector<16xi32>, vector<16xi1>
        %convert_element_type3A_121 = arith.sitofp %shift_right_logical3A_111 : i32 to f32
        %broadcast_in_dim3A_122 = vector.broadcast %convert_element_type3A_121 : f32 to vector<16xf32>
        tpu.vector_store_idx %arg14[%broadcast_in_dim3A_118], %broadcast_in_dim3A_122 masked %eq3A_5 : memref<544xf32, #tpu.memory_space<vmem>>[vector<16xi32>], vector<16xf32>, vector<16xi1>
      }
      %convert_element_type3A = arith.sitofp %scan3A_82#1 : i32 to f32
      %broadcast_in_dim3A_101 = vector.broadcast %convert_element_type3A : f32 to vector<16xf32>
      %scan3A_102 = arith.constant 0 : i32
      %scan3A_103 = arith.constant 0 : i32
      %scan3A_104 = arith.constant 4 : i32
      %scan3A_105 = arith.addi %scan3A_103, %scan3A_104 : i32
      %scan3A_106 = arith.constant 1 : i32
      scf.for %scan3A_108 = %scan3A_103 to %scan3A_105 step %scan3A_106  : i32 {
        %mul3A_109 = arith.constant 16 : i32
        %mul3A_110 = arith.muli %scan3A_108, %mul3A_109 : i32
        %get3A_111 = arith.index_cast %mul3A_110 : i32 to index
        %get3A_112 = tpu.vector_load %arg12[%get3A_111] {strides = array<i32>} : memref<96xi32, #tpu.memory_space<vmem>>, vector<16xi32>,
        %mul3A_113 = arith.constant 16 : i32
        %mul3A_114 = arith.muli %scan3A_108, %mul3A_113 : i32
        %add3A_115 = vector.broadcast %mul3A_114 : i32 to vector<16xi32>
        %add3A_116 = arith.addi %add3A_115, %iota3A : vector<16xi32>
        %lt3A = vector.broadcast %sub3A_85 : i32 to vector<16xi32>
        %lt3A_117 = arith.cmpi slt, %add3A_116, %lt3A : vector<16xi32>
        %add3A_118 = arith.addi %mul3A_32, %get3A_84 : i32
        %mul3A_119 = arith.constant 16 : i32
        %mul3A_120 = arith.muli %scan3A_108, %mul3A_119 : i32
        %add3A_121 = arith.addi %add3A_118, %mul3A_120 : i32
        %and3A = arith.constant 131071 : i32
        %and3A_122 = vector.broadcast %and3A : i32 to vector<16xi32>
        %and3A_123 = arith.andi %get3A_112, %and3A_122 : vector<16xi32>
        %swap3A = arith.index_cast %add3A_121 : i32 to index
        %swap3A_124 = tpu.vector_load %arg13[%swap3A] masked %lt3A_117 {strides = array<i32>} : memref<544xi32, #tpu.memory_space<vmem>>, vector<16xi32>, vector<16xi1>
        tpu.vector_store %arg13[%swap3A], %and3A_123 masked %lt3A_117 {strides = array<i32>} : memref<544xi32, #tpu.memory_space<vmem>>, vector<16xi32>, vector<16xi1>
        %add3A_125 = arith.addi %mul3A_32, %get3A_84 : i32
        %mul3A_126 = arith.constant 16 : i32
        %mul3A_127 = arith.muli %scan3A_108, %mul3A_126 : i32
        %add3A_128 = arith.addi %add3A_125, %mul3A_127 : i32
        %swap3A_129 = arith.index_cast %add3A_128 : i32 to index
        %swap3A_130 = tpu.vector_load %arg14[%swap3A_129] masked %lt3A_117 {strides = array<i32>} : memref<544xf32, #tpu.memory_space<vmem>>, vector<16xf32>, vector<16xi1>
        tpu.vector_store %arg14[%swap3A_129], %broadcast_in_dim3A_101 masked %lt3A_117 {strides = array<i32>} : memref<544xf32, #tpu.memory_space<vmem>>, vector<16xf32>, vector<16xi1>
      }
      %scan3A_107 = arith.constant 4 : i32
    }
    %scan3A_18 = arith.constant 4 : i32
    %mul3A_19 = arith.constant 4 : i32
    %mul3A_20 = arith.muli %add3A, %mul3A_19 : i32
    %mul3A_21 = arith.constant 128 : i32
    %mul3A_22 = arith.muli %mul3A_20, %mul3A_21 : i32
    "tpu.region"() ({
      %run_scoped3A = tpu.sem_alloc : memref<!tpu.dma_semaphore, #tpu.memory_space<semaphore_mem>>
      %dma_start3A = arith.constant 0 : i32
      %dma_start3A_27 = tpu.memref_slice %arg13[%dma_start3A] : memref<544xi32, #tpu.memory_space<vmem>> -> memref<512xi32, #tpu.memory_space<vmem>>
      %dma_start3A_28 = tpu.memref_slice %arg4[%mul3A_22] : memref<16384xi32, #tpu.memory_space<hbm>> -> memref<512xi32, #tpu.memory_space<hbm>>
      %dma_start3A_29 = tpu.memref_slice %arg4[%mul3A_22] : memref<16384xi32, #tpu.memory_space<hbm>> -> memref<512xi32, #tpu.memory_space<hbm>>
      %dma_start3A_30 = arith.constant 0 : i32
      %dma_start3A_31 = tpu.memref_slice %arg13[%dma_start3A_30] : memref<544xi32, #tpu.memory_space<vmem>> -> memref<512xi32, #tpu.memory_space<vmem>>
      tpu.enqueue_dma source(%dma_start3A_31 : memref<512xi32, #tpu.memory_space<vmem>>) target(%dma_start3A_29 : memref<512xi32, #tpu.memory_space<hbm>>) target_semaphore(%run_scoped3A : memref<!tpu.dma_semaphore, #tpu.memory_space<semaphore_mem>>)
      %dma_wait3A = arith.constant 0 : i32
      %dma_wait3A_32 = tpu.memref_slice %arg13[%dma_wait3A] : memref<544xi32, #tpu.memory_space<vmem>> -> memref<512xi32, #tpu.memory_space<vmem>>
      %dma_wait3A_33 = tpu.memref_slice %arg4[%mul3A_22] : memref<16384xi32, #tpu.memory_space<hbm>> -> memref<512xi32, #tpu.memory_space<hbm>>
      %dma_wait3A_34 = tpu.memref_slice %arg4[%mul3A_22] : memref<16384xi32, #tpu.memory_space<hbm>> -> memref<512xi32, #tpu.memory_space<hbm>>
      %dma_wait3A_35 = arith.constant 0 : i32
      %dma_wait3A_36 = tpu.memref_slice %arg13[%dma_wait3A_35] : memref<544xi32, #tpu.memory_space<vmem>> -> memref<512xi32, #tpu.memory_space<vmem>>
      tpu.wait_dma2 semaphore(%run_scoped3A : memref<!tpu.dma_semaphore, #tpu.memory_space<semaphore_mem>>) src(%dma_wait3A_36 : memref<512xi32, #tpu.memory_space<vmem>>) dst(%dma_wait3A_34 : memref<512xi32, #tpu.memory_space<hbm>>)
      tpu.yield
    }) : () -> ()
    %mul3A_23 = arith.constant 4 : i32
    %mul3A_24 = arith.muli %add3A, %mul3A_23 : i32
    %mul3A_25 = arith.constant 128 : i32
    %mul3A_26 = arith.muli %mul3A_24, %mul3A_25 : i32
    "tpu.region"() ({
      %run_scoped3A = tpu.sem_alloc : memref<!tpu.dma_semaphore, #tpu.memory_space<semaphore_mem>>
      %dma_start3A = arith.constant 0 : i32
      %dma_start3A_27 = tpu.memref_slice %arg14[%dma_start3A] : memref<544xf32, #tpu.memory_space<vmem>> -> memref<512xf32, #tpu.memory_space<vmem>>
      %dma_start3A_28 = tpu.memref_slice %arg5[%mul3A_26] : memref<16384xf32, #tpu.memory_space<hbm>> -> memref<512xf32, #tpu.memory_space<hbm>>
      %dma_start3A_29 = tpu.memref_slice %arg5[%mul3A_26] : memref<16384xf32, #tpu.memory_space<hbm>> -> memref<512xf32, #tpu.memory_space<hbm>>
      %dma_start3A_30 = arith.constant 0 : i32
      %dma_start3A_31 = tpu.memref_slice %arg14[%dma_start3A_30] : memref<544xf32, #tpu.memory_space<vmem>> -> memref<512xf32, #tpu.memory_space<vmem>>
      tpu.enqueue_dma source(%dma_start3A_31 : memref<512xf32, #tpu.memory_space<vmem>>) target(%dma_start3A_29 : memref<512xf32, #tpu.memory_space<hbm>>) target_semaphore(%run_scoped3A : memref<!tpu.dma_semaphore, #tpu.memory_space<semaphore_mem>>)
      %dma_wait3A = arith.constant 0 : i32
      %dma_wait3A_32 = tpu.memref_slice %arg14[%dma_wait3A] : memref<544xf32, #tpu.memory_space<vmem>> -> memref<512xf32, #tpu.memory_space<vmem>>
      %dma_wait3A_33 = tpu.memref_slice %arg5[%mul3A_26] : memref<16384xf32, #tpu.memory_space<hbm>> -> memref<512xf32, #tpu.memory_space<hbm>>
      %dma_wait3A_34 = tpu.memref_slice %arg5[%mul3A_26] : memref<16384xf32, #tpu.memory_space<hbm>> -> memref<512xf32, #tpu.memory_space<hbm>>
      %dma_wait3A_35 = arith.constant 0 : i32
      %dma_wait3A_36 = tpu.memref_slice %arg14[%dma_wait3A_35] : memref<544xf32, #tpu.memory_space<vmem>> -> memref<512xf32, #tpu.memory_space<vmem>>
      tpu.wait_dma2 semaphore(%run_scoped3A : memref<!tpu.dma_semaphore, #tpu.memory_space<semaphore_mem>>) src(%dma_wait3A_36 : memref<512xf32, #tpu.memory_space<vmem>>) dst(%dma_wait3A_34 : memref<512xf32, #tpu.memory_space<hbm>>)
      tpu.yield
    }) : () -> ()
    return
  }
}

module attributes {stable_mosaic.version = 14 : i64} {
  func.func @_dist_body(%arg0: i32, %arg1: memref<128x128xf32, #tpu.memory_space<vmem>>, %arg2: memref<8192x128xf32, #tpu.memory_space<vmem>>, %arg3: memref<128x128xf32, #tpu.memory_space<vmem>>, %arg4: memref<128x8192xi32, #tpu.memory_space<vmem>>, %arg5: memref<1x64x128xi32, #tpu.memory_space<vmem>>) attributes {dimension_semantics = [#tpu.dimension_semantics<arbitrary>], iteration_bounds = array<i64: 13>, scalar_prefetch = 0 : i64, scratch_operands = 0 : i64, tpu.core_type = #tpu.core_type<tc>, window_params = [{pipeline_mode = #tpu.pipeline_mode<synchronous>, transform_indices = @transform_0, window_bounds = array<i64: 128, 128>}, {transform_indices = @transform_1, window_bounds = array<i64: 8192, 128>}, {pipeline_mode = #tpu.pipeline_mode<synchronous>, transform_indices = @transform_2, window_bounds = array<i64: 128, 128>}, {transform_indices = @transform_3, window_bounds = array<i64: 128, 8192>}, {transform_indices = @transform_4, window_bounds = array<i64: 1, 64, 128>}]} {
    %get3A = arith.constant 0 : index
    %get3A_0 = arith.constant 0 : index
    %get3A_1 = vector.load %arg3[%get3A, %get3A_0] : memref<128x128xf32, #tpu.memory_space<vmem>>, vector<128x128xf32>
    %transpose3A = tpu.transpose %get3A_1, [1, 0] : vector<128x128xf32> -> vector<128x128xf32>
    %get3A_2 = arith.constant 0 : index
    %get3A_3 = arith.constant 0 : index
    %get3A_4 = vector.load %arg1[%get3A_2, %get3A_3] : memref<128x128xf32, #tpu.memory_space<vmem>>, vector<128x128xf32>
    %dot_general3A = arith.constant dense<0.000000e+00> : vector<128x128xf32>
    %dot_general3A_5 = tpu.matmul %get3A_4, %transpose3A, %dot_general3A {dimension_numbers = #tpu.dot_dimension_numbers<[1], [0], [0], [1], [0, 0, 1, 1], [], []>, transpose_lhs_hint = false} : vector<128x128xf32>, vector<128x128xf32>, vector<128x128xf32> -> vector<128x128xf32>
    %gt3A = arith.constant 0.000000e+00 : f32
    %gt3A_6 = vector.broadcast %gt3A : f32 to vector<128x128xf32>
    %gt3A_7 = arith.cmpf ogt, %dot_general3A_5, %gt3A_6 : vector<128x128xf32>
    %convert_element_type3A = arith.extui %gt3A_7 : vector<128x128xi1> to vector<128x128xi32>
    %convert_element_type3A_8 = arith.sitofp %convert_element_type3A : vector<128x128xi32> to vector<128x128xf32>
    %get3A_9 = arith.constant 0 : index
    %get3A_10 = arith.constant 0 : index
    %get3A_11 = vector.load %arg2[%get3A_9, %get3A_10] : memref<8192x128xf32, #tpu.memory_space<vmem>>, vector<8192x128xf32>
    %dot_general3A_12 = arith.constant dense<0.000000e+00> : vector<8192x128xf32>
    %dot_general3A_13 = tpu.matmul %get3A_11, %transpose3A, %dot_general3A_12 {dimension_numbers = #tpu.dot_dimension_numbers<[1], [0], [0], [1], [0, 0, 1, 1], [], []>, transpose_lhs_hint = false} : vector<8192x128xf32>, vector<128x128xf32>, vector<8192x128xf32> -> vector<8192x128xf32>
    %gt3A_14 = arith.constant 0.000000e+00 : f32
    %gt3A_15 = vector.broadcast %gt3A_14 : f32 to vector<8192x128xf32>
    %gt3A_16 = arith.cmpf ogt, %dot_general3A_13, %gt3A_15 : vector<8192x128xf32>
    %convert_element_type3A_17 = arith.extui %gt3A_16 : vector<8192x128xi1> to vector<8192x128xi32>
    %convert_element_type3A_18 = arith.sitofp %convert_element_type3A_17 : vector<8192x128xi32> to vector<8192x128xf32>
    %reduce_sum3A = arith.constant dense<0.000000e+00> : vector<128xf32>
    %reduce_sum3A_19 = vector.multi_reduction <add>, %convert_element_type3A_8, %reduce_sum3A [1] : vector<128x128xf32> to vector<128xf32>
    %broadcast_in_dim3A = vector.shape_cast %reduce_sum3A_19 : vector<128xf32> to vector<128x1xf32>
    %reduce_sum3A_20 = arith.constant dense<0.000000e+00> : vector<8192xf32>
    %reduce_sum3A_21 = vector.multi_reduction <add>, %convert_element_type3A_18, %reduce_sum3A_20 [1] : vector<8192x128xf32> to vector<8192xf32>
    %broadcast_in_dim3A_22 = vector.shape_cast %reduce_sum3A_21 : vector<8192xf32> to vector<8192x1xf32>
    %transpose3A_23 = tpu.transpose %broadcast_in_dim3A_22, [1, 0] : vector<8192x1xf32> -> vector<1x8192xf32>
    %dot_general3A_24 = arith.constant dense<0.000000e+00> : vector<128x8192xf32>
    %dot_general3A_25 = tpu.matmul %convert_element_type3A_8, %convert_element_type3A_18, %dot_general3A_24 {dimension_numbers = #tpu.dot_dimension_numbers<[1], [1], [0], [0], [0, 0, 1, 0], [], []>, transpose_lhs_hint = false} : vector<128x128xf32>, vector<8192x128xf32>, vector<128x8192xf32> -> vector<128x8192xf32>
    %add3A = vector.broadcast %broadcast_in_dim3A : vector<128x1xf32> to vector<128x8192xf32>
    %add3A_26 = vector.broadcast %transpose3A_23 : vector<1x8192xf32> to vector<128x8192xf32>
    %add3A_27 = arith.addf %add3A, %add3A_26 : vector<128x8192xf32>
    %mul3A = arith.constant 2.000000e+00 : f32
    %mul3A_28 = vector.broadcast %mul3A : f32 to vector<128x8192xf32>
    %mul3A_29 = arith.mulf %mul3A_28, %dot_general3A_25 : vector<128x8192xf32>
    %sub3A = arith.subf %add3A_27, %mul3A_29 : vector<128x8192xf32>
    %mul3A_30 = arith.constant 8192 : i32
    %mul3A_31 = arith.muli %arg0, %mul3A_30 : i32
    %iota3A = tpu.iota {dimensions = array<i32: 1>} : vector<1x8192xi32>
    %add3A_32 = vector.broadcast %mul3A_31 : i32 to vector<1x8192xi32>
    %add3A_33 = arith.addi %add3A_32, %iota3A : vector<1x8192xi32>
    %ge3A = arith.constant 100000 : i32
    %ge3A_34 = vector.broadcast %ge3A : i32 to vector<1x8192xi32>
    %ge3A_35 = arith.cmpi sge, %add3A_33, %ge3A_34 : vector<1x8192xi32>
    %jit3A = arith.constant 6.300000e+01 : f32
    %broadcast_in_dim3A_36 = vector.shape_cast %ge3A_35 : vector<1x8192xi1> to vector<1x8192xi1>
    %broadcast_in_dim3A_37 = vector.broadcast %broadcast_in_dim3A_36 : vector<1x8192xi1> to vector<128x8192xi1>
    %broadcast_in_dim3A_38 = vector.broadcast %jit3A : f32 to vector<128x8192xf32>
    %select_n3A = arith.select %broadcast_in_dim3A_37, %broadcast_in_dim3A_38, %sub3A : vector<128x8192xi1>, vector<128x8192xf32>
    %convert_element_type3A_39 = arith.fptosi %select_n3A : vector<128x8192xf32> to vector<128x8192xi32>
    %shift_left3A = arith.constant 4 : i32
    %shift_left3A_40 = vector.broadcast %shift_left3A : i32 to vector<128x8192xi32>
    %shift_left3A_41 = arith.shli %convert_element_type3A_39, %shift_left3A_40 : vector<128x8192xi32>
    %and3A = arith.constant 15 : i32
    %and3A_42 = vector.broadcast %and3A : i32 to vector<1x8192xi32>
    %and3A_43 = arith.andi %add3A_33, %and3A_42 : vector<1x8192xi32>
    %or3A = vector.broadcast %and3A_43 : vector<1x8192xi32> to vector<128x8192xi32>
    %or3A_44 = arith.ori %shift_left3A_41, %or3A : vector<128x8192xi32>
    %swap3A = arith.constant 0 : index
    %swap3A_45 = arith.constant 0 : index
    %swap3A_46 = vector.load %arg4[%swap3A, %swap3A_45] : memref<128x8192xi32, #tpu.memory_space<vmem>>, vector<128x8192xi32>
    tpu.vector_store %arg4[%swap3A, %swap3A_45], %or3A_44 {strides = array<i32>} : memref<128x8192xi32, #tpu.memory_space<vmem>>, vector<128x8192xi32>,
    %reshape3A = vector.shape_cast %or3A_44 : vector<128x8192xi32> to vector<128x64x128xi32>
    %reduce_min3A = arith.constant dense<2147483647> : vector<128x64xi32>
    %reduce_min3A_47 = vector.multi_reduction <minsi>, %reshape3A, %reduce_min3A [2] : vector<128x64x128xi32> to vector<128x64xi32>
    %transpose3A_48 = tpu.transpose %reduce_min3A_47, [1, 0] : vector<128x64xi32> -> vector<64x128xi32>
    %reshape3A_49 = vector.shape_cast %transpose3A_48 : vector<64x128xi32> to vector<1x64x128xi32>
    %swap3A_50 = arith.constant 0 : index
    %swap3A_51 = arith.constant 0 : index
    %swap3A_52 = arith.constant 0 : index
    %swap3A_53 = vector.load %arg5[%swap3A_50, %swap3A_51, %swap3A_52] : memref<1x64x128xi32, #tpu.memory_space<vmem>>, vector<1x64x128xi32>
    tpu.vector_store %arg5[%swap3A_50, %swap3A_51, %swap3A_52], %reshape3A_49 {strides = array<i32>} : memref<1x64x128xi32, #tpu.memory_space<vmem>>, vector<1x64x128xi32>,
    return
  }
  func.func @transform_0(%arg0: i32) -> (i32, i32) {
    %c0_i32 = arith.constant 0 : i32
    %c0_i32_0 = arith.constant 0 : i32
    %c0_i32_1 = arith.constant 0 : i32
    return %c0_i32, %c0_i32_0 : i32, i32
  }
  func.func @transform_1(%arg0: i32) -> (i32, i32) {
    %c0_i32 = arith.constant 0 : i32
    %c0_i32_0 = arith.constant 0 : i32
    return %arg0, %c0_i32 : i32, i32
  }
  func.func @transform_2(%arg0: i32) -> (i32, i32) {
    %c0_i32 = arith.constant 0 : i32
    %c0_i32_0 = arith.constant 0 : i32
    %c0_i32_1 = arith.constant 0 : i32
    return %c0_i32, %c0_i32_0 : i32, i32
  }
  func.func @transform_3(%arg0: i32) -> (i32, i32) {
    %c0_i32 = arith.constant 0 : i32
    %c0_i32_0 = arith.constant 0 : i32
    return %c0_i32, %arg0 : i32, i32
  }
  func.func @transform_4(%arg0: i32) -> (i32, i32, i32) {
    %c0_i32 = arith.constant 0 : i32
    %c0_i32_0 = arith.constant 0 : i32
    %c0_i32_1 = arith.constant 0 : i32
    return %arg0, %c0_i32, %c0_i32_0 : i32, i32, i32
  }
}

</mosaic_0001>

<sc_bundles>
// kernel: kernel.6.cloned.1.call-start
scs
__scs_entry_jumppad:
0x0: {  	(pc) =	sbr.rel $0x88, $3  }
0x1: {  	(tag) =	ssettag $0x0;
	lr =	simm.s32 $0x1  }
0x2: {  	[smem:$0x3F9E] =	sst lr;
	_ =	strace $0xD0000000  }
0x3: {  	_ = 	snop  }
0x4: {  	_ = 	snop  }
0x5: {  	_ = 	snop  }
0x6: {  	_ = 	snop  }
0x7: {  	_ = 	snop  }
__scs_overlays_trampoline_lowered:
0x8: {  	[smem:$0x3FAD] =	sst s0  }
0x9: {  	[smem:$0x3FAE] =	sst s1  }
0xa: {  	[smem:$0x3FAF] =	sst s2  }
0xb: {  	[smem:$0x3FB0] =	sst s3  }
0xc: {  	[smem:$0x3FB1] =	sst s4  }
0xd: {  	[smem:$0x3FB2] =	sst s5  }
0xe: {  	[smem:$0x3FB3] =	sst s6  }
0xf: {  	[smem:$0x3FB4] =	sst s7  }
0x10: {  	[smem:$0x3FB5] =	sst s8  }
0x11: {  	[smem:$0x3FB6] =	sst s9;
	s0 =	simm.s32 @!p0 $0x0  }
0x12: {  	s1 =	sld [smem:$0x3F9C];
	s0 =	simm.s32 @p0 $0x1  }
0x13: {  	[smem:$0x3FB7] =	sst s0;
	s0 =	simm.s32 @!p1 $0x0  }
0x14: {  	s2 =	sld [smem:$0x3F9B];
	s0 =	simm.s32 @p1 $0x1  }
0x15: {  	[smem:$0x3FB8] =	sst s0;
	s0 =	simm.s32 @!p2 $0x0  }
0x16: {  	s3 =	sld [smem:$0x3FDB];
	s0 =	simm.s32 @p2 $0x1  }
0x17: {  	s4 =	simm.s32 $0x1BF5;
	[smem:$0x3FBA] =	sst s0  }
0x18: {  	s0 =	sld [smem:$0x3F9D];
	_ =	swait.ge [sflag:s4], $0x0  }
0x19: {  	s7 =	sld [smem:$0x3F9E]  }
0x1a: {  	s8 =	sadd.s32 $0xFFFFE003, lr  }
0x1b: {  	s9 =	sadd.s32 $0xFFFFFEF7, lr;
	s5 =	simm.s32 $0xFFFFFFFF;
	p2 =	slt.u32 s8, $0xFFFFF086  }
0x1c: {  	p1 =	slt.u32 s9, $0xF7A;
	s5 =	simm.s32 @!p2 $0x0  }
0x1d: {  	s5 =	simm.s32 @p1 $0x1;
	p0 =	seq.s32 s7, s2  }
0x1e: {  	s7 =	smul.u32 @!p0 $0xF7A, s2;
	p2 =	seq.s32 @!p0 s5, $0x0  }
0x1f: {  	s9 =	smul.u32 $0xF7A, s1;
	s8 =	simm.s32 @!p0 $0x1BF5;
	p2 =	por !p2, p0  }
0x20: {  	[sflag:s8] =	ssyncset.s32 @!p0 $0xFFFFF086;
	s6 =	sadd.s32 @!p0 s3, s7;
	s7 =	simm.s32 @!p0 $0x108  }
0x21: {  	s3 =	sadd.s32 s3, s9;
	s6 =	sadd.s32 @!p0 $0x88, s6;
	s7 =	simm.s32 @p2 $0x1082  }
0x22: {  	[simem:s7], [sflag:s8] =	dma.local @!p0 [hbm:s6], $0xF7A  }
0x23: {  	s9 =	sor.u32 $0xD0000000, s2;
	s6 =	simm.s32 $0x108;
	_ =	swait.ge @!p0 [sflag:s8], $0x0  }
0x24: {  	s3 =	sadd.s32 $0x88, s3;
	s6 =	simm.s32 @!p1 $0x1082;
	[sflag:s4] =	ssyncset.s32 $0xFFFFF086  }
0x25: {  	[simem:s6], [sflag:s4] =	dma.local [hbm:s3], $0xF7A  }
0x26: {  	[smem:$0x3F9E] =	sst s1;
	(tag) =	ssettag s2;
	_ =	strace s9  }
0x27: {  	s1 =	sld [smem:$0x3FAE]  }
0x28: {  	s2 =	sld [smem:$0x3FAF]  }
0x29: {  	s4 =	sld [smem:$0x3FB1]  }
0x2a: {  	p0 =	seq.s32 s5, $0x0;
	s5 =	sld [smem:$0x3FB2]  }
0x2b: {  	s6 =	sld [smem:$0x3FB3]  }
0x2c: {  	s7 =	sld [smem:$0x3FB4]  }
0x2d: {  	s3 =	simm.s32 $0x108;
	s8 =	sld [smem:$0x3FB5]  }
0x2e: {  	s3 =	simm.s32 @!p0 $0x1082;
	s9 =	sld [smem:$0x3FB6]  }
0x2f: {  	lr =	sadd.s32 s0, s3;
	s0 =	sld [smem:$0x3FAD]  }
0x30: {  	s3 =	sld [smem:$0x3FB0]  }
0x31: {  	[smem:$0x3FB9] =	sst s10  }
0x32: {  	s10 =	sld [smem:$0x3FB7];
	_ =	sdelay $0x3  }
0x33: {  	p0 =	seq.s32 s10, $0x1;
	s10 =	sld [smem:$0x3FB9];
	_ =	sdelay $0x3  }
0x34: {  	[smem:$0x3FB9] =	sst s10  }
0x35: {  	s10 =	sld [smem:$0x3FB8];
	_ =	sdelay $0x3  }
0x36: {  	p1 =	seq.s32 s10, $0x1;
	s10 =	sld [smem:$0x3FB9];
	_ =	sdelay $0x3  }
0x37: {  	[smem:$0x3FB9] =	sst s10  }
0x38: {  	s10 =	sld [smem:$0x3FBA]  }
0x39: {  	_ = 	snop;
	(pc) =	sbr.ind lr, $3  }
0x3a: {  	_ = 	snop  }
0x3b: {  	_ = 	snop  }
0x3c: {  	p2 =	seq.s32 s10, $0x1;
	s10 =	sld [smem:$0x3FB9]  }
0x3d: {  	_ =	shalt  }
0x3e: {  	_ =	shalt  }
0x3f: {  	_ =	shalt  }
0x40: {  	_ =	shalt  }
0x41: {  	_ =	shalt  }
0x42: {  	_ =	shalt  }
0x43: {  	_ =	shalt  }
0x44: {  	_ =	shalt  }
0x45: {  	_ =	shalt  }
0x46: {  	_ =	shalt  }
0x47: {  	_ =	shalt  }
0x48: {  	_ =	shalt  }
0x49: {  	_ =	shalt  }
0x4a: {  	_ =	shalt  }
0x4b: {  	_ =	shalt  }
0x4c: {  	_ =	shalt  }
0x4d: {  	_ =	shalt  }
0x4e: {  	_ =	shalt  }
0x4f: {  	_ =	shalt  }
0x50: {  	_ =	shalt  }
0x51: {  	_ =	shalt  }
0x52: {  	_ =	shalt  }
0x53: {  	_ =	shalt  }
0x54: {  	_ =	shalt  }
0x55: {  	_ =	shalt  }
0x56: {  	_ =	shalt  }
0x57: {  	_ =	shalt  }
0x58: {  	_ =	shalt  }
0x59: {  	_ =	shalt  }
0x5a: {  	_ =	shalt  }
0x5b: {  	_ =	shalt  }
0x5c: {  	_ =	shalt  }
0x5d: {  	_ =	shalt  }
0x5e: {  	_ =	shalt  }
0x5f: {  	_ =	shalt  }
0x60: {  	_ =	shalt  }
0x61: {  	_ =	shalt  }
0x62: {  	_ =	shalt  }
0x63: {  	_ =	shalt  }
0x64: {  	_ =	shalt  }
0x65: {  	_ =	shalt  }
0x66: {  	_ =	shalt  }
0x67: {  	_ =	shalt  }
0x68: {  	_ =	shalt  }
0x69: {  	_ =	shalt  }
0x6a: {  	_ =	shalt  }
0x6b: {  	_ =	shalt  }
0x6c: {  	_ =	shalt  }
0x6d: {  	_ =	shalt  }
0x6e: {  	_ =	shalt  }
0x6f: {  	_ =	shalt  }
0x70: {  	_ =	shalt  }
0x71: {  	_ =	shalt  }
0x72: {  	_ =	shalt  }
0x73: {  	_ =	shalt  }
0x74: {  	_ =	shalt  }
0x75: {  	_ =	shalt  }
0x76: {  	_ =	shalt  }
0x77: {  	_ =	shalt  }
0x78: {  	_ =	shalt  }
0x79: {  	_ =	shalt  }
0x7a: {  	_ =	shalt  }
0x7b: {  	_ =	shalt  }
0x7c: {  	_ =	shalt  }
0x7d: {  	_ =	shalt  }
0x7e: {  	_ =	shalt  }
0x7f: {  	_ =	shalt  }
0x80: {  	_ =	shalt  }
0x81: {  	_ =	shalt  }
0x82: {  	_ =	shalt  }
0x83: {  	_ =	shalt  }
0x84: {  	_ =	shalt  }
0x85: {  	_ =	shalt  }
0x86: {  	_ =	shalt  }
0x87: {  	_ =	shalt  }
.Lfunc_end0:
.L_simem_size_0:
called_computation_lowered:
.L_overlay_start_0:
0x88: {  	s2 =	sld [smem:$0x3FD9]  }
0x89: {  	s3 =	sld [smem:$0x3FFE];
	_ =	sdelay $0x1  }
0x8a: {  	s1 =	srdreg.scid  }
0x8b: {  	s0 =	sand.u32 $0x1, s1  }
0x8c: {  	s14 =	sshll.u32 s0, $0xA;
	s2 =	sadd.s32 s3, s2  }
0x8d: {  	s2 =	sadd.s32 s2, s14  }
0x8e: {  	[smem:$0x3FC5] =	sst s2  }
0x8f: {  	_ = 	snop  }
0x90: {  	s2 =	sld [smem:$0x3FD0];
	_ =	sdelay $0x2  }
0x91: {  	s15 =	simm.s32 $0xB;
	s4 =	simm.s32 $0x10  }
0x92: {  	[smem:s4], [sflag:s15] =	dma.local [hbm:s2], $0x1  }
0x93: {  	_ =	swait.eq [sflag:s15], $0x1  }
0x94: {  	[sflag:s15] =	ssyncset.done $0x0  }
0x95: {  	[sflag:s15] =	ssyncadd.s32 $0xFFFFFFFF  }
0x96: {  	s16 =	sld [smem:$0x10];
	(tm) =	ssettm $0x1  }
0x97: {  	s17 =	sld [smem:$0x3FFB];
	_ =	sdelay $0x3  }
0x98: {  	_ =	strace s17  }
0x99: {  	s3 =	sld [smem:$0x3FFC];
	_ =	sdelay $0x3  }
0x9a: {  	_ =	strace s3  }
0x9b: {  	s3 =	sld [smem:$0x3FFD];
	_ =	sdelay $0x3  }
0x9c: {  	_ =	strace s3  }
0x9d: {  	_ =	strace $0x8FFFFFFF  }
0x9e: {  	s18 =	sld [smem:$0x3FDB];
	_ =	sdelay $0x1  }
0x9f: {  	s19 =	simm.s32 $_scs_section_size  }
0xa0: {  	s5 =	simm.s32 $_size__tile_overlayer_lowered;
	s6 =	simm.s32 $_tile_overlayer_lowered  }
0xa1: {  	s22 =	simm.s32 $0x1BFF;
	s21 =	sshll.u32 s6, $0x1;
	s3 =	sadd.s32 s19, s18  }
0xa2: {  	s7 =	simm.s32 $0x0;
	s20 =	sshll.u32 s5, $0x1;
	s5 =	sadd.s32 s21, s3  }
0xa3: {  	[timem:s7], [sflag:s22] =	dma.local [hbm:s5], s20  }
0xa4: {  	_ =	swait.ge [sflag:s22], s20  }
0xa5: {  	s4 =	ssub.s32 $0x0, s20;
	[sflag:s22] =	ssyncset.done $0x0  }
0xa6: {  	[sflag:s22] =	ssyncadd.s32 s4;
	_ =	sdelay $0x1  }
0xa7: {  	s23 =	simm.s32 $0x1B8B  }
0xa8: {  	_ =	swait.ge [sflag:s23], $0x1  }
0xa9: {  	[sflag:s23] =	ssyncset.done $0x0  }
0xaa: {  	s25 =	simm.s32 $0x1B8E;
	s24 =	sld [smem:$0x3FFE];
	[sflag:s23] =	ssyncadd.s32 $0xFFFFFFFF  }
0xab: {  	s26 =	simm.s32 $execute0_lowered;
	[smem:$0x3FD2] =	sst s25  }
0xac: {  	s5 =	sshll.u32 s26, $0x1;
	_ =	strace $0x80000046;
	[dreg:$0x1] =	wrdreg $0xFFFFFFFF  }
0xad: {  	s28 =	simm.s32 $_size_execute0_lowered;
	s3 =	sadd.s32 s3, s5;
	[dreg:$0x0] =	wrdreg $0x0  }
0xae: {  	s5 =	sshll.u32 s28, $0x1;
	[dreg:$0x2] =	wrdreg s3  }
0xaf: {  	[dreg:$0x3] =	wrdreg s5  }
0xb0: {  	[dreg:$0x4] =	wrdreg $0xC0  }
0xb1: {  	_ =	task [dreg:s7], $0x5FFFF  }
0xb2: {  	[dreg:$0x1] =	wrdreg $0xFFFFFFFF  }
0xb3: {  	[dreg:$0x0] =	wrdreg $0x60  }
0xb4: {  	[dreg:$0x2] =	wrdreg s24  }
0xb5: {  	[dreg:$0x3] =	wrdreg s16  }
0xb6: {  	[dreg:$0x4] =	wrdreg $0x9  }
0xb7: {  	_ =	task.clear_ibuf [dreg:s7], $0x5FFFF;
	_ =	strace $0x90000046  }
0xb8: {  	s29 =	simm.s32 $0x9;
	_ =	strace $0x80000048  }
0xb9: {  	_ =	swait.ge [sflag:s29], $0x1  }
0xba: {  	[sflag:s29] =	ssyncadd.s32 $0xFFFFFFFF  }
0xbb: {  	_ =	strace $0x90000048  }
0xbc: {  	_ =	sfence  }
0xbd: {  	s30 =	sld [smem:$0x0];
	_ =	sdelay $0x2  }
0xbe: {  	s31 =	sshll.u32 s1, $0xD;
	s1 =	sshrl.u32 s1, $0x2  }
0xbf: {  	s3 =	sand.u32 $0x4000, s31;
	s1 =	sadd.s32 s1, s30  }
0xc0: {  	s0 =	sor.u32 s3, s0;
	s1 =	sshll.u32 s1, $0x11  }
0xc1: {  	s0 =	sor.u32 s1, s0  }
0xc2: {  	s0 =	sadd.s32 $0x8F2B, s0  }
0xc3: {  	[sflag:s0] =	ssyncadd.remote.s32 $0x1  }
0xc4: {  	_ =	sfence.sel $0xFFFF  }
0xc5: {  	[dreg:$0x0] =	wrdreg $0xFFFFFFFF;
	(pc) =	sbr.abs _section_cstart, $3  }
0xc6: {  	[dreg:$0x1] =	wrdreg $0xFFFFFFFF  }
0xc7: {  	_ =	task.clear_ibuf [dreg:s7], $0x2FFFF;
	_ =	strace $0x9FFFFFFF  }
0xc8: {  	(tm) =	ssettm $0x7FFFFFFF  }
0xc9: {  	_ =	shalt  }
tec
execute0_lowered:
.L_overlay_start_1:
0x0: {  	(tag) =	ssettag $0x1  }
0x1: {  	s0 =	rddreg [dreg:$0x0]  }
0x2: {  	s6 =	rddreg [dreg:$0x1]  }
0x3: {  	s2 =	simm.s32 $0x0;
	s3 =	srdreg.scid;
	s1 =	stileid.u32  }
0x4: {  	s11 =	simm.s32 $0x1C000;
	s12 =	simm.s32 $0x2;
	s13 =	simm.s32 $0x80  }
0x5: {  	s14 =	simm.s32 $0x1;
	s15 =	simm.s32 $0x1CE00;
	s16 =	simm.s32 $0x1DB00  }
0x6: {  	s17 =	simm.s32 $0x1DD80;
	s18 =	simm.s32 $0x0;
	[smem:$0x7FF] =	sst s2  }
0x7: {  	s4 =	sand.u32 $0x1, s3;
	s5 =	smul.u32 $0x1C00, s1;
	s3 =	sadd.s32 $0x1A1600, s0  }
0x8: {  	s8 =	sshll.u32 s1, $0x1;
	_ =	strace $0x80000047;
	s7 =	sshll.u32 s4, $0x9  }
.Ltmp0:
0x9: {  	s31 =	sor.u32 s4, s8;
	s4 =	ssub.s32 $0x2, s4;
	(pc) =	sbr.rel .LBB2_1-.Ltmp0, $4  }
0xa: {  	s5 =	sor.u32 s7, s5;
	s8 =	sshll.u32 s31, $0x6;
	s9 =	sshrl.u32 s4, $0x1  }
0xb: {  	v0 =	vimm.s32 $0x0;
	s5 =	sshrl.u32 s5, $0x3;
	s9 =	ssub.s32 s4, s9;
	s4 =	sshll.u32 s31, $0x2  }
0xc: {  	v1 =	vlaneseq.u32;
	v2 =	vimm.s32 $0x1;
	vm0 =	vmxor vm0, vm0;
	s6 =	sadd.s32 s6, s8;
	s5 =	sadd.s32 s5, s0;
	s0 =	sadd.s32 s8, s0  }
0xd: {  	v3 =	vor.u32 $0x10, v1;
	v4 =	vor.u32 $0x20, v1;
	v5 =	vor.u32 $0x30, v1;
	s8 =	smax.u32 s9, $0x1;
	s5 =	sadd.s32 $0x1600, s5;
	s7 =	sadd.s32 $0x4E00, s0  }
.LBB2_27:
0xe: {  	[hbm4b:s6+s2] =	stream.linear.scatter [tilespmem:s16], [sflag:$0x2], $0x200, $0x38;
	[tilespmem:$0x1E000] =	vst v63  }
0xf: {  	s18 =	sadd.s32 $0x1, s18;
	_ =	swait.ge [sflag:s12], $0x200  }
0x10: {  	p0 =	sne.s32 s18, s8;
	[sflag:s12] =	ssyncset.done $0x0  }
.Ltmp1:
0x11: {  	[sflag:s12] =	ssyncadd.s32 $0xFFFFFE00;
	(pc) =	sbr.rel @!p0 .LBB2_28-.Ltmp1, $4  }
0x12: {  	[hbm4b:s7+s2] =	stream.linear.scatter [tilespmem:s17], [sflag:$0x2], $0x200, $0x38;
	[tilespmem:$0x1E000] =	vst v63  }
0x13: {  	_ =	swait.ge [sflag:s12], $0x200  }
0x14: {  	[sflag:s12] =	ssyncset.done $0x0  }
0x15: {  	[sflag:s12] =	ssyncadd.s32 $0xFFFFFE00  }
.LBB2_1:
0x16: {  	s0 =	simm.s32 $0x40;
	s19 =	simm.s32 $0x0  }
.LBB2_2:
0x17: {  	p0 =	sne.s32 s0, $0xFC0;
	[tilespmem:s19+$0x1CE00] =	vst v0;
	s19 =	smov.u32 s0;
	s0 =	sadd.s32 $0x40, s0  }
.Ltmp2:
0x18: {  	(pc) =	sbr.rel @p0 .LBB2_2-.Ltmp2, $2  }
0x19: {  	_ =	sdelay $0x2  }
0x1a: {  	s19 =	sshra.s32 s19, $0x2  }
.Ltmp3:
0x1b: {  	[tilespmem:s19+$0x1CE00] =	vst v0;
	s0 =	simm.s32 $0x200;
	s1 =	simm.s32 $0x400;
	(pc) =	sbr.rel .LBB2_4-.Ltmp3, $4  }
0x1c: {  	[tilespmem:s11], [sflag:$0x2] =	stream.strided.gather [hbm4b:s5+s0], $0xE00, s1, s0, $0x38;
	[tilespmem:$0x1E000] =	vst v63  }
0x1d: {  	_ =	swait.ge [sflag:s12], $0xE00  }
0x1e: {  	[sflag:s12] =	ssyncset.done $0x0  }
0x1f: {  	s19 =	simm.s32 $0x0;
	s20 =	simm.s32 $0x0;
	[sflag:s12] =	ssyncadd.s32 $0xFFFFF200  }
.LBB2_25:
0x20: {  	(v2sf) =	vpush v6, $0x0;
	_ =	sdelay $0xe  }
0x21: {  	s0 =	spop (v2sf)  }
0x22: {  	s1 =	sshrl.u32 s0, $0x11  }
0x23: {  	s9 =	sld [smem:s1+$0x0];
	_ =	sdelay $0x2  }
0x24: {  	s10 =	sadd.s32 s21, s9  }
0x25: {  	v6 =	vmov s10;
	_ =	sdelay $0x2  }
0x26: {  	s0 =	sand.u32 $0x1FFFF, s0;
	s30 =	scvt.s32.f32 s1  }
0x27: {  	v7 =	vmov s0  }
0x28: {  	s31 =	sadd.s32 $0x1, s9;
	[tilespmem:v6+s16+$0x0] =	vst.idx.msk $0x1, v7;
	v7 =	vmov s30  }
0x29: {  	[smem:s1] =	sst s31;
	[tilespmem:v6+s17+$0x0] =	vst.idx.msk $0x1, v7  }
.LBB2_26:
0x2a: {  	v6 =	vld [tilespmem:$0x1DA80];
	_ =	sdelay $0x3  }
0x2b: {  	s0 =	scvt.s32.f32 s23;
	v7 =	vmov s25  }
0x2c: {  	s1 =	sadd.s32 s21, s24;
	vm1 =	vgt.s32 v7, v1;
	v6 =	vand.u32 $0x1FFFF, v6  }
0x2d: {  	v8 =	vmov s0;
	[tilespmem:s1+$0x1DB00] =	vst.msk vm1, v6  }
0x2e: {  	[tilespmem:s1+$0x1DD80] =	vst.msk vm1, v8  }
0x2f: {  	v6 =	vld [tilespmem:$0x1DA90];
	_ =	sdelay $0x4  }
0x30: {  	vm1 =	vgt.s32 v7, v3;
	v6 =	vand.u32 $0x1FFFF, v6  }
0x31: {  	[tilespmem:s1+$0x1DB10] =	vst.msk vm1, v6  }
0x32: {  	[tilespmem:s1+$0x1DD90] =	vst.msk vm1, v8  }
0x33: {  	v6 =	vld [tilespmem:$0x1DAA0];
	_ =	sdelay $0x4  }
0x34: {  	vm1 =	vgt.s32 v7, v4;
	v6 =	vand.u32 $0x1FFFF, v6  }
0x35: {  	[tilespmem:s1+$0x1DB20] =	vst.msk vm1, v6  }
0x36: {  	[tilespmem:s1+$0x1DDA0] =	vst.msk vm1, v8  }
0x37: {  	v6 =	vld [tilespmem:$0x1DAB0]  }
0x38: {  	s20 =	sadd.s32 $0x1, s20  }
0x39: {  	p0 =	sne.s32 s20, $0x4  }
.Ltmp4:
0x3a: {  	_ = 	snop;
	(pc) =	sbr.rel @!p0 .LBB2_27-.Ltmp4, $4  }
0x3b: {  	_ = 	snop  }
0x3c: {  	vm1 =	vgt.s32 v7, v5;
	v6 =	vand.u32 $0x1FFFF, v6  }
0x3d: {  	[tilespmem:s1+$0x1DB30] =	vst.msk vm1, v6  }
0x3e: {  	[tilespmem:s1+$0x1DDB0] =	vst.msk vm1, v8  }
.LBB2_4:
0x3f: {  	s21 =	sshll.u32 s20, $0x7  }
0x40: {  	s0 =	sand.u32 $0x3FFFFF80, s21  }
0x41: {  	s29 =	sand.u32 $0xE00, s19;
	s22 =	sadd.s32 $0x1C000, s0  }
0x42: {  	s23 =	sand.u32 $0x70, s19;
	s0 =	sadd.s32 s29, s22  }
0x43: {  	s0 =	sadd.s32 s23, s0  }
0x44: {  	v6 =	vld [tilespmem:s0+$0x0];
	_ =	sdelay $0x1  }
0x45: {  	s30 =	simm.s32 $0x40  }
0x46: {  	s31 =	simm.s32 $0x10;
	s0 =	sand.u32 $0xE00, s30  }
0x47: {  	s23 =	sand.u32 $0x70, s31;
	s0 =	sadd.s32 s0, s22  }
0x48: {  	s23 =	sadd.s32 s23, s0;
	v6 =	vand.u32 $0xFFFFFFF0, v6  }
0x49: {  	v7 =	vld [tilespmem:s23+$0x0];
	v6 =	vor.u32 v1, v6  }
0x4a: {  	s0 =	simm.s32 $0x20;
	s23 =	simm.s32 $0x80  }
.LBB2_5:
0x4b: {  	s24 =	sand.u32 $0xE00, s23;
	s25 =	smov.u32 s0  }
0x4c: {  	p0 =	sne.s32 s0, $0x370;
	s0 =	sadd.s32 $0x10, s0;
	s25 =	sand.u32 $0x70, s25  }
.Ltmp5:
0x4d: {  	s26 =	sadd.s32 s24, s22;
	s24 =	simm.s32 $0x1CE00;
	(pc) =	sbr.rel @p0 .LBB2_5-.Ltmp5, $3  }
0x4e: {  	s25 =	sadd.s32 s25, s26;
	v8 =	vand.u32 $0xFFFFFFF0, v7;
	[tilespmem:v6+s24+$0x0] =	vst.idx.add.s32.msk $0xffff, v2  }
0x4f: {  	v7 =	vld [tilespmem:s25+$0x0];
	v6 =	vor.u32 v1, v8;
	_ =	sdelay $0x1  }
0x50: {  	s23 =	sadd.s32 $0x40, s23  }
0x51: {  	_ =	sdelay $0x1  }
0x52: {  	v7 =	vand.u32 $0xFFFFFFF0, v7  }
0x53: {  	v7 =	vor.u32 v1, v7;
	_ =	sdelay $0x3  }
0x54: {  	[tilespmem:v6+s24+$0x0] =	vst.idx.add.s32.msk $0xffff, v2  }
0x55: {  	[tilespmem:v7+s24+$0x0] =	vst.idx.add.s32.msk $0xffff, v2  }
0x56: {  	v6 =	vld [tilespmem:s24+$0x0];
	_ =	sdelay $0x4  }
0x57: {  	(xrf0) =	vadd.scan.msk.s32 $0xffff, v6;
	_ =	sdelay $0x5  }
0x58: {  	v6, _, _ =	vpop (xrf0)  }
0x59: {  	(v2sf) =	vpush v6, $0xF;
	_ =	sdelay $0x1  }
0x5a: {  	s0 =	simm.s32 $0x1CE10;
	[tilespmem:s24+$0x0] =	vst v0  }
0x5b: {  	v6 =	vld [tilespmem:s0+$0x0];
	_ =	sdelay $0x1  }
0x5c: {  	s24 =	simm.s32 $0x1CE20;
	[tilespmem:s0+$0x0] =	vst v0  }
0x5d: {  	v7 =	vld [tilespmem:s24+$0x0];
	_ =	sdelay $0x1  }
0x5e: {  	(xrf0) =	vadd.scan.msk.s32 $0xffff, v6;
	_ =	sdelay $0x2  }
0x5f: {  	(xrf0) =	vadd.scan.msk.s32 $0xffff, v7;
	_ =	sdelay $0x2  }
0x60: {  	v7, _, _ =	vpop (xrf0)  }
0x61: {  	s25 =	spop (v2sf);
	(v2sf) =	vpush v7, $0xF;
	_ =	sdelay $0x1  }
0x62: {  	v7, _, _ =	vpop (xrf0)  }
0x63: {  	s28 =	simm.s32 $0x1CE30;
	[tilespmem:s24+$0x0] =	vst v0;
	(v2sf) =	vpush v7, $0xF  }
0x64: {  	v6 =	vld [tilespmem:s28+$0x0];
	_ =	sdelay $0x1  }
0x65: {  	s31 =	simm.s32 $0x0;
	s23 =	simm.s32 $0x1  }
0x66: {  	s26 =	simm.s32 $0x2;
	s30 =	simm.s32 $0x40;
	s0 =	sadd.s32 $0x0, s25  }
0x67: {  	s29 =	simm.s32 $0x4;
	p1 =	por $0x1, $0x1;
	p0 =	sgt.s32 s0, $0x3F  }
0x68: {  	s24 =	simm.s32 $0x40;
	[tilespmem:s28+$0x0] =	vst v0;
	(xrf0) =	vadd.scan.msk.s32 $0xffff, v6;
	s25 =	simm.s32 $0x3;
	s30 =	smov.u32 @p0 s31  }
.LBB2_7:
0x69: {  	p0 =	sne.s32 s29, $0x3F;
	s28 =	sadd.s32 $0x10, s28;
	s24 =	smov.u32 @p1 s30  }
0x6a: {  	s31 =	smov.u32 s26;
	s26 =	smov.u32 s25;
	s25 =	smov.u32 s29  }
0x6b: {  	s29 =	sadd.s32 $0x1, s29;
	v6 =	vld [tilespmem:s28+$0x0]  }
0x6c: {  	[tilespmem:s28+$0x0] =	vst v0  }
.Ltmp6:
0x6d: {  	(pc) =	sbr.rel @p0 .LBB2_7-.Ltmp6, $4  }
0x6e: {  	v7, _, _ =	vpop (xrf0);
	s30 =	spop (v2sf)  }
0x6f: {  	(v2sf) =	vpush v7, $0xF;
	s0 =	sadd.s32 s0, s30  }
0x70: {  	s30 =	smov.u32 s24;
	(xrf0) =	vadd.scan.msk.s32 $0xffff, v6;
	p2 =	sgt.s32 s0, $0x3F  }
0x71: {  	p1 =	seq.s32 s24, $0x40;
	s30 =	smov.u32 @p2 s23;
	s23 =	smov.u32 s31  }
0x72: {  	_ =	sdelay $0x3  }
0x73: {  	v6, _, _ =	vpop (xrf0)  }
0x74: {  	(v2sf) =	vpush v6, $0xF;
	_ =	sdelay $0x7  }
0x75: {  	s28 =	spop (v2sf)  }
0x76: {  	s24 =	smov.u32 @p1 s30;
	s0 =	sadd.s32 s0, s28  }
0x77: {  	s28 =	smov.u32 s24;
	p0 =	sgt.s32 s0, $0x3F  }
0x78: {  	p1 =	seq.s32 s24, $0x40;
	s28 =	smov.u32 @p0 s23  }
0x79: {  	s23 =	simm.s32 $0x0;
	s24 =	smov.u32 @p1 s28;
	s9 =	spop (v2sf)  }
0x7a: {  	s10 =	sand.u32 $0xE00, s23;
	s30 =	sand.u32 $0x70, s23;
	s0 =	sadd.s32 s0, s9  }
0x7b: {  	s28 =	smov.u32 s24;
	p1 =	seq.s32 s24, $0x40;
	p0 =	sgt.s32 s0, $0x3F  }
0x7c: {  	s28 =	smov.u32 @p0 s26;
	s26 =	sadd.s32 s10, s22;
	s29 =	spop (v2sf)  }
0x7d: {  	s24 =	smov.u32 @p1 s28;
	s26 =	sadd.s32 s30, s26;
	s0 =	sadd.s32 s0, s29  }
0x7e: {  	v7 =	vld [tilespmem:s26+$0x0];
	p0 =	sgt.s32 s0, $0x3F;
	s0 =	smov.u32 s24  }
0x7f: {  	p1 =	seq.s32 s24, $0x40;
	s0 =	smov.u32 @p0 s25  }
0x80: {  	s24 =	smov.u32 @p1 s0  }
0x81: {  	s0 =	sshllo.u32 s24, $0x4  }
0x82: {  	v6 =	vmov s0  }
0x83: {  	vm1 =	vle.s32 v7, v6  }
0x84: {  	v7 =	vsel vm1, $0x1, v0  }
0x85: {  	(xrf0) =	vadd.scan.msk.s32 $0xffff, v7;
	_ =	sdelay $0x4  }
0x86: {  	s26 =	simm.s32 $0x40  }
0x87: {  	s25 =	simm.s32 $0x10;
	s0 =	sand.u32 $0xE00, s26;
	v7, _, _ =	vpop (xrf0)  }
0x88: {  	v8 =	vor.u32 s23, v1;
	s31 =	sand.u32 $0x70, s25;
	s0 =	sadd.s32 s0, s22;
	(v2sf) =	vpush v7, $0xF  }
0x89: {  	s0 =	sadd.s32 s31, s0;
	[tilespmem:s23+$0x1D200] =	vst.msk vm1, v8  }
0x8a: {  	v7 =	vld [tilespmem:s0+$0x0];
	_ =	sdelay $0x4  }
0x8b: {  	vm1 =	vle.s32 v7, v6  }
0x8c: {  	v7 =	vsel vm1, $0x1, v0  }
0x8d: {  	(xrf0) =	vadd.scan.msk.s32 $0xffff, v7;
	_ =	sdelay $0x3  }
0x8e: {  	s24 =	simm.s32 $0x20  }
0x8f: {  	s28 =	sand.u32 $0x70, s24;
	s0 =	simm.s32 $0x80  }
0x90: {  	s26 =	simm.s32 $0x30;
	s29 =	sand.u32 $0xE00, s0;
	v7, _, _ =	vpop (xrf0);
	s30 =	spop (v2sf)  }
.LBB2_9:
0x91: {  	p0 =	sne.s32 s26, $0x370;
	s29 =	sadd.s32 s29, s22;
	v8 =	vor.u32 s25, v1;
	(v2sf) =	vpush v7, $0xF;
	s23 =	sadd.s32 s23, s30  }
0x92: {  	s25 =	smov.u32 s24;
	s24 =	smov.u32 s26;
	s28 =	sadd.s32 s28, s29;
	[tilespmem:s23+$0x1D200] =	vst.msk vm1, v8  }
0x93: {  	v7 =	vld [tilespmem:s28+$0x0];
	_ =	sdelay $0x4  }
0x94: {  	vm1 =	vle.s32 v7, v6  }
0x95: {  	v7 =	vsel vm1, $0x1, v0  }
0x96: {  	(xrf0) =	vadd.scan.msk.s32 $0xffff, v7;
	_ =	sdelay $0x1  }
.Ltmp7:
0x97: {  	(pc) =	sbr.rel @p0 .LBB2_9-.Ltmp7, $3  }
0x98: {  	_ =	sdelay $0x1  }
0x99: {  	s0 =	sadd.s32 $0x40, s0;
	s28 =	sand.u32 $0x70, s26  }
0x9a: {  	s29 =	sand.u32 $0xE00, s0;
	s26 =	sadd.s32 $0x10, s26;
	v7, _, _ =	vpop (xrf0);
	s30 =	spop (v2sf)  }
0x9b: {  	s0 =	sadd.s32 s29, s22;
	v8 =	vor.u32 s25, v1;
	s23 =	sadd.s32 s23, s30  }
0x9c: {  	s0 =	sadd.s32 s28, s0;
	[tilespmem:s23+$0x1D200] =	vst.msk vm1, v8  }
0x9d: {  	v8 =	vld [tilespmem:s0+$0x0];
	_ =	sdelay $0x4  }
0x9e: {  	vm1 =	vle.s32 v8, v6  }
0x9f: {  	v6 =	vsel vm1, $0x1, v0  }
0xa0: {  	(xrf0) =	vadd.scan.msk.s32 $0xffff, v6;
	_ =	sdelay $0x2  }
0xa1: {  	(v2sf) =	vpush v7, $0xF;
	_ =	sdelay $0x2  }
0xa2: {  	v6, _, _ =	vpop (xrf0)  }
0xa3: {  	(v2sf) =	vpush v6, $0xF;
	_ =	sdelay $0xa  }
0xa4: {  	s25 =	spop (v2sf)  }
0xa5: {  	v6 =	vor.u32 s24, v1;
	s23 =	sadd.s32 s23, s25  }
0xa6: {  	s26 =	simm.s32 $0x1D200;
	[tilespmem:s23+$0x1D200] =	vst.msk vm1, v6  }
0xa7: {  	v8 =	vld [tilespmem:s26+$0x0]  }
0xa8: {  	s28 =	simm.s32 $0x1D210;
	s24 =	spop (v2sf)  }
0xa9: {  	s29 =	sadd.s32 s4, s20;
	s26 =	simm.s32 $0x0;
	v9 =	vld [tilespmem:s28+$0x0];
	s22 =	sadd.s32 s23, s24  }
0xaa: {  	s30 =	smul.u32 $0x340, s29;
	v7 =	vor.u32 s26, v1;
	v6 =	vmov s22  }
0xab: {  	s31 =	simm.s32 $0x10;
	vm1 =	vlt.s32 v7, v6  }
0xac: {  	v10 =	vor.u32 s31, v1;
	v7 =	vmov s30;
	v8 =	vnsel vm1, $0x0, v8  }
0xad: {  	s0 =	simm.s32 $0x1D600;
	vm1 =	vlt.s32 v10, v6;
	v8 =	vadd.s32 v7, v8  }
0xae: {  	s25 =	simm.s32 $0x20;
	s26 =	simm.s32 $0x1D220;
	[tilespmem:s0+$0x0] =	vst v8;
	v8 =	vnsel vm1, $0x0, v9  }
.LBB2_11:
0xaf: {  	p0 =	sne.s32 s25, $0x370  }
0xb0: {  	v9 =	vld [tilespmem:s26+$0x0];
	v8 =	vadd.s32 v7, v8;
	s0 =	sadd.s32 $0x10, s0;
	s28 =	smov.u32 s25;
	s25 =	sadd.s32 $0x10, s25  }
.Ltmp8:
0xb1: {  	[tilespmem:s0+$0x0] =	vst v8;
	(pc) =	sbr.rel @p0 .LBB2_11-.Ltmp8, $4  }
0xb2: {  	_ = 	snop  }
0xb3: {  	v8 =	vor.u32 s28, v1  }
0xb4: {  	vm1 =	vlt.s32 v8, v6  }
0xb5: {  	s26 =	sadd.s32 $0x10, s26;
	v8 =	vnsel vm1, $0x0, v9  }
0xb6: {  	s25 =	sadd.s32 $0x7F, s22  }
0xb7: {  	s26 =	sshra.s32 s25, $0x7  }
0xb8: {  	p0 =	sgt.s32 s26, $0x0  }
.Ltmp9:
0xb9: {  	_ = 	snop;
	(pc) =	sbr.rel @!p0 .LBB2_16-.Ltmp9, $3  }
0xba: {  	_ =	sdelay $0x1  }
0xbb: {  	v6 =	vadd.s32 v7, v8;
	s0 =	sadd.s32 $0x10, s0  }
0xbc: {  	[tilespmem:s0+$0x0] =	vst v6  }
0xbd: {  	p0 =	seq.s32 s26, $0x1  }
.Ltmp10:
0xbe: {  	_ = 	snop;
	(pc) =	sbr.rel @p0 .LBB2_15-.Ltmp10, $4  }
0xbf: {  	s0 =	simm.s32 $0x1D600;
	s25 =	simm.s32 $0x0  }
0xc0: {  	[tilespmem:s25], [sflag:$0x1] =	stream.indirect.gather [hbm4b:s3+s13], $0x80, s0, s13, $0xb8;
	[tilespmem:$0x1E000] =	vst v63  }
0xc1: {  	_ =	swait.ge [sflag:s14], $0x4000  }
0xc2: {  	s26 =	sadd.s32 $0xFFFFFFFF, s26;
	[sflag:s14] =	ssyncset.done $0x0  }
.LBB2_14:
0xc3: {  	[sflag:s14] =	ssyncadd.s32 $0xFFFFC000  }
0xc4: {  	s0 =	sadd.s32 $0x80, s0;
	s25 =	sadd.s32 $0x4000, s25;
	p0 =	seq.s32 s26, $0x1  }
.Ltmp11:
0xc5: {  	s26 =	sadd.s32 $0xFFFFFFFF, s26;
	(pc) =	sbr.rel @!p0 .LBB2_14-.Ltmp11, $4  }
0xc6: {  	_ = 	snop  }
0xc7: {  	[tilespmem:s25], [sflag:$0x1] =	stream.indirect.gather [hbm4b:s3+s13], $0x80, s0, s13, $0xb8;
	[tilespmem:$0x1E000] =	vst v63  }
0xc8: {  	_ =	swait.ge [sflag:s14], $0x4000  }
0xc9: {  	[sflag:s14] =	ssyncset.done $0x0  }
.LBB2_15:
0xca: {  	[sflag:s14] =	ssyncadd.s32 $0xFFFFC000  }
.LBB2_16:
0xcb: {  	p0 =	sgt.s32 s22, $0x0  }
.Ltmp12:
0xcc: {  	_ = 	snop;
	(pc) =	sbr.rel @!p0 .LBB2_17-.Ltmp12, $1  }
0xcd: {  	_ =	sdelay $0x3  }
0xce: {  	s0 =	sadd.s32 s23, s24  }
0xcf: {  	p4 =	seq.s32 s0, $0x1  }
.Ltmp13:
0xd0: {  	_ = 	snop;
	(pc) =	sbr.rel @p4 .LBB2_30-.Ltmp13, $3  }
0xd1: {  	_ =	sdelay $0x1  }
0xd2: {  	s23 =	simm.s32 $0x40;
	p0 =	por $0x0, $0x0;
	p1 =	por $0x0, $0x0  }
0xd3: {  	p2 =	por $0x0, $0x0;
	p3 =	por $0x0, $0x0;
	s0 =	sadd.s32 $0xFFFFFFFF, s0;
	v8 =	vld [tilespmem:s23+$0xFFFFFFC0]  }
0xd4: {  	_ =	sdelay $0x4  }
0xd5: {  	p4 =	seq.s32 s0, $0x1  }
.Ltmp14:
0xd6: {  	_ = 	snop;
	(pc) =	sbr.rel @p4 .LBB2_32-.Ltmp14, $4  }
0xd7: {  	_ = 	snop  }
0xd8: {  	s24 =	simm.s32 $0xC0;
	[tilespmem:v8+s15+$0x0] =	vst.idx.add.s32.msk $0xffff, v2  }
0xd9: {  	v8 =	vld [tilespmem:s24+$0xFFFFFFC0]  }
0xda: {  	s0 =	sadd.s32 $0xFFFFFFFF, s0;
	p0 =	por $0x1, $0x1;
	v6 =	vld [tilespmem:s23+$0xFFFFFFD0]  }
0xdb: {  	_ =	sdelay $0x7  }
0xdc: {  	[tilespmem:v6+s15+$0x0] =	vst.idx.add.s32.msk $0xffff, v2  }
0xdd: {  	v7 =	vld [tilespmem:s23+$0xFFFFFFE0];
	_ =	sdelay $0x3  }
0xde: {  	p4 =	seq.s32 s0, $0x1  }
.Ltmp15:
0xdf: {  	s28 =	simm.s32 $0x140;
	[tilespmem:v8+s15+$0x0] =	vst.idx.add.s32.msk $0xffff, v2;
	(pc) =	sbr.rel @p4 .LBB2_34-.Ltmp15, $4  }
0xe0: {  	v8 =	vld [tilespmem:s28+$0xFFFFFFC0]  }
0xe1: {  	v6 =	vld [tilespmem:s24+$0xFFFFFFD0]  }
0xe2: {  	[tilespmem:v7+s15+$0x0] =	vst.idx.add.s32.msk $0xffff, v2  }
0xe3: {  	s0 =	sadd.s32 $0xFFFFFFFF, s0;
	p1 =	por $0x1, $0x1;
	v11 =	vld [tilespmem:s23+$0xFFFFFFF0]  }
0xe4: {  	_ =	sdelay $0x5  }
0xe5: {  	[tilespmem:v6+s15+$0x0] =	vst.idx.add.s32.msk $0xffff, v2  }
0xe6: {  	v7 =	vld [tilespmem:s24+$0xFFFFFFE0]  }
0xe7: {  	[tilespmem:v11+s15+$0x0] =	vst.idx.add.s32.msk $0xffff, v2  }
0xe8: {  	v9 =	vld [tilespmem:s23+$0x0];
	_ =	sdelay $0x2  }
0xe9: {  	s30 =	simm.s32 $0x1C0;
	[tilespmem:v8+s15+$0x0] =	vst.idx.add.s32.msk $0xffff, v2  }
0xea: {  	p4 =	seq.s32 s0, $0x1;
	v8 =	vld [tilespmem:s30+$0xFFFFFFC0]  }
.Ltmp16:
0xeb: {  	v6 =	vld [tilespmem:s28+$0xFFFFFFD0];
	(pc) =	sbr.rel @p4 .LBB2_36-.Ltmp16, $4  }
0xec: {  	[tilespmem:v7+s15+$0x0] =	vst.idx.add.s32.msk $0xffff, v2  }
0xed: {  	v10 =	vld [tilespmem:s24+$0xFFFFFFF0]  }
0xee: {  	[tilespmem:v9+s15+$0x0] =	vst.idx.add.s32.msk $0xffff, v2  }
0xef: {  	s0 =	sadd.s32 $0xFFFFFFFF, s0;
	p2 =	por $0x1, $0x1;
	v7 =	vld [tilespmem:s23+$0x10]  }
0xf0: {  	_ =	sdelay $0x3  }
0xf1: {  	[tilespmem:v6+s15+$0x0] =	vst.idx.add.s32.msk $0xffff, v2  }
0xf2: {  	v9 =	vld [tilespmem:s28+$0xFFFFFFE0]  }
0xf3: {  	[tilespmem:v10+s15+$0x0] =	vst.idx.add.s32.msk $0xffff, v2  }
0xf4: {  	v12 =	vld [tilespmem:s24+$0x0]  }
0xf5: {  	[tilespmem:v7+s15+$0x0] =	vst.idx.add.s32.msk $0xffff, v2  }
0xf6: {  	v13 =	vld [tilespmem:s23+$0x20];
	_ =	sdelay $0x1  }
0xf7: {  	[tilespmem:v8+s15+$0x0] =	vst.idx.add.s32.msk $0xffff, v2  }
0xf8: {  	v6 =	vld [tilespmem:s30+$0xFFFFFFD0]  }
0xf9: {  	[tilespmem:v9+s15+$0x0] =	vst.idx.add.s32.msk $0xffff, v2  }
0xfa: {  	p4 =	seq.s32 s0, $0x1;
	v11 =	vld [tilespmem:s28+$0xFFFFFFF0]  }
.Ltmp17:
0xfb: {  	[tilespmem:v12+s15+$0x0] =	vst.idx.add.s32.msk $0xffff, v2;
	(pc) =	sbr.rel @p4 .LBB2_38-.Ltmp17, $4  }
0xfc: {  	v12 =	vld [tilespmem:s24+$0x10]  }
0xfd: {  	[tilespmem:v13+s15+$0x0] =	vst.idx.add.s32.msk $0xffff, v2  }
0xfe: {  	s31 =	simm.s32 $0x240;
	s0 =	sadd.s32 $0xFFFFFFFF, s0;
	v9 =	vld [tilespmem:s23+$0x30]  }
0xff: {  	p3 =	por $0x1, $0x1;
	s26 =	simm.s32 $0xC0;
	s25 =	simm.s32 $0x240;
	v8 =	vld [tilespmem:s31+$0xFFFFFFC0]  }
.LBB2_39:
0x100: {  	p4 =	seq.s32 s0, $0x1;
	[tilespmem:v6+s15+$0x0] =	vst.idx.add.s32.msk $0xffff, v2  }
0x101: {  	v13 =	vld [tilespmem:s30+$0xFFFFFFE0]  }
0x102: {  	[tilespmem:v11+s15+$0x0] =	vst.idx.add.s32.msk $0xffff, v2  }
0x103: {  	v14 =	vld [tilespmem:s28+$0x0]  }
0x104: {  	[tilespmem:v12+s15+$0x0] =	vst.idx.add.s32.msk $0xffff, v2  }
0x105: {  	v15 =	vld [tilespmem:s26+$0x20]  }
0x106: {  	[tilespmem:v9+s15+$0x0] =	vst.idx.add.s32.msk $0xffff, v2  }
0x107: {  	[tilespmem:v8+s15+$0x0] =	vst.idx.add.s32.msk $0xffff, v2  }
0x108: {  	v6 =	vld [tilespmem:s31+$0xFFFFFFD0]  }
0x109: {  	[tilespmem:v13+s15+$0x0] =	vst.idx.add.s32.msk $0xffff, v2  }
0x10a: {  	v11 =	vld [tilespmem:s30+$0xFFFFFFF0]  }
.Ltmp18:
0x10b: {  	[tilespmem:v14+s15+$0x0] =	vst.idx.add.s32.msk $0xffff, v2;
	(pc) =	sbr.rel @!p4 .LBB2_39-.Ltmp18, $4  }
0x10c: {  	v12 =	vld [tilespmem:s28+$0x10]  }
0x10d: {  	[tilespmem:v15+s15+$0x0] =	vst.idx.add.s32.msk $0xffff, v2  }
0x10e: {  	s31 =	sadd.s32 $0x80, s31;
	v9 =	vld [tilespmem:s26+$0x30];
	s26 =	smov.u32 s28;
	s28 =	smov.u32 s30  }
0x10f: {  	s0 =	sadd.s32 $0xFFFFFFFF, s0;
	s30 =	smov.u32 s25;
	s25 =	smov.u32 s31;
	v8 =	vld [tilespmem:s31+$0xFFFFFFC0]  }
0x110: {  	s0 =	smov.u32 s30  }
0x111: {  	s29 =	smov.u32 s28;
	s28 =	smov.u32 s31;
	s30 =	smov.u32 s25  }
.LBB2_41:
0x112: {  	_ =	sdelay $0x3  }
0x113: {  	[tilespmem:v6+s15+$0x0] =	vst.idx.add.s32.msk @p0 $0xffff, v2  }
0x114: {  	v6 =	vld @p0 [tilespmem:s0+$0xFFFFFFE0]  }
0x115: {  	[tilespmem:v8+s15+$0x0] =	vst.idx.add.s32.msk $0xffff, v2  }
0x116: {  	v8 =	vld [tilespmem:s28+$0xFFFFFFD0];
	_ =	sdelay $0x6  }
0x117: {  	[tilespmem:v6+s15+$0x0] =	vst.idx.add.s32.msk @p0 $0xffff, v2  }
0x118: {  	[tilespmem:v8+s15+$0x0] =	vst.idx.add.s32.msk $0xffff, v2  }
0x119: {  	v8 =	vld [tilespmem:s30+$0xFFFFFFE0]  }
0x11a: {  	v6 =	vld @p0 [tilespmem:s0+$0xFFFFFFF0];
	_ =	sdelay $0x4  }
0x11b: {  	[tilespmem:v11+s15+$0x0] =	vst.idx.add.s32.msk @p1 $0xffff, v2;
	v6 =	vpsel p0, v6, v10  }
0x11c: {  	v10 =	vld @p1 [tilespmem:s29+$0x0]  }
0x11d: {  	[tilespmem:v8+s15+$0x0] =	vst.idx.add.s32.msk $0xffff, v2  }
0x11e: {  	v8 =	vld [tilespmem:s30+$0xFFFFFFF0];
	_ =	sdelay $0x1  }
0x11f: {  	s24 =	smov.u32 @p0 s0;
	[tilespmem:v6+s15+$0x0] =	vst.idx.add.s32.msk @p0 $0xffff, v2  }
0x120: {  	v6 =	vld @p0 [tilespmem:s24+$0x0];
	_ =	sdelay $0x3  }
0x121: {  	[tilespmem:v10+s15+$0x0] =	vst.idx.add.s32.msk @p1 $0xffff, v2  }
0x122: {  	[tilespmem:v8+s15+$0x0] =	vst.idx.add.s32.msk $0xffff, v2  }
0x123: {  	v8 =	vld [tilespmem:s30+$0x0]  }
0x124: {  	v10 =	vld @p1 [tilespmem:s29+$0x10]  }
0x125: {  	[tilespmem:v6+s15+$0x0] =	vst.idx.add.s32.msk @p0 $0xffff, v2  }
0x126: {  	v6 =	vld @p0 [tilespmem:s24+$0x10];
	_ =	sdelay $0x2  }
0x127: {  	v7 =	vpsel p1, v10, v7  }
0x128: {  	[tilespmem:v12+s15+$0x0] =	vst.idx.add.s32.msk @p2 $0xffff, v2  }
0x129: {  	v6 =	vpsel p0, v6, v0;
	[tilespmem:v8+s15+$0x0] =	vst.idx.add.s32.msk $0xffff, v2  }
0x12a: {  	v8 =	vld [tilespmem:s30+$0x10]  }
0x12b: {  	s0 =	smov.u32 @p1 s29;
	v10 =	vld @p2 [tilespmem:s26+$0x20]  }
0x12c: {  	s23 =	smov.u32 @p1 s0;
	[tilespmem:v7+s15+$0x0] =	vst.idx.add.s32.msk @p1 $0xffff, v2  }
0x12d: {  	s0 =	smov.u32 @p0 s24;
	v7 =	vld @p1 [tilespmem:s23+$0x20]  }
0x12e: {  	s0 =	smov.u32 @p0 s0;
	[tilespmem:v6+s15+$0x0] =	vst.idx.add.s32.msk @p0 $0xffff, v2  }
0x12f: {  	v6 =	vld @p0 [tilespmem:s0+$0x20];
	_ =	sdelay $0x2  }
0x130: {  	[tilespmem:v8+s15+$0x0] =	vst.idx.add.s32.msk $0xffff, v2  }
0x131: {  	v8 =	vld [tilespmem:s30+$0x20]  }
0x132: {  	[tilespmem:v10+s15+$0x0] =	vst.idx.add.s32.msk @p2 $0xffff, v2  }
0x133: {  	[tilespmem:v7+s15+$0x0] =	vst.idx.add.s32.msk @p1 $0xffff, v2  }
0x134: {  	v7 =	vld @p1 [tilespmem:s23+$0x30]  }
0x135: {  	[tilespmem:v6+s15+$0x0] =	vst.idx.add.s32.msk @p0 $0xffff, v2  }
0x136: {  	v6 =	vld @p0 [tilespmem:s0+$0x30]  }
0x137: {  	v10 =	vld @p2 [tilespmem:s26+$0x30];
	_ =	sdelay $0x1  }
0x138: {  	[tilespmem:v8+s15+$0x0] =	vst.idx.add.s32.msk $0xffff, v2  }
0x139: {  	v7 =	vpsel p1, v7, v0;
	v63 =	vld [tilespmem:s30+$0x30]  }
0x13a: {  	v6 =	vpsel p0, v6, v0  }
0x13b: {  	v8 =	vpsel p2, v10, v0;
	_ =	sdelay $0x1  }
0x13c: {  	[tilespmem:v9+s15+$0x0] =	vst.idx.add.s32.msk @p3 $0xffff, v2  }
0x13d: {  	[tilespmem:v7+s15+$0x0] =	vst.idx.add.s32.msk @p1 $0xffff, v2  }
0x13e: {  	[tilespmem:v6+s15+$0x0] =	vst.idx.add.s32.msk @p0 $0xffff, v2  }
0x13f: {  	[tilespmem:v8+s15+$0x0] =	vst.idx.add.s32.msk @p2 $0xffff, v2  }
0x140: {  	[tilespmem:v63+s15+$0x0] =	vst.idx.add.s32.msk $0xffff, v2  }
.LBB2_17:
0x141: {  	s0 =	simm.s32 $0x1CE00  }
0x142: {  	v6 =	vld [tilespmem:s0+$0x0];
	_ =	sdelay $0x4  }
0x143: {  	(xrf0) =	vadd.scan.msk.s32 $0xffff, v6;
	_ =	sdelay $0x5  }
0x144: {  	v6, _, _ =	vpop (xrf0)  }
0x145: {  	(v2sf) =	vpush v6, $0xF;
	_ =	sdelay $0x1  }
0x146: {  	s25 =	simm.s32 $0x1CE10;
	[tilespmem:s0+$0x0] =	vst v0  }
0x147: {  	v6 =	vld [tilespmem:s25+$0x0];
	_ =	sdelay $0x1  }
0x148: {  	s26 =	simm.s32 $0x1CE20;
	[tilespmem:s25+$0x0] =	vst v0  }
0x149: {  	v7 =	vld [tilespmem:s26+$0x0];
	_ =	sdelay $0x1  }
0x14a: {  	(xrf0) =	vadd.scan.msk.s32 $0xffff, v6;
	_ =	sdelay $0x2  }
0x14b: {  	(xrf0) =	vadd.scan.msk.s32 $0xffff, v7;
	_ =	sdelay $0x2  }
0x14c: {  	v7, _, _ =	vpop (xrf0)  }
0x14d: {  	s29 =	spop (v2sf);
	(v2sf) =	vpush v7, $0xF;
	_ =	sdelay $0x1  }
0x14e: {  	v7, _, _ =	vpop (xrf0)  }
0x14f: {  	s28 =	simm.s32 $0x1CE30;
	[tilespmem:s26+$0x0] =	vst v0;
	(v2sf) =	vpush v7, $0xF  }
0x150: {  	v6 =	vld [tilespmem:s28+$0x0]  }
0x151: {  	s30 =	simm.s32 $0x0;
	s23 =	simm.s32 $0x40  }
0x152: {  	s24 =	simm.s32 $0x3;
	s31 =	simm.s32 $0x40;
	p1 =	por $0x1, $0x1  }
0x153: {  	[smem:s30] =	sst s30;
	s0 =	simm.s32 $0x4;
	s29 =	sadd.s32 $0x0, s29  }
0x154: {  	s25 =	simm.s32 $0x1;
	s26 =	simm.s32 $0x2;
	p0 =	sgt.s32 s29, $0x3F  }
0x155: {  	[tilespmem:s28+$0x0] =	vst v0;
	(xrf0) =	vadd.scan.msk.s32 $0xffff, v6;
	[smem:s25] =	sst s29;
	s31 =	smov.u32 @p0 s30;
	s30 =	simm.s32 $0x1  }
.LBB2_18:
0x156: {  	p0 =	sne.s32 s0, $0x3F;
	s28 =	sadd.s32 $0x10, s28;
	s23 =	smov.u32 @p1 s31  }
0x157: {  	s1 =	smov.u32 s26;
	s26 =	smov.u32 s24;
	s24 =	smov.u32 s0  }
0x158: {  	s0 =	sadd.s32 $0x1, s0;
	v6 =	vld [tilespmem:s28+$0x0]  }
0x159: {  	[tilespmem:s28+$0x0] =	vst v0  }
.Ltmp19:
0x15a: {  	(pc) =	sbr.rel @p0 .LBB2_18-.Ltmp19, $4  }
0x15b: {  	v7, _, _ =	vpop (xrf0);
	s31 =	spop (v2sf)  }
0x15c: {  	s25 =	sadd.s32 $0x1, s25;
	(v2sf) =	vpush v7, $0xF;
	s29 =	sadd.s32 s29, s31  }
0x15d: {  	s31 =	smov.u32 s23;
	(xrf0) =	vadd.scan.msk.s32 $0xffff, v6;
	[smem:s25] =	sst s29;
	p2 =	sgt.s32 s29, $0x3F  }
0x15e: {  	p1 =	seq.s32 s23, $0x40;
	s31 =	smov.u32 @p2 s30;
	s30 =	smov.u32 s1  }
0x15f: {  	_ =	sdelay $0x3  }
0x160: {  	v6, _, _ =	vpop (xrf0)  }
0x161: {  	(v2sf) =	vpush v6, $0xF;
	_ =	sdelay $0x8  }
0x162: {  	s0 =	spop (v2sf)  }
0x163: {  	s23 =	smov.u32 @p1 s31;
	s0 =	sadd.s32 s29, s0  }
0x164: {  	s1 =	smov.u32 s23;
	p0 =	sgt.s32 s0, $0x3F  }
0x165: {  	p1 =	seq.s32 s23, $0x40;
	s1 =	smov.u32 @p0 s30;
	s28 =	spop (v2sf)  }
0x166: {  	s23 =	smov.u32 @p1 s1;
	s30 =	sadd.s32 s0, s28  }
0x167: {  	s28 =	smov.u32 s23;
	p0 =	sgt.s32 s30, $0x3F  }
0x168: {  	p1 =	seq.s32 s23, $0x40;
	s28 =	smov.u32 @p0 s26;
	s31 =	spop (v2sf)  }
0x169: {  	s25 =	sadd.s32 $0x1, s25;
	s23 =	smov.u32 @p1 s28;
	s26 =	sadd.s32 s30, s31  }
0x16a: {  	[smem:s25] =	sst s0;
	s0 =	smov.u32 s23;
	p0 =	sgt.s32 s26, $0x3F  }
0x16b: {  	s25 =	sadd.s32 $0x1, s25;
	p1 =	seq.s32 s23, $0x40;
	s0 =	smov.u32 @p0 s24  }
0x16c: {  	[smem:s25] =	sst s30;
	s23 =	smov.u32 @p1 s0  }
0x16d: {  	s24 =	sld [smem:s23+$0x0];
	_ =	sdelay $0x2  }
0x16e: {  	s25 =	ssub.s32 $0x40, s24  }
0x16f: {  	p0 =	sgt.s32 s24, $0x0;
	p1 =	sgt.s32 s25, $0x0  }
0x170: {  	p2 =	slt.s32 s22, $0x1;
	p3 =	por p0, p1  }
0x171: {  	p2 =	por p2, !p3  }
.Ltmp20:
0x172: {  	_ = 	snop;
	(pc) =	sbr.rel @p2 .LBB2_22-.Ltmp20, $1  }
0x173: {  	_ =	sdelay $0x3  }
0x174: {  	s0 =	simm.s32 $0x0;
	s26 =	simm.s32 $0x1  }
0x175: {  	v6 =	vmov s23;
	s28 =	simm.s32 $0x1D200;
	s29 =	simm.s32 $0x40;
	s31 =	simm.s32 $0x0  }
.LBB2_21:
0x176: {  	v7 =	vld [tilespmem:s29+$0xFFFFFFC0];
	_ =	sdelay $0x1  }
0x177: {  	v8 =	vld [tilespmem:s28+$0x0];
	_ =	sdelay $0x2  }
0x178: {  	vm1 =	vmmov vm0;
	v7 =	vshrl.u32 v7, $0x4  }
0x179: {  	vm1 =	vmneg @p1 vm1;
	vm2 =	vlt.u32 v7, v6;
	vm3 =	veq.s32 v7, v6  }
0x17a: {  	(v2sf) =	vpush v8, $0x0;
	vm1 =	vmand vm1, vm3;
	v8 =	vsel vm2, $0x1, v0  }
0x17b: {  	(xrf0) =	vadd.scan.msk.s32 $0xffff, v8;
	v8 =	vsel vm1, $0x1, v0  }
0x17c: {  	(xrf0) =	vadd.scan.msk.s32 $0xffff, v8;
	_ =	sdelay $0x4  }
0x17d: {  	v8, _, _ =	vpop (xrf0)  }
0x17e: {  	(v2sf) =	vpush v8, $0xF;
	v8, _, _ =	vpop (xrf0)  }
0x17f: {  	(v2sf) =	vpush v8, $0xF;
	_ =	sdelay $0x5  }
0x180: {  	s1 =	spop (v2sf)  }
0x181: {  	v7 =	vshll.u32 v7, $0x11;
	s30 =	sshll.u32 s1, $0x7  }
0x182: {  	v7 =	vadd.s32 s30, v7  }
0x183: {  	v7 =	vor.u32 v1, v7  }
0x184: {  	[tilespmem:s31+$0x1DA00] =	vst.msk vm2, v7  }
0x185: {  	[tilespmem:s0+$0x1DA80] =	vst.msk vm1, v7  }
0x186: {  	v7 =	vld [tilespmem:s29+$0xFFFFFFD0];
	_ =	sdelay $0x1  }
0x187: {  	s1 =	spop (v2sf)  }
0x188: {  	s9 =	spop (v2sf)  }
0x189: {  	s0 =	sadd.s32 s0, s9  }
0x18a: {  	vm1 =	vmmov vm0;
	v7 =	vshrl.u32 v7, $0x4;
	p1 =	slt.s32 s0, s25  }
0x18b: {  	vm2 =	vlt.u32 v7, v6;
	vm3 =	veq.s32 v7, v6;
	vm1 =	vmneg @p1 vm1  }
0x18c: {  	v8 =	vsel vm2, $0x1, v0;
	vm1 =	vmand vm3, vm1  }
0x18d: {  	(xrf0) =	vadd.scan.msk.s32 $0xffff, v8;
	v8 =	vsel vm1, $0x1, v0  }
0x18e: {  	(xrf0) =	vadd.scan.msk.s32 $0xffff, v8;
	_ =	sdelay $0x4  }
0x18f: {  	v8, _, _ =	vpop (xrf0)  }
0x190: {  	(v2sf) =	vpush v8, $0xF;
	v8, _, _ =	vpop (xrf0)  }
0x191: {  	(v2sf) =	vpush v8, $0xF;
	_ =	sdelay $0x6  }
0x192: {  	s10 =	sor.u32 $0x10, s30;
	v7 =	vshll.u32 v7, $0x11  }
0x193: {  	v7 =	vadd.s32 s10, v7  }
0x194: {  	s1 =	sadd.s32 s31, s1;
	v7 =	vor.u32 v1, v7  }
0x195: {  	[tilespmem:s1+$0x1DA00] =	vst.msk vm2, v7  }
0x196: {  	[tilespmem:s0+$0x1DA80] =	vst.msk vm1, v7  }
0x197: {  	v7 =	vld [tilespmem:s29+$0xFFFFFFE0];
	_ =	sdelay $0x1  }
0x198: {  	s10 =	spop (v2sf)  }
0x199: {  	s31 =	spop (v2sf)  }
0x19a: {  	s0 =	sadd.s32 s0, s31  }
0x19b: {  	vm1 =	vmmov vm0;
	v7 =	vshrl.u32 v7, $0x4;
	p1 =	slt.s32 s0, s25  }
0x19c: {  	vm2 =	vlt.u32 v7, v6;
	vm3 =	veq.s32 v7, v6;
	vm1 =	vmneg @p1 vm1  }
0x19d: {  	v8 =	vsel vm2, $0x1, v0;
	vm1 =	vmand vm3, vm1  }
0x19e: {  	(xrf0) =	vadd.scan.msk.s32 $0xffff, v8;
	v8 =	vsel vm1, $0x1, v0  }
0x19f: {  	(xrf0) =	vadd.scan.msk.s32 $0xffff, v8;
	_ =	sdelay $0x4  }
0x1a0: {  	v8, _, _ =	vpop (xrf0)  }
0x1a1: {  	(v2sf) =	vpush v8, $0xF;
	v8, _, _ =	vpop (xrf0)  }
0x1a2: {  	(v2sf) =	vpush v8, $0xF;
	_ =	sdelay $0x6  }
0x1a3: {  	v7 =	vshll.u32 v7, $0x11;
	s31 =	sor.u32 $0x20, s30  }
0x1a4: {  	v7 =	vadd.s32 s31, v7  }
0x1a5: {  	s1 =	sadd.s32 s1, s10;
	v7 =	vor.u32 v1, v7  }
0x1a6: {  	[tilespmem:s1+$0x1DA00] =	vst.msk vm2, v7  }
0x1a7: {  	[tilespmem:s0+$0x1DA80] =	vst.msk vm1, v7  }
0x1a8: {  	v7 =	vld [tilespmem:s29+$0xFFFFFFF0];
	_ =	sdelay $0x1  }
0x1a9: {  	s10 =	spop (v2sf)  }
0x1aa: {  	s31 =	spop (v2sf)  }
0x1ab: {  	s0 =	sadd.s32 s0, s31  }
0x1ac: {  	vm1 =	vmmov vm0;
	v7 =	vshrl.u32 v7, $0x4;
	p1 =	slt.s32 s0, s25  }
0x1ad: {  	vm2 =	vlt.u32 v7, v6;
	vm3 =	veq.s32 v7, v6;
	vm1 =	vmneg @p1 vm1  }
0x1ae: {  	v8 =	vsel vm2, $0x1, v0;
	vm1 =	vmand vm3, vm1  }
0x1af: {  	(xrf0) =	vadd.scan.msk.s32 $0xffff, v8;
	v8 =	vsel vm1, $0x1, v0  }
0x1b0: {  	(xrf0) =	vadd.scan.msk.s32 $0xffff, v8;
	_ =	sdelay $0x4  }
0x1b1: {  	v8, _, _ =	vpop (xrf0)  }
0x1b2: {  	(v2sf) =	vpush v8, $0xF;
	v8, _, _ =	vpop (xrf0)  }
0x1b3: {  	(v2sf) =	vpush v8, $0xF;
	_ =	sdelay $0x6  }
0x1b4: {  	v7 =	vshll.u32 v7, $0x11;
	s31 =	sor.u32 $0x30, s30  }
0x1b5: {  	v7 =	vadd.s32 s31, v7  }
0x1b6: {  	s1 =	sadd.s32 s1, s10;
	v7 =	vor.u32 v1, v7  }
0x1b7: {  	[tilespmem:s1+$0x1DA00] =	vst.msk vm2, v7  }
0x1b8: {  	[tilespmem:s0+$0x1DA80] =	vst.msk vm1, v7  }
0x1b9: {  	v7 =	vld [tilespmem:s29+$0x0];
	_ =	sdelay $0x1  }
0x1ba: {  	s10 =	spop (v2sf)  }
0x1bb: {  	s31 =	spop (v2sf)  }
0x1bc: {  	s0 =	sadd.s32 s0, s31  }
0x1bd: {  	vm1 =	vmmov vm0;
	v7 =	vshrl.u32 v7, $0x4;
	p1 =	slt.s32 s0, s25  }
0x1be: {  	vm2 =	vlt.u32 v7, v6;
	vm3 =	veq.s32 v7, v6;
	vm1 =	vmneg @p1 vm1  }
0x1bf: {  	v8 =	vsel vm2, $0x1, v0;
	vm1 =	vmand vm3, vm1  }
0x1c0: {  	(xrf0) =	vadd.scan.msk.s32 $0xffff, v8;
	v8 =	vsel vm1, $0x1, v0  }
0x1c1: {  	(xrf0) =	vadd.scan.msk.s32 $0xffff, v8;
	_ =	sdelay $0x4  }
0x1c2: {  	v8, _, _ =	vpop (xrf0)  }
0x1c3: {  	(v2sf) =	vpush v8, $0xF;
	v8, _, _ =	vpop (xrf0)  }
0x1c4: {  	(v2sf) =	vpush v8, $0xF;
	_ =	sdelay $0x6  }
0x1c5: {  	v7 =	vshll.u32 v7, $0x11;
	s31 =	sor.u32 $0x40, s30  }
0x1c6: {  	v7 =	vadd.s32 s31, v7  }
0x1c7: {  	s1 =	sadd.s32 s1, s10;
	v7 =	vor.u32 v1, v7  }
0x1c8: {  	[tilespmem:s1+$0x1DA00] =	vst.msk vm2, v7  }
0x1c9: {  	[tilespmem:s0+$0x1DA80] =	vst.msk vm1, v7  }
0x1ca: {  	v7 =	vld [tilespmem:s29+$0x10];
	_ =	sdelay $0x1  }
0x1cb: {  	s10 =	spop (v2sf)  }
0x1cc: {  	s31 =	spop (v2sf)  }
0x1cd: {  	s0 =	sadd.s32 s0, s31  }
0x1ce: {  	vm1 =	vmmov vm0;
	v7 =	vshrl.u32 v7, $0x4;
	p1 =	slt.s32 s0, s25  }
0x1cf: {  	vm2 =	vlt.u32 v7, v6;
	vm3 =	veq.s32 v7, v6;
	vm1 =	vmneg @p1 vm1  }
0x1d0: {  	v8 =	vsel vm2, $0x1, v0;
	vm1 =	vmand vm3, vm1  }
0x1d1: {  	(xrf0) =	vadd.scan.msk.s32 $0xffff, v8;
	v8 =	vsel vm1, $0x1, v0  }
0x1d2: {  	(xrf0) =	vadd.scan.msk.s32 $0xffff, v8;
	_ =	sdelay $0x4  }
0x1d3: {  	v8, _, _ =	vpop (xrf0)  }
0x1d4: {  	(v2sf) =	vpush v8, $0xF;
	v8, _, _ =	vpop (xrf0)  }
0x1d5: {  	(v2sf) =	vpush v8, $0xF;
	_ =	sdelay $0x6  }
0x1d6: {  	v7 =	vshll.u32 v7, $0x11;
	s31 =	sor.u32 $0x50, s30  }
0x1d7: {  	v7 =	vadd.s32 s31, v7  }
0x1d8: {  	s1 =	sadd.s32 s1, s10;
	v7 =	vor.u32 v1, v7  }
0x1d9: {  	[tilespmem:s1+$0x1DA00] =	vst.msk vm2, v7  }
0x1da: {  	[tilespmem:s0+$0x1DA80] =	vst.msk vm1, v7  }
0x1db: {  	v7 =	vld [tilespmem:s29+$0x20];
	_ =	sdelay $0x1  }
0x1dc: {  	s10 =	spop (v2sf)  }
0x1dd: {  	s31 =	spop (v2sf)  }
0x1de: {  	s0 =	sadd.s32 s0, s31  }
0x1df: {  	vm1 =	vmmov vm0;
	v7 =	vshrl.u32 v7, $0x4;
	p1 =	slt.s32 s0, s25  }
0x1e0: {  	vm2 =	vlt.u32 v7, v6;
	vm3 =	veq.s32 v7, v6;
	vm1 =	vmneg @p1 vm1  }
0x1e1: {  	v8 =	vsel vm2, $0x1, v0;
	vm1 =	vmand vm3, vm1  }
0x1e2: {  	(xrf0) =	vadd.scan.msk.s32 $0xffff, v8;
	v8 =	vsel vm1, $0x1, v0  }
0x1e3: {  	(xrf0) =	vadd.scan.msk.s32 $0xffff, v8;
	_ =	sdelay $0x4  }
0x1e4: {  	v8, _, _ =	vpop (xrf0)  }
0x1e5: {  	(v2sf) =	vpush v8, $0xF;
	v8, _, _ =	vpop (xrf0)  }
0x1e6: {  	(v2sf) =	vpush v8, $0xF;
	_ =	sdelay $0x6  }
0x1e7: {  	v7 =	vshll.u32 v7, $0x11;
	s31 =	sor.u32 $0x60, s30  }
0x1e8: {  	v7 =	vadd.s32 s31, v7  }
0x1e9: {  	s1 =	sadd.s32 s1, s10;
	v7 =	vor.u32 v1, v7  }
0x1ea: {  	[tilespmem:s1+$0x1DA00] =	vst.msk vm2, v7  }
0x1eb: {  	[tilespmem:s0+$0x1DA80] =	vst.msk vm1, v7  }
0x1ec: {  	v7 =	vld [tilespmem:s29+$0x30];
	_ =	sdelay $0x1  }
0x1ed: {  	s9 =	spop (v2sf)  }
0x1ee: {  	s31 =	spop (v2sf)  }
0x1ef: {  	s10 =	sadd.s32 s0, s31  }
0x1f0: {  	vm1 =	vmmov vm0;
	v7 =	vshrl.u32 v7, $0x4;
	p1 =	slt.s32 s10, s25  }
0x1f1: {  	vm2 =	vlt.u32 v7, v6;
	vm3 =	veq.s32 v7, v6;
	vm1 =	vmneg @p1 vm1  }
0x1f2: {  	v8 =	vsel vm2, $0x1, v0;
	vm1 =	vmand vm3, vm1  }
0x1f3: {  	(xrf0) =	vadd.scan.msk.s32 $0xffff, v8;
	v8 =	vsel vm1, $0x1, v0  }
0x1f4: {  	(xrf0) =	vadd.scan.msk.s32 $0xffff, v8;
	_ =	sdelay $0x4  }
0x1f5: {  	v8, _, _ =	vpop (xrf0)  }
0x1f6: {  	(v2sf) =	vpush v8, $0xF;
	v8, _, _ =	vpop (xrf0)  }
0x1f7: {  	(v2sf) =	vpush v8, $0xF;
	_ =	sdelay $0xd  }
0x1f8: {  	s0 =	spop (v2sf)  }
0x1f9: {  	s1 =	sadd.s32 s1, s9;
	s9 =	spop (v2sf)  }
0x1fa: {  	s31 =	sadd.s32 s1, s0;
	s0 =	sadd.s32 s10, s9  }
0x1fb: {  	p2 =	slt.s32 s31, s24;
	p1 =	slt.s32 s0, s25  }
0x1fc: {  	p3 =	sge.s32 s26, s22;
	p2 =	por p2, p1  }
0x1fd: {  	p2 =	por p3, !p2  }
.Ltmp21:
0x1fe: {  	s30 =	sor.u32 $0x70, s30;
	v7 =	vshll.u32 v7, $0x11;
	(pc) =	sbr.rel @!p2 .LBB2_21-.Ltmp21, $4  }
0x1ff: {  	v7 =	vadd.s32 s30, v7  }
0x200: {  	v7 =	vor.u32 v1, v7  }
0x201: {  	[tilespmem:s1+$0x1DA00] =	vst.msk vm2, v7  }
0x202: {  	s26 =	sadd.s32 $0x1, s26;
	s28 =	sadd.s32 $0x1, s28;
	s29 =	sadd.s32 $0x80, s29;
	[tilespmem:s10+$0x1DA80] =	vst.msk vm1, v7  }
.LBB2_22:
.Ltmp22:
0x203: {  	(pc) =	sbr.rel @!p0 .LBB2_26-.Ltmp22, $2  }
0x204: {  	_ =	sdelay $0x2  }
0x205: {  	s22 =	simm.s32 $0x1DA00  }
0x206: {  	p0 =	sne.s32 s24, $0x1  }
.Ltmp23:
0x207: {  	v6 =	vld [tilespmem:s22+$0x0];
	(pc) =	sbr.rel @!p0 .LBB2_25-.Ltmp23, $2  }
0x208: {  	_ =	sdelay $0x2  }
0x209: {  	s26 =	sadd.s32 $0xFFFFFFFF, s24  }
.LBB2_24:
0x20a: {  	p0 =	sne.s32 s26, $0x1;
	_ =	sdelay $0x2  }
0x20b: {  	(v2sf) =	vpush v6, $0x0;
	_ =	sdelay $0xe  }
0x20c: {  	s0 =	spop (v2sf)  }
0x20d: {  	s1 =	sshrl.u32 s0, $0x11  }
0x20e: {  	s9 =	sld [smem:s1+$0x0];
	s10 =	scvt.s32.f32 s1  }
0x20f: {  	_ =	sdelay $0x1  }
0x210: {  	s28 =	sadd.s32 $0x1, s9;
	s9 =	sadd.s32 s21, s9  }
0x211: {  	[smem:s1] =	sst s28;
	v6 =	vmov s9;
	_ =	sdelay $0x2  }
0x212: {  	s0 =	sand.u32 $0x1FFFF, s0  }
.Ltmp24:
0x213: {  	v7 =	vmov s0;
	(pc) =	sbr.rel @p0 .LBB2_24-.Ltmp24, $4  }
0x214: {  	[tilespmem:v6+s16+$0x0] =	vst.idx.msk $0x1, v7;
	v7 =	vmov s10  }
0x215: {  	s22 =	sadd.s32 $0x1, s22;
	[tilespmem:v6+s17+$0x0] =	vst.idx.msk $0x1, v7  }
0x216: {  	v6 =	vld [tilespmem:s22+$0x0]  }
0x217: {  	s26 =	sadd.s32 $0xFFFFFFFF, s26  }
.Ltmp25:
0x218: {  	_ = 	snop;
	(pc) =	sbr.rel .LBB2_25-.Ltmp25, $1  }
0x219: {  	_ =	sdelay $0x3  }
.LBB2_30:
.Ltmp26:
0x21a: {  	(pc) =	sbr.rel .LBB2_41-.Ltmp26, $2  }
0x21b: {  	_ =	sdelay $0x2  }
0x21c: {  	s28 =	simm.s32 $0x40;
	s30 =	simm.s32 $0x40  }
.LBB2_32:
.Ltmp27:
0x21d: {  	(pc) =	sbr.rel .LBB2_41-.Ltmp27, $2  }
0x21e: {  	_ =	sdelay $0x2  }
0x21f: {  	s0 =	simm.s32 $0x40;
	s28 =	simm.s32 $0xC0;
	s30 =	simm.s32 $0xC0  }
.LBB2_34:
.Ltmp28:
0x220: {  	(pc) =	sbr.rel .LBB2_41-.Ltmp28, $2  }
0x221: {  	_ =	sdelay $0x2  }
0x222: {  	s0 =	simm.s32 $0xC0;
	s29 =	simm.s32 $0x40;
	s30 =	simm.s32 $0x140  }
.LBB2_36:
.Ltmp29:
0x223: {  	_ = 	snop;
	(pc) =	sbr.rel .LBB2_41-.Ltmp29, $3  }
0x224: {  	_ =	sdelay $0x1  }
0x225: {  	s0 =	simm.s32 $0x140  }
0x226: {  	s29 =	simm.s32 $0xC0;
	s26 =	simm.s32 $0x40;
	s28 =	simm.s32 $0x1C0;
	v11 =	vmov v10;
	v12 =	vmov v7  }
.LBB2_38:
.Ltmp30:
0x227: {  	(pc) =	sbr.rel .LBB2_41-.Ltmp30, $3  }
0x228: {  	_ =	sdelay $0x1  }
0x229: {  	s0 =	simm.s32 $0x1C0;
	s29 =	simm.s32 $0x140  }
0x22a: {  	s26 =	simm.s32 $0xC0;
	s28 =	simm.s32 $0x240;
	s30 =	simm.s32 $0x240  }
.LBB2_28:
0x22b: {  	_ =	sfence.sel $0x180000  }
0x22c: {  	[bflag:$0x0] =	sbarrier.arrive $0xFFFF  }
0x22d: {  	_ =	strace $0x90000047  }
0x22e: {  	s0 =	stileid.u32;
	[bflag:$0x2] =	sbarrier.arrive $0xFFFF  }
0x22f: {  	p0 =	sne.s32 s0, $0x0;
	s0 =	rddreg [dreg:$0x2]  }
0x230: {  	s0 =	sadd.s32 @!p0 $0x100000, s0  }
0x231: {  	[sflag:s0] =	ssyncadd.tile.s32 @!p0 $0x1;
	_ =	shalt  }
.Lfunc_end2:
_tile_overlayer_lowered:
.L_overlay_start_2:
0x232: {  	(tag) =	ssettag $0x2  }
0x233: {  	s0 =	rddreg [dreg:$0x0];
	s2 =	stileid.u32  }
0x234: {  	s1 =	rddreg [dreg:$0x1];
	p0 =	sne.s32 s2, $0x0  }
0x235: {  	s3 =	rddreg [dreg:$0x2];
	[bflag:$0x3] =	sbarrier.arrive $0xFFFF;
	s2 =	simm.s32 @!p0 $0x1C02  }
0x236: {  	[timem:s3], [sflag:s2] =	dma.local @!p0 [hbm:s0], s1  }
0x237: {  	s0 =	simm.s32 @!p0 $0x2  }
0x238: {  	_ =	swait.ge @!p0 [sflag:s0], s1  }
0x239: {  	s1 =	ssub.s32 @!p0 $0x0, s1;
	[sflag:s0] =	ssyncset.done @!p0 $0x0  }
0x23a: {  	[sflag:s0] =	ssyncadd.s32 @!p0 s1  }
0x23b: {  	[bflag:$0x3] =	sbarrier.arrive $0xFFFF  }
0x23c: {  	_ =	shalt  }

// kernel: kernel.9.cloned.1.call-start
scs
__scs_entry_jumppad:
0x0: {  	(pc) =	sbr.rel $0x88, $3  }
0x1: {  	(tag) =	ssettag $0x0;
	lr =	simm.s32 $0x1  }
0x2: {  	[smem:$0x3F9E] =	sst lr;
	_ =	strace $0xD0000000  }
0x3: {  	_ = 	snop  }
0x4: {  	_ = 	snop  }
0x5: {  	_ = 	snop  }
0x6: {  	_ = 	snop  }
0x7: {  	_ = 	snop  }
__scs_overlays_trampoline_lowered:
0x8: {  	[smem:$0x3FAD] =	sst s0  }
0x9: {  	[smem:$0x3FAE] =	sst s1  }
0xa: {  	[smem:$0x3FAF] =	sst s2  }
0xb: {  	[smem:$0x3FB0] =	sst s3  }
0xc: {  	[smem:$0x3FB1] =	sst s4  }
0xd: {  	[smem:$0x3FB2] =	sst s5  }
0xe: {  	[smem:$0x3FB3] =	sst s6  }
0xf: {  	[smem:$0x3FB4] =	sst s7  }
0x10: {  	[smem:$0x3FB5] =	sst s8  }
0x11: {  	[smem:$0x3FB6] =	sst s9;
	s0 =	simm.s32 @!p0 $0x0  }
0x12: {  	s1 =	sld [smem:$0x3F9C];
	s0 =	simm.s32 @p0 $0x1  }
0x13: {  	[smem:$0x3FB7] =	sst s0;
	s0 =	simm.s32 @!p1 $0x0  }
0x14: {  	s2 =	sld [smem:$0x3F9B];
	s0 =	simm.s32 @p1 $0x1  }
0x15: {  	[smem:$0x3FB8] =	sst s0;
	s0 =	simm.s32 @!p2 $0x0  }
0x16: {  	s3 =	sld [smem:$0x3FDB];
	s0 =	simm.s32 @p2 $0x1  }
0x17: {  	s4 =	simm.s32 $0x1BF5;
	[smem:$0x3FBA] =	sst s0  }
0x18: {  	s0 =	sld [smem:$0x3F9D];
	_ =	swait.ge [sflag:s4], $0x0  }
0x19: {  	s7 =	sld [smem:$0x3F9E]  }
0x1a: {  	s8 =	sadd.s32 $0xFFFFE003, lr  }
0x1b: {  	s9 =	sadd.s32 $0xFFFFFEF7, lr;
	s5 =	simm.s32 $0xFFFFFFFF;
	p2 =	slt.u32 s8, $0xFFFFF086  }
0x1c: {  	p1 =	slt.u32 s9, $0xF7A;
	s5 =	simm.s32 @!p2 $0x0  }
0x1d: {  	s5 =	simm.s32 @p1 $0x1;
	p0 =	seq.s32 s7, s2  }
0x1e: {  	s7 =	smul.u32 @!p0 $0xF7A, s2;
	p2 =	seq.s32 @!p0 s5, $0x0  }
0x1f: {  	s9 =	smul.u32 $0xF7A, s1;
	s8 =	simm.s32 @!p0 $0x1BF5;
	p2 =	por !p2, p0  }
0x20: {  	[sflag:s8] =	ssyncset.s32 @!p0 $0xFFFFF086;
	s6 =	sadd.s32 @!p0 s3, s7;
	s7 =	simm.s32 @!p0 $0x108  }
0x21: {  	s3 =	sadd.s32 s3, s9;
	s6 =	sadd.s32 @!p0 $0x88, s6;
	s7 =	simm.s32 @p2 $0x1082  }
0x22: {  	[simem:s7], [sflag:s8] =	dma.local @!p0 [hbm:s6], $0xF7A  }
0x23: {  	s9 =	sor.u32 $0xD0000000, s2;
	s6 =	simm.s32 $0x108;
	_ =	swait.ge @!p0 [sflag:s8], $0x0  }
0x24: {  	s3 =	sadd.s32 $0x88, s3;
	s6 =	simm.s32 @!p1 $0x1082;
	[sflag:s4] =	ssyncset.s32 $0xFFFFF086  }
0x25: {  	[simem:s6], [sflag:s4] =	dma.local [hbm:s3], $0xF7A  }
0x26: {  	[smem:$0x3F9E] =	sst s1;
	(tag) =	ssettag s2;
	_ =	strace s9  }
0x27: {  	s1 =	sld [smem:$0x3FAE]  }
0x28: {  	s2 =	sld [smem:$0x3FAF]  }
0x29: {  	s4 =	sld [smem:$0x3FB1]  }
0x2a: {  	p0 =	seq.s32 s5, $0x0;
	s5 =	sld [smem:$0x3FB2]  }
0x2b: {  	s6 =	sld [smem:$0x3FB3]  }
0x2c: {  	s7 =	sld [smem:$0x3FB4]  }
0x2d: {  	s3 =	simm.s32 $0x108;
	s8 =	sld [smem:$0x3FB5]  }
0x2e: {  	s3 =	simm.s32 @!p0 $0x1082;
	s9 =	sld [smem:$0x3FB6]  }
0x2f: {  	lr =	sadd.s32 s0, s3;
	s0 =	sld [smem:$0x3FAD]  }
0x30: {  	s3 =	sld [smem:$0x3FB0]  }
0x31: {  	[smem:$0x3FB9] =	sst s10  }
0x32: {  	s10 =	sld [smem:$0x3FB7];
	_ =	sdelay $0x3  }
0x33: {  	p0 =	seq.s32 s10, $0x1;
	s10 =	sld [smem:$0x3FB9];
	_ =	sdelay $0x3  }
0x34: {  	[smem:$0x3FB9] =	sst s10  }
0x35: {  	s10 =	sld [smem:$0x3FB8];
	_ =	sdelay $0x3  }
0x36: {  	p1 =	seq.s32 s10, $0x1;
	s10 =	sld [smem:$0x3FB9];
	_ =	sdelay $0x3  }
0x37: {  	[smem:$0x3FB9] =	sst s10  }
0x38: {  	s10 =	sld [smem:$0x3FBA]  }
0x39: {  	_ = 	snop;
	(pc) =	sbr.ind lr, $3  }
0x3a: {  	_ = 	snop  }
0x3b: {  	_ = 	snop  }
0x3c: {  	p2 =	seq.s32 s10, $0x1;
	s10 =	sld [smem:$0x3FB9]  }
0x3d: {  	_ =	shalt  }
0x3e: {  	_ =	shalt  }
0x3f: {  	_ =	shalt  }
0x40: {  	_ =	shalt  }
0x41: {  	_ =	shalt  }
0x42: {  	_ =	shalt  }
0x43: {  	_ =	shalt  }
0x44: {  	_ =	shalt  }
0x45: {  	_ =	shalt  }
0x46: {  	_ =	shalt  }
0x47: {  	_ =	shalt  }
0x48: {  	_ =	shalt  }
0x49: {  	_ =	shalt  }
0x4a: {  	_ =	shalt  }
0x4b: {  	_ =	shalt  }
0x4c: {  	_ =	shalt  }
0x4d: {  	_ =	shalt  }
0x4e: {  	_ =	shalt  }
0x4f: {  	_ =	shalt  }
0x50: {  	_ =	shalt  }
0x51: {  	_ =	shalt  }
0x52: {  	_ =	shalt  }
0x53: {  	_ =	shalt  }
0x54: {  	_ =	shalt  }
0x55: {  	_ =	shalt  }
0x56: {  	_ =	shalt  }
0x57: {  	_ =	shalt  }
0x58: {  	_ =	shalt  }
0x59: {  	_ =	shalt  }
0x5a: {  	_ =	shalt  }
0x5b: {  	_ =	shalt  }
0x5c: {  	_ =	shalt  }
0x5d: {  	_ =	shalt  }
0x5e: {  	_ =	shalt  }
0x5f: {  	_ =	shalt  }
0x60: {  	_ =	shalt  }
0x61: {  	_ =	shalt  }
0x62: {  	_ =	shalt  }
0x63: {  	_ =	shalt  }
0x64: {  	_ =	shalt  }
0x65: {  	_ =	shalt  }
0x66: {  	_ =	shalt  }
0x67: {  	_ =	shalt  }
0x68: {  	_ =	shalt  }
0x69: {  	_ =	shalt  }
0x6a: {  	_ =	shalt  }
0x6b: {  	_ =	shalt  }
0x6c: {  	_ =	shalt  }
0x6d: {  	_ =	shalt  }
0x6e: {  	_ =	shalt  }
0x6f: {  	_ =	shalt  }
0x70: {  	_ =	shalt  }
0x71: {  	_ =	shalt  }
0x72: {  	_ =	shalt  }
0x73: {  	_ =	shalt  }
0x74: {  	_ =	shalt  }
0x75: {  	_ =	shalt  }
0x76: {  	_ =	shalt  }
0x77: {  	_ =	shalt  }
0x78: {  	_ =	shalt  }
0x79: {  	_ =	shalt  }
0x7a: {  	_ =	shalt  }
0x7b: {  	_ =	shalt  }
0x7c: {  	_ =	shalt  }
0x7d: {  	_ =	shalt  }
0x7e: {  	_ =	shalt  }
0x7f: {  	_ =	shalt  }
0x80: {  	_ =	shalt  }
0x81: {  	_ =	shalt  }
0x82: {  	_ =	shalt  }
0x83: {  	_ =	shalt  }
0x84: {  	_ =	shalt  }
0x85: {  	_ =	shalt  }
0x86: {  	_ =	shalt  }
0x87: {  	_ =	shalt  }
.Lfunc_end0:
.L_simem_size_0:
called_computation.1_lowered:
.L_overlay_start_0:
0x88: {  	s2 =	sld [smem:$0x3FD9]  }
0x89: {  	s3 =	sld [smem:$0x3FFE];
	_ =	sdelay $0x1  }
0x8a: {  	s1 =	srdreg.scid  }
0x8b: {  	s0 =	sand.u32 $0x1, s1  }
0x8c: {  	s15 =	sshll.u32 s0, $0xA;
	s2 =	sadd.s32 s3, s2  }
0x8d: {  	s2 =	sadd.s32 s2, s15  }
0x8e: {  	[smem:$0x3FC5] =	sst s2  }
0x8f: {  	_ = 	snop  }
0x90: {  	s2 =	sld [smem:$0x3FD0];
	_ =	sdelay $0x2  }
0x91: {  	s16 =	simm.s32 $0xB;
	s4 =	simm.s32 $0x10  }
0x92: {  	[smem:s4], [sflag:s16] =	dma.local [hbm:s2], $0x1  }
0x93: {  	_ =	swait.eq [sflag:s16], $0x1  }
0x94: {  	[sflag:s16] =	ssyncset.done $0x0  }
0x95: {  	[sflag:s16] =	ssyncadd.s32 $0xFFFFFFFF  }
0x96: {  	s17 =	sld [smem:$0x11];
	(tm) =	ssettm $0x1  }
0x97: {  	s18 =	sld [smem:$0x3FFB];
	_ =	sdelay $0x3  }
0x98: {  	_ =	strace s18  }
0x99: {  	s2 =	sld [smem:$0x3FFC];
	_ =	sdelay $0x3  }
0x9a: {  	_ =	strace s2  }
0x9b: {  	s2 =	sld [smem:$0x3FFD];
	_ =	sdelay $0x3  }
0x9c: {  	_ =	strace s2  }
0x9d: {  	_ =	strace $0x8FFFFFFF  }
0x9e: {  	s19 =	sld [smem:$0x3FDB];
	_ =	sdelay $0x1  }
0x9f: {  	s20 =	simm.s32 $_scs_section_size  }
0xa0: {  	s5 =	simm.s32 $_size__tile_overlayer_lowered;
	s6 =	simm.s32 $_tile_overlayer_lowered  }
0xa1: {  	s7 =	simm.s32 $0x1BFF;
	s21 =	sshll.u32 s6, $0x1;
	s4 =	sadd.s32 s20, s19  }
0xa2: {  	s22 =	simm.s32 $0x0;
	s5 =	sshll.u32 s5, $0x1;
	s6 =	sadd.s32 s21, s4  }
0xa3: {  	[timem:s22], [sflag:s7] =	dma.local [hbm:s6], s5  }
0xa4: {  	_ =	swait.ge [sflag:s7], s5  }
0xa5: {  	s5 =	ssub.s32 $0x0, s5;
	[sflag:s7] =	ssyncset.done $0x0  }
0xa6: {  	[sflag:s7] =	ssyncadd.s32 s5;
	_ =	sdelay $0x1  }
0xa7: {  	s23 =	simm.s32 $0x1B8B  }
0xa8: {  	_ =	swait.ge [sflag:s23], $0x1  }
0xa9: {  	[sflag:s23] =	ssyncset.done $0x0  }
0xaa: {  	[sflag:s23] =	ssyncadd.s32 $0xFFFFFFFF  }
0xab: {  	s5 =	sld [smem:$0x0]  }
0xac: {  	s6 =	sand.u32 $0xFFFFFFFE, s1  }
0xad: {  	p0 =	sne.s32 s1, s6  }
0xae: {  	s6 =	sshll.u32 @p0 s6, $0xE  }
0xaf: {  	s6 =	sadd.s32 @p0 $0x11B8D, s6;
	s7 =	sshll.u32 @p0 s5, $0x11  }
0xb0: {  	s6 =	sor.u32 @p0 s7, s6  }
0xb1: {  	[sflag:s6] =	ssyncadd.remote.s32 @p0 $0x1;
	_ =	sdelay $0x1  }
0xb2: {  	s6 =	simm.s32 @p0 $0x1B8D  }
0xb3: {  	_ =	swait.eq @p0 [sflag:s6], $0x1  }
0xb4: {  	[sflag:s6] =	ssyncadd.s32 @p0 $0xFFFFFFFF  }
0xb5: {  	s7 =	sshll.u32 @!p0 s1, $0xE  }
0xb6: {  	s7 =	sor.u32 @!p0 $0x4000, s7;
	s6 =	simm.s32 @!p0 $0x1B8D  }
0xb7: {  	s5 =	sshll.u32 @!p0 s5, $0x11;
	s7 =	sadd.s32 @!p0 $0x11B8D, s7;
	_ =	swait.eq @!p0 [sflag:s6], $0x1  }
0xb8: {  	s5 =	sor.u32 @!p0 s5, s7;
	[sflag:s6] =	ssyncadd.s32 @!p0 $0xFFFFFFFF  }
0xb9: {  	s25 =	simm.s32 $0x1B8E;
	s24 =	sld [smem:$0x3FFE];
	[sflag:s5] =	ssyncadd.remote.s32 @!p0 $0x1  }
0xba: {  	s26 =	simm.s32 $execute0_lowered;
	[smem:$0x3FD2] =	sst s25  }
0xbb: {  	s6 =	sshll.u32 s26, $0x1;
	_ =	strace $0x80000049;
	[dreg:$0x1] =	wrdreg $0xFFFFFFFF  }
0xbc: {  	s28 =	simm.s32 $_size_execute0_lowered;
	s4 =	sadd.s32 s4, s6;
	[dreg:$0x0] =	wrdreg $0x0  }
0xbd: {  	s6 =	sshll.u32 s28, $0x1;
	[dreg:$0x2] =	wrdreg s4  }
0xbe: {  	[dreg:$0x3] =	wrdreg s6  }
0xbf: {  	[dreg:$0x4] =	wrdreg $0xC0  }
0xc0: {  	_ =	task [dreg:s22], $0x5FFFF  }
0xc1: {  	[dreg:$0x1] =	wrdreg $0xFFFFFFFF  }
0xc2: {  	[dreg:$0x0] =	wrdreg $0x60  }
0xc3: {  	[dreg:$0x2] =	wrdreg s24  }
0xc4: {  	[dreg:$0x3] =	wrdreg s17  }
0xc5: {  	[dreg:$0x4] =	wrdreg $0xA  }
0xc6: {  	_ =	task.clear_ibuf [dreg:s22], $0x5FFFF;
	_ =	strace $0x90000049  }
0xc7: {  	s29 =	simm.s32 $0xA;
	_ =	strace $0x8000004B  }
0xc8: {  	_ =	swait.ge [sflag:s29], $0x1  }
0xc9: {  	[sflag:s29] =	ssyncadd.s32 $0xFFFFFFFF  }
0xca: {  	_ =	strace $0x9000004B  }
0xcb: {  	_ =	sfence  }
0xcc: {  	s30 =	sld [smem:$0x0];
	_ =	sdelay $0x2  }
0xcd: {  	s31 =	sshll.u32 s1, $0xD;
	s1 =	sshrl.u32 s1, $0x2  }
0xce: {  	s4 =	sand.u32 $0x4000, s31;
	s1 =	sadd.s32 s1, s30  }
0xcf: {  	s0 =	sor.u32 s4, s0;
	s1 =	sshll.u32 s1, $0x11  }
0xd0: {  	s0 =	sor.u32 s1, s0  }
0xd1: {  	s0 =	sadd.s32 $0x8F2B, s0  }
0xd2: {  	[sflag:s0] =	ssyncadd.remote.s32 $0x1  }
0xd3: {  	_ =	sfence.sel $0xFFFF  }
0xd4: {  	[dreg:$0x0] =	wrdreg $0xFFFFFFFF;
	(pc) =	sbr.abs _section_cstart, $3  }
0xd5: {  	[dreg:$0x1] =	wrdreg $0xFFFFFFFF  }
0xd6: {  	_ =	task.clear_ibuf [dreg:s22], $0x2FFFF;
	_ =	strace $0x9FFFFFFF  }
0xd7: {  	(tm) =	ssettm $0x7FFFFFFF  }
tec
execute0_lowered:
.L_overlay_start_1:
0x0: {  	(tag) =	ssettag $0x1  }
0x1: {  	s0 =	rddreg [dreg:$0x0]  }
0x2: {  	s6 =	rddreg [dreg:$0x1]  }
0x3: {  	s2 =	simm.s32 $0x0;
	s3 =	srdreg.scid;
	s1 =	stileid.u32  }
0x4: {  	s11 =	simm.s32 $0x1C000;
	s12 =	simm.s32 $0x2;
	s13 =	simm.s32 $0x80  }
0x5: {  	s14 =	simm.s32 $0x1;
	s15 =	simm.s32 $0x1CE00;
	s16 =	simm.s32 $0x1DB00  }
0x6: {  	s17 =	simm.s32 $0x1DD80;
	s18 =	simm.s32 $0x0;
	[smem:$0x7FF] =	sst s2  }
0x7: {  	s4 =	sand.u32 $0x1, s3;
	s5 =	smul.u32 $0x1C00, s1;
	s3 =	sadd.s32 $0x4E1600, s0  }
0x8: {  	s8 =	sshll.u32 s1, $0x1;
	_ =	strace $0x8000004A;
	s7 =	sshll.u32 s4, $0x9  }
.Ltmp0:
0x9: {  	s31 =	sor.u32 s4, s8;
	s4 =	ssub.s32 $0x2, s4;
	(pc) =	sbr.rel .LBB2_1-.Ltmp0, $4  }
0xa: {  	s5 =	sor.u32 s7, s5;
	s8 =	sshll.u32 s31, $0x6;
	s9 =	sshrl.u32 s4, $0x1  }
0xb: {  	v0 =	vimm.s32 $0x0;
	s5 =	sshrl.u32 s5, $0x3;
	s9 =	ssub.s32 s4, s9;
	s4 =	sshll.u32 s31, $0x2  }
0xc: {  	v1 =	vlaneseq.u32;
	v2 =	vimm.s32 $0x1;
	vm0 =	vmxor vm0, vm0;
	s6 =	sadd.s32 s6, s8;
	s5 =	sadd.s32 s5, s0;
	s0 =	sadd.s32 s8, s0  }
0xd: {  	v3 =	vor.u32 $0x10, v1;
	v4 =	vor.u32 $0x20, v1;
	v5 =	vor.u32 $0x30, v1;
	s8 =	smax.u32 s9, $0x1;
	s5 =	sadd.s32 $0x5600, s5;
	s7 =	sadd.s32 $0x8E00, s0  }
.LBB2_27:
0xe: {  	[hbm4b:s6+s2] =	stream.linear.scatter [tilespmem:s16], [sflag:$0x2], $0x200, $0x38;
	[tilespmem:$0x1E000] =	vst v63  }
0xf: {  	s18 =	sadd.s32 $0x1, s18;
	_ =	swait.ge [sflag:s12], $0x200  }
0x10: {  	p0 =	sne.s32 s18, s8;
	[sflag:s12] =	ssyncset.done $0x0  }
.Ltmp1:
0x11: {  	[sflag:s12] =	ssyncadd.s32 $0xFFFFFE00;
	(pc) =	sbr.rel @!p0 .LBB2_28-.Ltmp1, $4  }
0x12: {  	[hbm4b:s7+s2] =	stream.linear.scatter [tilespmem:s17], [sflag:$0x2], $0x200, $0x38;
	[tilespmem:$0x1E000] =	vst v63  }
0x13: {  	_ =	swait.ge [sflag:s12], $0x200  }
0x14: {  	[sflag:s12] =	ssyncset.done $0x0  }
0x15: {  	[sflag:s12] =	ssyncadd.s32 $0xFFFFFE00  }
.LBB2_1:
0x16: {  	s0 =	simm.s32 $0x40;
	s19 =	simm.s32 $0x0  }
.LBB2_2:
0x17: {  	p0 =	sne.s32 s0, $0xFC0;
	[tilespmem:s19+$0x1CE00] =	vst v0;
	s19 =	smov.u32 s0;
	s0 =	sadd.s32 $0x40, s0  }
.Ltmp2:
0x18: {  	(pc) =	sbr.rel @p0 .LBB2_2-.Ltmp2, $2  }
0x19: {  	_ =	sdelay $0x2  }
0x1a: {  	s19 =	sshra.s32 s19, $0x2  }
.Ltmp3:
0x1b: {  	[tilespmem:s19+$0x1CE00] =	vst v0;
	s0 =	simm.s32 $0x200;
	s1 =	simm.s32 $0x400;
	(pc) =	sbr.rel .LBB2_4-.Ltmp3, $4  }
0x1c: {  	[tilespmem:s11], [sflag:$0x2] =	stream.strided.gather [hbm4b:s5+s0], $0xE00, s1, s0, $0x38;
	[tilespmem:$0x1E000] =	vst v63  }
0x1d: {  	_ =	swait.ge [sflag:s12], $0xE00  }
0x1e: {  	[sflag:s12] =	ssyncset.done $0x0  }
0x1f: {  	s19 =	simm.s32 $0x0;
	s20 =	simm.s32 $0x0;
	[sflag:s12] =	ssyncadd.s32 $0xFFFFF200  }
.LBB2_25:
0x20: {  	(v2sf) =	vpush v6, $0x0;
	_ =	sdelay $0xe  }
0x21: {  	s0 =	spop (v2sf)  }
0x22: {  	s1 =	sshrl.u32 s0, $0x11  }
0x23: {  	s9 =	sld [smem:s1+$0x0];
	_ =	sdelay $0x2  }
0x24: {  	s10 =	sadd.s32 s21, s9  }
0x25: {  	v6 =	vmov s10;
	_ =	sdelay $0x2  }
0x26: {  	s0 =	sand.u32 $0x1FFFF, s0;
	s30 =	scvt.s32.f32 s1  }
0x27: {  	v7 =	vmov s0  }
0x28: {  	s31 =	sadd.s32 $0x1, s9;
	[tilespmem:v6+s16+$0x0] =	vst.idx.msk $0x1, v7;
	v7 =	vmov s30  }
0x29: {  	[smem:s1] =	sst s31;
	[tilespmem:v6+s17+$0x0] =	vst.idx.msk $0x1, v7  }
.LBB2_26:
0x2a: {  	v6 =	vld [tilespmem:$0x1DA80];
	_ =	sdelay $0x3  }
0x2b: {  	s0 =	scvt.s32.f32 s23;
	v7 =	vmov s25  }
0x2c: {  	s1 =	sadd.s32 s21, s24;
	vm1 =	vgt.s32 v7, v1;
	v6 =	vand.u32 $0x1FFFF, v6  }
0x2d: {  	v8 =	vmov s0;
	[tilespmem:s1+$0x1DB00] =	vst.msk vm1, v6  }
0x2e: {  	[tilespmem:s1+$0x1DD80] =	vst.msk vm1, v8  }
0x2f: {  	v6 =	vld [tilespmem:$0x1DA90];
	_ =	sdelay $0x4  }
0x30: {  	vm1 =	vgt.s32 v7, v3;
	v6 =	vand.u32 $0x1FFFF, v6  }
0x31: {  	[tilespmem:s1+$0x1DB10] =	vst.msk vm1, v6  }
0x32: {  	[tilespmem:s1+$0x1DD90] =	vst.msk vm1, v8  }
0x33: {  	v6 =	vld [tilespmem:$0x1DAA0];
	_ =	sdelay $0x4  }
0x34: {  	vm1 =	vgt.s32 v7, v4;
	v6 =	vand.u32 $0x1FFFF, v6  }
0x35: {  	[tilespmem:s1+$0x1DB20] =	vst.msk vm1, v6  }
0x36: {  	[tilespmem:s1+$0x1DDA0] =	vst.msk vm1, v8  }
0x37: {  	v6 =	vld [tilespmem:$0x1DAB0]  }
0x38: {  	s20 =	sadd.s32 $0x1, s20  }
0x39: {  	p0 =	sne.s32 s20, $0x4  }
.Ltmp4:
0x3a: {  	_ = 	snop;
	(pc) =	sbr.rel @!p0 .LBB2_27-.Ltmp4, $4  }
0x3b: {  	_ = 	snop  }
0x3c: {  	vm1 =	vgt.s32 v7, v5;
	v6 =	vand.u32 $0x1FFFF, v6  }
0x3d: {  	[tilespmem:s1+$0x1DB30] =	vst.msk vm1, v6  }
0x3e: {  	[tilespmem:s1+$0x1DDB0] =	vst.msk vm1, v8  }
.LBB2_4:
0x3f: {  	s21 =	sshll.u32 s20, $0x7  }
0x40: {  	s0 =	sand.u32 $0x3FFFFF80, s21  }
0x41: {  	s29 =	sand.u32 $0xE00, s19;
	s22 =	sadd.s32 $0x1C000, s0  }
0x42: {  	s23 =	sand.u32 $0x70, s19;
	s0 =	sadd.s32 s29, s22  }
0x43: {  	s0 =	sadd.s32 s23, s0  }
0x44: {  	v6 =	vld [tilespmem:s0+$0x0];
	_ =	sdelay $0x1  }
0x45: {  	s30 =	simm.s32 $0x40  }
0x46: {  	s31 =	simm.s32 $0x10;
	s0 =	sand.u32 $0xE00, s30  }
0x47: {  	s23 =	sand.u32 $0x70, s31;
	s0 =	sadd.s32 s0, s22  }
0x48: {  	s23 =	sadd.s32 s23, s0;
	v6 =	vand.u32 $0xFFFFFFF0, v6  }
0x49: {  	v7 =	vld [tilespmem:s23+$0x0];
	v6 =	vor.u32 v1, v6  }
0x4a: {  	s0 =	simm.s32 $0x20;
	s23 =	simm.s32 $0x80  }
.LBB2_5:
0x4b: {  	s24 =	sand.u32 $0xE00, s23;
	s25 =	smov.u32 s0  }
0x4c: {  	p0 =	sne.s32 s0, $0x370;
	s0 =	sadd.s32 $0x10, s0;
	s25 =	sand.u32 $0x70, s25  }
.Ltmp5:
0x4d: {  	s26 =	sadd.s32 s24, s22;
	s24 =	simm.s32 $0x1CE00;
	(pc) =	sbr.rel @p0 .LBB2_5-.Ltmp5, $3  }
0x4e: {  	s25 =	sadd.s32 s25, s26;
	v8 =	vand.u32 $0xFFFFFFF0, v7;
	[tilespmem:v6+s24+$0x0] =	vst.idx.add.s32.msk $0xffff, v2  }
0x4f: {  	v7 =	vld [tilespmem:s25+$0x0];
	v6 =	vor.u32 v1, v8;
	_ =	sdelay $0x1  }
0x50: {  	s23 =	sadd.s32 $0x40, s23  }
0x51: {  	_ =	sdelay $0x1  }
0x52: {  	v7 =	vand.u32 $0xFFFFFFF0, v7  }
0x53: {  	v7 =	vor.u32 v1, v7;
	_ =	sdelay $0x3  }
0x54: {  	[tilespmem:v6+s24+$0x0] =	vst.idx.add.s32.msk $0xffff, v2  }
0x55: {  	[tilespmem:v7+s24+$0x0] =	vst.idx.add.s32.msk $0xffff, v2  }
0x56: {  	v6 =	vld [tilespmem:s24+$0x0];
	_ =	sdelay $0x4  }
0x57: {  	(xrf0) =	vadd.scan.msk.s32 $0xffff, v6;
	_ =	sdelay $0x5  }
0x58: {  	v6, _, _ =	vpop (xrf0)  }
0x59: {  	(v2sf) =	vpush v6, $0xF;
	_ =	sdelay $0x1  }
0x5a: {  	s0 =	simm.s32 $0x1CE10;
	[tilespmem:s24+$0x0] =	vst v0  }
0x5b: {  	v6 =	vld [tilespmem:s0+$0x0];
	_ =	sdelay $0x1  }
0x5c: {  	s24 =	simm.s32 $0x1CE20;
	[tilespmem:s0+$0x0] =	vst v0  }
0x5d: {  	v7 =	vld [tilespmem:s24+$0x0];
	_ =	sdelay $0x1  }
0x5e: {  	(xrf0) =	vadd.scan.msk.s32 $0xffff, v6;
	_ =	sdelay $0x2  }
0x5f: {  	(xrf0) =	vadd.scan.msk.s32 $0xffff, v7;
	_ =	sdelay $0x2  }
0x60: {  	v7, _, _ =	vpop (xrf0)  }
0x61: {  	s25 =	spop (v2sf);
	(v2sf) =	vpush v7, $0xF;
	_ =	sdelay $0x1  }
0x62: {  	v7, _, _ =	vpop (xrf0)  }
0x63: {  	s28 =	simm.s32 $0x1CE30;
	[tilespmem:s24+$0x0] =	vst v0;
	(v2sf) =	vpush v7, $0xF  }
0x64: {  	v6 =	vld [tilespmem:s28+$0x0];
	_ =	sdelay $0x1  }
0x65: {  	s31 =	simm.s32 $0x0;
	s23 =	simm.s32 $0x1  }
0x66: {  	s26 =	simm.s32 $0x2;
	s30 =	simm.s32 $0x40;
	s0 =	sadd.s32 $0x0, s25  }
0x67: {  	s29 =	simm.s32 $0x4;
	p1 =	por $0x1, $0x1;
	p0 =	sgt.s32 s0, $0x3F  }
0x68: {  	s24 =	simm.s32 $0x40;
	[tilespmem:s28+$0x0] =	vst v0;
	(xrf0) =	vadd.scan.msk.s32 $0xffff, v6;
	s25 =	simm.s32 $0x3;
	s30 =	smov.u32 @p0 s31  }
.LBB2_7:
0x69: {  	p0 =	sne.s32 s29, $0x3F;
	s28 =	sadd.s32 $0x10, s28;
	s24 =	smov.u32 @p1 s30  }
0x6a: {  	s31 =	smov.u32 s26;
	s26 =	smov.u32 s25;
	s25 =	smov.u32 s29  }
0x6b: {  	s29 =	sadd.s32 $0x1, s29;
	v6 =	vld [tilespmem:s28+$0x0]  }
0x6c: {  	[tilespmem:s28+$0x0] =	vst v0  }
.Ltmp6:
0x6d: {  	(pc) =	sbr.rel @p0 .LBB2_7-.Ltmp6, $4  }
0x6e: {  	v7, _, _ =	vpop (xrf0);
	s30 =	spop (v2sf)  }
0x6f: {  	(v2sf) =	vpush v7, $0xF;
	s0 =	sadd.s32 s0, s30  }
0x70: {  	s30 =	smov.u32 s24;
	(xrf0) =	vadd.scan.msk.s32 $0xffff, v6;
	p2 =	sgt.s32 s0, $0x3F  }
0x71: {  	p1 =	seq.s32 s24, $0x40;
	s30 =	smov.u32 @p2 s23;
	s23 =	smov.u32 s31  }
0x72: {  	_ =	sdelay $0x3  }
0x73: {  	v6, _, _ =	vpop (xrf0)  }
0x74: {  	(v2sf) =	vpush v6, $0xF;
	_ =	sdelay $0x7  }
0x75: {  	s28 =	spop (v2sf)  }
0x76: {  	s24 =	smov.u32 @p1 s30;
	s0 =	sadd.s32 s0, s28  }
0x77: {  	s28 =	smov.u32 s24;
	p0 =	sgt.s32 s0, $0x3F  }
0x78: {  	p1 =	seq.s32 s24, $0x40;
	s28 =	smov.u32 @p0 s23  }
0x79: {  	s23 =	simm.s32 $0x0;
	s24 =	smov.u32 @p1 s28;
	s9 =	spop (v2sf)  }
0x7a: {  	s10 =	sand.u32 $0xE00, s23;
	s30 =	sand.u32 $0x70, s23;
	s0 =	sadd.s32 s0, s9  }
0x7b: {  	s28 =	smov.u32 s24;
	p1 =	seq.s32 s24, $0x40;
	p0 =	sgt.s32 s0, $0x3F  }
0x7c: {  	s28 =	smov.u32 @p0 s26;
	s26 =	sadd.s32 s10, s22;
	s29 =	spop (v2sf)  }
0x7d: {  	s24 =	smov.u32 @p1 s28;
	s26 =	sadd.s32 s30, s26;
	s0 =	sadd.s32 s0, s29  }
0x7e: {  	v7 =	vld [tilespmem:s26+$0x0];
	p0 =	sgt.s32 s0, $0x3F;
	s0 =	smov.u32 s24  }
0x7f: {  	p1 =	seq.s32 s24, $0x40;
	s0 =	smov.u32 @p0 s25  }
0x80: {  	s24 =	smov.u32 @p1 s0  }
0x81: {  	s0 =	sshllo.u32 s24, $0x4  }
0x82: {  	v6 =	vmov s0  }
0x83: {  	vm1 =	vle.s32 v7, v6  }
0x84: {  	v7 =	vsel vm1, $0x1, v0  }
0x85: {  	(xrf0) =	vadd.scan.msk.s32 $0xffff, v7;
	_ =	sdelay $0x4  }
0x86: {  	s26 =	simm.s32 $0x40  }
0x87: {  	s25 =	simm.s32 $0x10;
	s0 =	sand.u32 $0xE00, s26;
	v7, _, _ =	vpop (xrf0)  }
0x88: {  	v8 =	vor.u32 s23, v1;
	s31 =	sand.u32 $0x70, s25;
	s0 =	sadd.s32 s0, s22;
	(v2sf) =	vpush v7, $0xF  }
0x89: {  	s0 =	sadd.s32 s31, s0;
	[tilespmem:s23+$0x1D200] =	vst.msk vm1, v8  }
0x8a: {  	v7 =	vld [tilespmem:s0+$0x0];
	_ =	sdelay $0x4  }
0x8b: {  	vm1 =	vle.s32 v7, v6  }
0x8c: {  	v7 =	vsel vm1, $0x1, v0  }
0x8d: {  	(xrf0) =	vadd.scan.msk.s32 $0xffff, v7;
	_ =	sdelay $0x3  }
0x8e: {  	s24 =	simm.s32 $0x20  }
0x8f: {  	s28 =	sand.u32 $0x70, s24;
	s0 =	simm.s32 $0x80  }
0x90: {  	s26 =	simm.s32 $0x30;
	s29 =	sand.u32 $0xE00, s0;
	v7, _, _ =	vpop (xrf0);
	s30 =	spop (v2sf)  }
.LBB2_9:
0x91: {  	p0 =	sne.s32 s26, $0x370;
	s29 =	sadd.s32 s29, s22;
	v8 =	vor.u32 s25, v1;
	(v2sf) =	vpush v7, $0xF;
	s23 =	sadd.s32 s23, s30  }
0x92: {  	s25 =	smov.u32 s24;
	s24 =	smov.u32 s26;
	s28 =	sadd.s32 s28, s29;
	[tilespmem:s23+$0x1D200] =	vst.msk vm1, v8  }
0x93: {  	v7 =	vld [tilespmem:s28+$0x0];
	_ =	sdelay $0x4  }
0x94: {  	vm1 =	vle.s32 v7, v6  }
0x95: {  	v7 =	vsel vm1, $0x1, v0  }
0x96: {  	(xrf0) =	vadd.scan.msk.s32 $0xffff, v7;
	_ =	sdelay $0x1  }
.Ltmp7:
0x97: {  	(pc) =	sbr.rel @p0 .LBB2_9-.Ltmp7, $3  }
0x98: {  	_ =	sdelay $0x1  }
0x99: {  	s0 =	sadd.s32 $0x40, s0;
	s28 =	sand.u32 $0x70, s26  }
0x9a: {  	s29 =	sand.u32 $0xE00, s0;
	s26 =	sadd.s32 $0x10, s26;
	v7, _, _ =	vpop (xrf0);
	s30 =	spop (v2sf)  }
0x9b: {  	s0 =	sadd.s32 s29, s22;
	v8 =	vor.u32 s25, v1;
	s23 =	sadd.s32 s23, s30  }
0x9c: {  	s0 =	sadd.s32 s28, s0;
	[tilespmem:s23+$0x1D200] =	vst.msk vm1, v8  }
0x9d: {  	v8 =	vld [tilespmem:s0+$0x0];
	_ =	sdelay $0x4  }
0x9e: {  	vm1 =	vle.s32 v8, v6  }
0x9f: {  	v6 =	vsel vm1, $0x1, v0  }
0xa0: {  	(xrf0) =	vadd.scan.msk.s32 $0xffff, v6;
	_ =	sdelay $0x2  }
0xa1: {  	(v2sf) =	vpush v7, $0xF;
	_ =	sdelay $0x2  }
0xa2: {  	v6, _, _ =	vpop (xrf0)  }
0xa3: {  	(v2sf) =	vpush v6, $0xF;
	_ =	sdelay $0xa  }
0xa4: {  	s25 =	spop (v2sf)  }
0xa5: {  	v6 =	vor.u32 s24, v1;
	s23 =	sadd.s32 s23, s25  }
0xa6: {  	s26 =	simm.s32 $0x1D200;
	[tilespmem:s23+$0x1D200] =	vst.msk vm1, v6  }
0xa7: {  	v8 =	vld [tilespmem:s26+$0x0]  }
0xa8: {  	s28 =	simm.s32 $0x1D210;
	s24 =	spop (v2sf)  }
0xa9: {  	s29 =	sadd.s32 s4, s20;
	s26 =	simm.s32 $0x0;
	v9 =	vld [tilespmem:s28+$0x0];
	s22 =	sadd.s32 s23, s24  }
0xaa: {  	s30 =	smul.u32 $0x340, s29;
	v7 =	vor.u32 s26, v1;
	v6 =	vmov s22  }
0xab: {  	s31 =	simm.s32 $0x10;
	vm1 =	vlt.s32 v7, v6  }
0xac: {  	v10 =	vor.u32 s31, v1;
	v7 =	vmov s30;
	v8 =	vnsel vm1, $0x0, v8  }
0xad: {  	s0 =	simm.s32 $0x1D600;
	vm1 =	vlt.s32 v10, v6;
	v8 =	vadd.s32 v7, v8  }
0xae: {  	s25 =	simm.s32 $0x20;
	s26 =	simm.s32 $0x1D220;
	[tilespmem:s0+$0x0] =	vst v8;
	v8 =	vnsel vm1, $0x0, v9  }
.LBB2_11:
0xaf: {  	p0 =	sne.s32 s25, $0x370  }
0xb0: {  	v9 =	vld [tilespmem:s26+$0x0];
	v8 =	vadd.s32 v7, v8;
	s0 =	sadd.s32 $0x10, s0;
	s28 =	smov.u32 s25;
	s25 =	sadd.s32 $0x10, s25  }
.Ltmp8:
0xb1: {  	[tilespmem:s0+$0x0] =	vst v8;
	(pc) =	sbr.rel @p0 .LBB2_11-.Ltmp8, $4  }
0xb2: {  	_ = 	snop  }
0xb3: {  	v8 =	vor.u32 s28, v1  }
0xb4: {  	vm1 =	vlt.s32 v8, v6  }
0xb5: {  	s26 =	sadd.s32 $0x10, s26;
	v8 =	vnsel vm1, $0x0, v9  }
0xb6: {  	s25 =	sadd.s32 $0x7F, s22  }
0xb7: {  	s26 =	sshra.s32 s25, $0x7  }
0xb8: {  	p0 =	sgt.s32 s26, $0x0  }
.Ltmp9:
0xb9: {  	_ = 	snop;
	(pc) =	sbr.rel @!p0 .LBB2_16-.Ltmp9, $3  }
0xba: {  	_ =	sdelay $0x1  }
0xbb: {  	v6 =	vadd.s32 v7, v8;
	s0 =	sadd.s32 $0x10, s0  }
0xbc: {  	[tilespmem:s0+$0x0] =	vst v6  }
0xbd: {  	p0 =	seq.s32 s26, $0x1  }
.Ltmp10:
0xbe: {  	_ = 	snop;
	(pc) =	sbr.rel @p0 .LBB2_15-.Ltmp10, $4  }
0xbf: {  	s0 =	simm.s32 $0x1D600;
	s25 =	simm.s32 $0x0  }
0xc0: {  	[tilespmem:s25], [sflag:$0x1] =	stream.indirect.gather [hbm4b:s3+s13], $0x80, s0, s13, $0xb8;
	[tilespmem:$0x1E000] =	vst v63  }
0xc1: {  	_ =	swait.ge [sflag:s14], $0x4000  }
0xc2: {  	s26 =	sadd.s32 $0xFFFFFFFF, s26;
	[sflag:s14] =	ssyncset.done $0x0  }
.LBB2_14:
0xc3: {  	[sflag:s14] =	ssyncadd.s32 $0xFFFFC000  }
0xc4: {  	s0 =	sadd.s32 $0x80, s0;
	s25 =	sadd.s32 $0x4000, s25;
	p0 =	seq.s32 s26, $0x1  }
.Ltmp11:
0xc5: {  	s26 =	sadd.s32 $0xFFFFFFFF, s26;
	(pc) =	sbr.rel @!p0 .LBB2_14-.Ltmp11, $4  }
0xc6: {  	_ = 	snop  }
0xc7: {  	[tilespmem:s25], [sflag:$0x1] =	stream.indirect.gather [hbm4b:s3+s13], $0x80, s0, s13, $0xb8;
	[tilespmem:$0x1E000] =	vst v63  }
0xc8: {  	_ =	swait.ge [sflag:s14], $0x4000  }
0xc9: {  	[sflag:s14] =	ssyncset.done $0x0  }
.LBB2_15:
0xca: {  	[sflag:s14] =	ssyncadd.s32 $0xFFFFC000  }
.LBB2_16:
0xcb: {  	p0 =	sgt.s32 s22, $0x0  }
.Ltmp12:
0xcc: {  	_ = 	snop;
	(pc) =	sbr.rel @!p0 .LBB2_17-.Ltmp12, $1  }
0xcd: {  	_ =	sdelay $0x3  }
0xce: {  	s0 =	sadd.s32 s23, s24  }
0xcf: {  	p4 =	seq.s32 s0, $0x1  }
.Ltmp13:
0xd0: {  	_ = 	snop;
	(pc) =	sbr.rel @p4 .LBB2_30-.Ltmp13, $3  }
0xd1: {  	_ =	sdelay $0x1  }
0xd2: {  	s23 =	simm.s32 $0x40;
	p0 =	por $0x0, $0x0;
	p1 =	por $0x0, $0x0  }
0xd3: {  	p2 =	por $0x0, $0x0;
	p3 =	por $0x0, $0x0;
	s0 =	sadd.s32 $0xFFFFFFFF, s0;
	v8 =	vld [tilespmem:s23+$0xFFFFFFC0]  }
0xd4: {  	_ =	sdelay $0x4  }
0xd5: {  	p4 =	seq.s32 s0, $0x1  }
.Ltmp14:
0xd6: {  	_ = 	snop;
	(pc) =	sbr.rel @p4 .LBB2_32-.Ltmp14, $4  }
0xd7: {  	_ = 	snop  }
0xd8: {  	s24 =	simm.s32 $0xC0;
	[tilespmem:v8+s15+$0x0] =	vst.idx.add.s32.msk $0xffff, v2  }
0xd9: {  	v8 =	vld [tilespmem:s24+$0xFFFFFFC0]  }
0xda: {  	s0 =	sadd.s32 $0xFFFFFFFF, s0;
	p0 =	por $0x1, $0x1;
	v6 =	vld [tilespmem:s23+$0xFFFFFFD0]  }
0xdb: {  	_ =	sdelay $0x7  }
0xdc: {  	[tilespmem:v6+s15+$0x0] =	vst.idx.add.s32.msk $0xffff, v2  }
0xdd: {  	v7 =	vld [tilespmem:s23+$0xFFFFFFE0];
	_ =	sdelay $0x3  }
0xde: {  	p4 =	seq.s32 s0, $0x1  }
.Ltmp15:
0xdf: {  	s28 =	simm.s32 $0x140;
	[tilespmem:v8+s15+$0x0] =	vst.idx.add.s32.msk $0xffff, v2;
	(pc) =	sbr.rel @p4 .LBB2_34-.Ltmp15, $4  }
0xe0: {  	v8 =	vld [tilespmem:s28+$0xFFFFFFC0]  }
0xe1: {  	v6 =	vld [tilespmem:s24+$0xFFFFFFD0]  }
0xe2: {  	[tilespmem:v7+s15+$0x0] =	vst.idx.add.s32.msk $0xffff, v2  }
0xe3: {  	s0 =	sadd.s32 $0xFFFFFFFF, s0;
	p1 =	por $0x1, $0x1;
	v11 =	vld [tilespmem:s23+$0xFFFFFFF0]  }
0xe4: {  	_ =	sdelay $0x5  }
0xe5: {  	[tilespmem:v6+s15+$0x0] =	vst.idx.add.s32.msk $0xffff, v2  }
0xe6: {  	v7 =	vld [tilespmem:s24+$0xFFFFFFE0]  }
0xe7: {  	[tilespmem:v11+s15+$0x0] =	vst.idx.add.s32.msk $0xffff, v2  }
0xe8: {  	v9 =	vld [tilespmem:s23+$0x0];
	_ =	sdelay $0x2  }
0xe9: {  	s30 =	simm.s32 $0x1C0;
	[tilespmem:v8+s15+$0x0] =	vst.idx.add.s32.msk $0xffff, v2  }
0xea: {  	p4 =	seq.s32 s0, $0x1;
	v8 =	vld [tilespmem:s30+$0xFFFFFFC0]  }
.Ltmp16:
0xeb: {  	v6 =	vld [tilespmem:s28+$0xFFFFFFD0];
	(pc) =	sbr.rel @p4 .LBB2_36-.Ltmp16, $4  }
0xec: {  	[tilespmem:v7+s15+$0x0] =	vst.idx.add.s32.msk $0xffff, v2  }
0xed: {  	v10 =	vld [tilespmem:s24+$0xFFFFFFF0]  }
0xee: {  	[tilespmem:v9+s15+$0x0] =	vst.idx.add.s32.msk $0xffff, v2  }
0xef: {  	s0 =	sadd.s32 $0xFFFFFFFF, s0;
	p2 =	por $0x1, $0x1;
	v7 =	vld [tilespmem:s23+$0x10]  }
0xf0: {  	_ =	sdelay $0x3  }
0xf1: {  	[tilespmem:v6+s15+$0x0] =	vst.idx.add.s32.msk $0xffff, v2  }
0xf2: {  	v9 =	vld [tilespmem:s28+$0xFFFFFFE0]  }
0xf3: {  	[tilespmem:v10+s15+$0x0] =	vst.idx.add.s32.msk $0xffff, v2  }
0xf4: {  	v12 =	vld [tilespmem:s24+$0x0]  }
0xf5: {  	[tilespmem:v7+s15+$0x0] =	vst.idx.add.s32.msk $0xffff, v2  }
0xf6: {  	v13 =	vld [tilespmem:s23+$0x20];
	_ =	sdelay $0x1  }
0xf7: {  	[tilespmem:v8+s15+$0x0] =	vst.idx.add.s32.msk $0xffff, v2  }
0xf8: {  	v6 =	vld [tilespmem:s30+$0xFFFFFFD0]  }
0xf9: {  	[tilespmem:v9+s15+$0x0] =	vst.idx.add.s32.msk $0xffff, v2  }
0xfa: {  	p4 =	seq.s32 s0, $0x1;
	v11 =	vld [tilespmem:s28+$0xFFFFFFF0]  }
.Ltmp17:
0xfb: {  	[tilespmem:v12+s15+$0x0] =	vst.idx.add.s32.msk $0xffff, v2;
	(pc) =	sbr.rel @p4 .LBB2_38-.Ltmp17, $4  }
0xfc: {  	v12 =	vld [tilespmem:s24+$0x10]  }
0xfd: {  	[tilespmem:v13+s15+$0x0] =	vst.idx.add.s32.msk $0xffff, v2  }
0xfe: {  	s31 =	simm.s32 $0x240;
	s0 =	sadd.s32 $0xFFFFFFFF, s0;
	v9 =	vld [tilespmem:s23+$0x30]  }
0xff: {  	p3 =	por $0x1, $0x1;
	s26 =	simm.s32 $0xC0;
	s25 =	simm.s32 $0x240;
	v8 =	vld [tilespmem:s31+$0xFFFFFFC0]  }
.LBB2_39:
0x100: {  	p4 =	seq.s32 s0, $0x1;
	[tilespmem:v6+s15+$0x0] =	vst.idx.add.s32.msk $0xffff, v2  }
0x101: {  	v13 =	vld [tilespmem:s30+$0xFFFFFFE0]  }
0x102: {  	[tilespmem:v11+s15+$0x0] =	vst.idx.add.s32.msk $0xffff, v2  }
0x103: {  	v14 =	vld [tilespmem:s28+$0x0]  }
0x104: {  	[tilespmem:v12+s15+$0x0] =	vst.idx.add.s32.msk $0xffff, v2  }
0x105: {  	v15 =	vld [tilespmem:s26+$0x20]  }
0x106: {  	[tilespmem:v9+s15+$0x0] =	vst.idx.add.s32.msk $0xffff, v2  }
0x107: {  	[tilespmem:v8+s15+$0x0] =	vst.idx.add.s32.msk $0xffff, v2  }
0x108: {  	v6 =	vld [tilespmem:s31+$0xFFFFFFD0]  }
0x109: {  	[tilespmem:v13+s15+$0x0] =	vst.idx.add.s32.msk $0xffff, v2  }
0x10a: {  	v11 =	vld [tilespmem:s30+$0xFFFFFFF0]  }
.Ltmp18:
0x10b: {  	[tilespmem:v14+s15+$0x0] =	vst.idx.add.s32.msk $0xffff, v2;
	(pc) =	sbr.rel @!p4 .LBB2_39-.Ltmp18, $4  }
0x10c: {  	v12 =	vld [tilespmem:s28+$0x10]  }
0x10d: {  	[tilespmem:v15+s15+$0x0] =	vst.idx.add.s32.msk $0xffff, v2  }
0x10e: {  	s31 =	sadd.s32 $0x80, s31;
	v9 =	vld [tilespmem:s26+$0x30];
	s26 =	smov.u32 s28;
	s28 =	smov.u32 s30  }
0x10f: {  	s0 =	sadd.s32 $0xFFFFFFFF, s0;
	s30 =	smov.u32 s25;
	s25 =	smov.u32 s31;
	v8 =	vld [tilespmem:s31+$0xFFFFFFC0]  }
0x110: {  	s0 =	smov.u32 s30  }
0x111: {  	s29 =	smov.u32 s28;
	s28 =	smov.u32 s31;
	s30 =	smov.u32 s25  }
.LBB2_41:
0x112: {  	_ =	sdelay $0x3  }
0x113: {  	[tilespmem:v6+s15+$0x0] =	vst.idx.add.s32.msk @p0 $0xffff, v2  }
0x114: {  	v6 =	vld @p0 [tilespmem:s0+$0xFFFFFFE0]  }
0x115: {  	[tilespmem:v8+s15+$0x0] =	vst.idx.add.s32.msk $0xffff, v2  }
0x116: {  	v8 =	vld [tilespmem:s28+$0xFFFFFFD0];
	_ =	sdelay $0x6  }
0x117: {  	[tilespmem:v6+s15+$0x0] =	vst.idx.add.s32.msk @p0 $0xffff, v2  }
0x118: {  	[tilespmem:v8+s15+$0x0] =	vst.idx.add.s32.msk $0xffff, v2  }
0x119: {  	v8 =	vld [tilespmem:s30+$0xFFFFFFE0]  }
0x11a: {  	v6 =	vld @p0 [tilespmem:s0+$0xFFFFFFF0];
	_ =	sdelay $0x4  }
0x11b: {  	[tilespmem:v11+s15+$0x0] =	vst.idx.add.s32.msk @p1 $0xffff, v2;
	v6 =	vpsel p0, v6, v10  }
0x11c: {  	v10 =	vld @p1 [tilespmem:s29+$0x0]  }
0x11d: {  	[tilespmem:v8+s15+$0x0] =	vst.idx.add.s32.msk $0xffff, v2  }
0x11e: {  	v8 =	vld [tilespmem:s30+$0xFFFFFFF0];
	_ =	sdelay $0x1  }
0x11f: {  	s24 =	smov.u32 @p0 s0;
	[tilespmem:v6+s15+$0x0] =	vst.idx.add.s32.msk @p0 $0xffff, v2  }
0x120: {  	v6 =	vld @p0 [tilespmem:s24+$0x0];
	_ =	sdelay $0x3  }
0x121: {  	[tilespmem:v10+s15+$0x0] =	vst.idx.add.s32.msk @p1 $0xffff, v2  }
0x122: {  	[tilespmem:v8+s15+$0x0] =	vst.idx.add.s32.msk $0xffff, v2  }
0x123: {  	v8 =	vld [tilespmem:s30+$0x0]  }
0x124: {  	v10 =	vld @p1 [tilespmem:s29+$0x10]  }
0x125: {  	[tilespmem:v6+s15+$0x0] =	vst.idx.add.s32.msk @p0 $0xffff, v2  }
0x126: {  	v6 =	vld @p0 [tilespmem:s24+$0x10];
	_ =	sdelay $0x2  }
0x127: {  	v7 =	vpsel p1, v10, v7  }
0x128: {  	[tilespmem:v12+s15+$0x0] =	vst.idx.add.s32.msk @p2 $0xffff, v2  }
0x129: {  	v6 =	vpsel p0, v6, v0;
	[tilespmem:v8+s15+$0x0] =	vst.idx.add.s32.msk $0xffff, v2  }
0x12a: {  	v8 =	vld [tilespmem:s30+$0x10]  }
0x12b: {  	s0 =	smov.u32 @p1 s29;
	v10 =	vld @p2 [tilespmem:s26+$0x20]  }
0x12c: {  	s23 =	smov.u32 @p1 s0;
	[tilespmem:v7+s15+$0x0] =	vst.idx.add.s32.msk @p1 $0xffff, v2  }
0x12d: {  	s0 =	smov.u32 @p0 s24;
	v7 =	vld @p1 [tilespmem:s23+$0x20]  }
0x12e: {  	s0 =	smov.u32 @p0 s0;
	[tilespmem:v6+s15+$0x0] =	vst.idx.add.s32.msk @p0 $0xffff, v2  }
0x12f: {  	v6 =	vld @p0 [tilespmem:s0+$0x20];
	_ =	sdelay $0x2  }
0x130: {  	[tilespmem:v8+s15+$0x0] =	vst.idx.add.s32.msk $0xffff, v2  }
0x131: {  	v8 =	vld [tilespmem:s30+$0x20]  }
0x132: {  	[tilespmem:v10+s15+$0x0] =	vst.idx.add.s32.msk @p2 $0xffff, v2  }
0x133: {  	[tilespmem:v7+s15+$0x0] =	vst.idx.add.s32.msk @p1 $0xffff, v2  }
0x134: {  	v7 =	vld @p1 [tilespmem:s23+$0x30]  }
0x135: {  	[tilespmem:v6+s15+$0x0] =	vst.idx.add.s32.msk @p0 $0xffff, v2  }
0x136: {  	v6 =	vld @p0 [tilespmem:s0+$0x30]  }
0x137: {  	v10 =	vld @p2 [tilespmem:s26+$0x30];
	_ =	sdelay $0x1  }
0x138: {  	[tilespmem:v8+s15+$0x0] =	vst.idx.add.s32.msk $0xffff, v2  }
0x139: {  	v7 =	vpsel p1, v7, v0;
	v63 =	vld [tilespmem:s30+$0x30]  }
0x13a: {  	v6 =	vpsel p0, v6, v0  }
0x13b: {  	v8 =	vpsel p2, v10, v0;
	_ =	sdelay $0x1  }
0x13c: {  	[tilespmem:v9+s15+$0x0] =	vst.idx.add.s32.msk @p3 $0xffff, v2  }
0x13d: {  	[tilespmem:v7+s15+$0x0] =	vst.idx.add.s32.msk @p1 $0xffff, v2  }
0x13e: {  	[tilespmem:v6+s15+$0x0] =	vst.idx.add.s32.msk @p0 $0xffff, v2  }
0x13f: {  	[tilespmem:v8+s15+$0x0] =	vst.idx.add.s32.msk @p2 $0xffff, v2  }
0x140: {  	[tilespmem:v63+s15+$0x0] =	vst.idx.add.s32.msk $0xffff, v2  }
.LBB2_17:
0x141: {  	s0 =	simm.s32 $0x1CE00  }
0x142: {  	v6 =	vld [tilespmem:s0+$0x0];
	_ =	sdelay $0x4  }
0x143: {  	(xrf0) =	vadd.scan.msk.s32 $0xffff, v6;
	_ =	sdelay $0x5  }
0x144: {  	v6, _, _ =	vpop (xrf0)  }
0x145: {  	(v2sf) =	vpush v6, $0xF;
	_ =	sdelay $0x1  }
0x146: {  	s25 =	simm.s32 $0x1CE10;
	[tilespmem:s0+$0x0] =	vst v0  }
0x147: {  	v6 =	vld [tilespmem:s25+$0x0];
	_ =	sdelay $0x1  }
0x148: {  	s26 =	simm.s32 $0x1CE20;
	[tilespmem:s25+$0x0] =	vst v0  }
0x149: {  	v7 =	vld [tilespmem:s26+$0x0];
	_ =	sdelay $0x1  }
0x14a: {  	(xrf0) =	vadd.scan.msk.s32 $0xffff, v6;
	_ =	sdelay $0x2  }
0x14b: {  	(xrf0) =	vadd.scan.msk.s32 $0xffff, v7;
	_ =	sdelay $0x2  }
0x14c: {  	v7, _, _ =	vpop (xrf0)  }
0x14d: {  	s29 =	spop (v2sf);
	(v2sf) =	vpush v7, $0xF;
	_ =	sdelay $0x1  }
0x14e: {  	v7, _, _ =	vpop (xrf0)  }
0x14f: {  	s28 =	simm.s32 $0x1CE30;
	[tilespmem:s26+$0x0] =	vst v0;
	(v2sf) =	vpush v7, $0xF  }
0x150: {  	v6 =	vld [tilespmem:s28+$0x0]  }
0x151: {  	s30 =	simm.s32 $0x0;
	s23 =	simm.s32 $0x40  }
0x152: {  	s24 =	simm.s32 $0x3;
	s31 =	simm.s32 $0x40;
	p1 =	por $0x1, $0x1  }
0x153: {  	[smem:s30] =	sst s30;
	s0 =	simm.s32 $0x4;
	s29 =	sadd.s32 $0x0, s29  }
0x154: {  	s25 =	simm.s32 $0x1;
	s26 =	simm.s32 $0x2;
	p0 =	sgt.s32 s29, $0x3F  }
0x155: {  	[tilespmem:s28+$0x0] =	vst v0;
	(xrf0) =	vadd.scan.msk.s32 $0xffff, v6;
	[smem:s25] =	sst s29;
	s31 =	smov.u32 @p0 s30;
	s30 =	simm.s32 $0x1  }
.LBB2_18:
0x156: {  	p0 =	sne.s32 s0, $0x3F;
	s28 =	sadd.s32 $0x10, s28;
	s23 =	smov.u32 @p1 s31  }
0x157: {  	s1 =	smov.u32 s26;
	s26 =	smov.u32 s24;
	s24 =	smov.u32 s0  }
0x158: {  	s0 =	sadd.s32 $0x1, s0;
	v6 =	vld [tilespmem:s28+$0x0]  }
0x159: {  	[tilespmem:s28+$0x0] =	vst v0  }
.Ltmp19:
0x15a: {  	(pc) =	sbr.rel @p0 .LBB2_18-.Ltmp19, $4  }
0x15b: {  	v7, _, _ =	vpop (xrf0);
	s31 =	spop (v2sf)  }
0x15c: {  	s25 =	sadd.s32 $0x1, s25;
	(v2sf) =	vpush v7, $0xF;
	s29 =	sadd.s32 s29, s31  }
0x15d: {  	s31 =	smov.u32 s23;
	(xrf0) =	vadd.scan.msk.s32 $0xffff, v6;
	[smem:s25] =	sst s29;
	p2 =	sgt.s32 s29, $0x3F  }
0x15e: {  	p1 =	seq.s32 s23, $0x40;
	s31 =	smov.u32 @p2 s30;
	s30 =	smov.u32 s1  }
0x15f: {  	_ =	sdelay $0x3  }
0x160: {  	v6, _, _ =	vpop (xrf0)  }
0x161: {  	(v2sf) =	vpush v6, $0xF;
	_ =	sdelay $0x8  }
0x162: {  	s0 =	spop (v2sf)  }
0x163: {  	s23 =	smov.u32 @p1 s31;
	s0 =	sadd.s32 s29, s0  }
0x164: {  	s1 =	smov.u32 s23;
	p0 =	sgt.s32 s0, $0x3F  }
0x165: {  	p1 =	seq.s32 s23, $0x40;
	s1 =	smov.u32 @p0 s30;
	s28 =	spop (v2sf)  }
0x166: {  	s23 =	smov.u32 @p1 s1;
	s30 =	sadd.s32 s0, s28  }
0x167: {  	s28 =	smov.u32 s23;
	p0 =	sgt.s32 s30, $0x3F  }
0x168: {  	p1 =	seq.s32 s23, $0x40;
	s28 =	smov.u32 @p0 s26;
	s31 =	spop (v2sf)  }
0x169: {  	s25 =	sadd.s32 $0x1, s25;
	s23 =	smov.u32 @p1 s28;
	s26 =	sadd.s32 s30, s31  }
0x16a: {  	[smem:s25] =	sst s0;
	s0 =	smov.u32 s23;
	p0 =	sgt.s32 s26, $0x3F  }
0x16b: {  	s25 =	sadd.s32 $0x1, s25;
	p1 =	seq.s32 s23, $0x40;
	s0 =	smov.u32 @p0 s24  }
0x16c: {  	[smem:s25] =	sst s30;
	s23 =	smov.u32 @p1 s0  }
0x16d: {  	s24 =	sld [smem:s23+$0x0];
	_ =	sdelay $0x2  }
0x16e: {  	s25 =	ssub.s32 $0x40, s24  }
0x16f: {  	p0 =	sgt.s32 s24, $0x0;
	p1 =	sgt.s32 s25, $0x0  }
0x170: {  	p2 =	slt.s32 s22, $0x1;
	p3 =	por p0, p1  }
0x171: {  	p2 =	por p2, !p3  }
.Ltmp20:
0x172: {  	_ = 	snop;
	(pc) =	sbr.rel @p2 .LBB2_22-.Ltmp20, $1  }
0x173: {  	_ =	sdelay $0x3  }
0x174: {  	s0 =	simm.s32 $0x0;
	s26 =	simm.s32 $0x1  }
0x175: {  	v6 =	vmov s23;
	s28 =	simm.s32 $0x1D200;
	s29 =	simm.s32 $0x40;
	s31 =	simm.s32 $0x0  }
.LBB2_21:
0x176: {  	v7 =	vld [tilespmem:s29+$0xFFFFFFC0];
	_ =	sdelay $0x1  }
0x177: {  	v8 =	vld [tilespmem:s28+$0x0];
	_ =	sdelay $0x2  }
0x178: {  	vm1 =	vmmov vm0;
	v7 =	vshrl.u32 v7, $0x4  }
0x179: {  	vm1 =	vmneg @p1 vm1;
	vm2 =	vlt.u32 v7, v6;
	vm3 =	veq.s32 v7, v6  }
0x17a: {  	(v2sf) =	vpush v8, $0x0;
	vm1 =	vmand vm1, vm3;
	v8 =	vsel vm2, $0x1, v0  }
0x17b: {  	(xrf0) =	vadd.scan.msk.s32 $0xffff, v8;
	v8 =	vsel vm1, $0x1, v0  }
0x17c: {  	(xrf0) =	vadd.scan.msk.s32 $0xffff, v8;
	_ =	sdelay $0x4  }
0x17d: {  	v8, _, _ =	vpop (xrf0)  }
0x17e: {  	(v2sf) =	vpush v8, $0xF;
	v8, _, _ =	vpop (xrf0)  }
0x17f: {  	(v2sf) =	vpush v8, $0xF;
	_ =	sdelay $0x5  }
0x180: {  	s1 =	spop (v2sf)  }
0x181: {  	v7 =	vshll.u32 v7, $0x11;
	s30 =	sshll.u32 s1, $0x7  }
0x182: {  	v7 =	vadd.s32 s30, v7  }
0x183: {  	v7 =	vor.u32 v1, v7  }
0x184: {  	[tilespmem:s31+$0x1DA00] =	vst.msk vm2, v7  }
0x185: {  	[tilespmem:s0+$0x1DA80] =	vst.msk vm1, v7  }
0x186: {  	v7 =	vld [tilespmem:s29+$0xFFFFFFD0];
	_ =	sdelay $0x1  }
0x187: {  	s1 =	spop (v2sf)  }
0x188: {  	s9 =	spop (v2sf)  }
0x189: {  	s0 =	sadd.s32 s0, s9  }
0x18a: {  	vm1 =	vmmov vm0;
	v7 =	vshrl.u32 v7, $0x4;
	p1 =	slt.s32 s0, s25  }
0x18b: {  	vm2 =	vlt.u32 v7, v6;
	vm3 =	veq.s32 v7, v6;
	vm1 =	vmneg @p1 vm1  }
0x18c: {  	v8 =	vsel vm2, $0x1, v0;
	vm1 =	vmand vm3, vm1  }
0x18d: {  	(xrf0) =	vadd.scan.msk.s32 $0xffff, v8;
	v8 =	vsel vm1, $0x1, v0  }
0x18e: {  	(xrf0) =	vadd.scan.msk.s32 $0xffff, v8;
	_ =	sdelay $0x4  }
0x18f: {  	v8, _, _ =	vpop (xrf0)  }
0x190: {  	(v2sf) =	vpush v8, $0xF;
	v8, _, _ =	vpop (xrf0)  }
0x191: {  	(v2sf) =	vpush v8, $0xF;
	_ =	sdelay $0x6  }
0x192: {  	s10 =	sor.u32 $0x10, s30;
	v7 =	vshll.u32 v7, $0x11  }
0x193: {  	v7 =	vadd.s32 s10, v7  }
0x194: {  	s1 =	sadd.s32 s31, s1;
	v7 =	vor.u32 v1, v7  }
0x195: {  	[tilespmem:s1+$0x1DA00] =	vst.msk vm2, v7  }
0x196: {  	[tilespmem:s0+$0x1DA80] =	vst.msk vm1, v7  }
0x197: {  	v7 =	vld [tilespmem:s29+$0xFFFFFFE0];
	_ =	sdelay $0x1  }
0x198: {  	s10 =	spop (v2sf)  }
0x199: {  	s31 =	spop (v2sf)  }
0x19a: {  	s0 =	sadd.s32 s0, s31  }
0x19b: {  	vm1 =	vmmov vm0;
	v7 =	vshrl.u32 v7, $0x4;
	p1 =	slt.s32 s0, s25  }
0x19c: {  	vm2 =	vlt.u32 v7, v6;
	vm3 =	veq.s32 v7, v6;
	vm1 =	vmneg @p1 vm1  }
0x19d: {  	v8 =	vsel vm2, $0x1, v0;
	vm1 =	vmand vm3, vm1  }
0x19e: {  	(xrf0) =	vadd.scan.msk.s32 $0xffff, v8;
	v8 =	vsel vm1, $0x1, v0  }
0x19f: {  	(xrf0) =	vadd.scan.msk.s32 $0xffff, v8;
	_ =	sdelay $0x4  }
0x1a0: {  	v8, _, _ =	vpop (xrf0)  }
0x1a1: {  	(v2sf) =	vpush v8, $0xF;
	v8, _, _ =	vpop (xrf0)  }
0x1a2: {  	(v2sf) =	vpush v8, $0xF;
	_ =	sdelay $0x6  }
0x1a3: {  	v7 =	vshll.u32 v7, $0x11;
	s31 =	sor.u32 $0x20, s30  }
0x1a4: {  	v7 =	vadd.s32 s31, v7  }
0x1a5: {  	s1 =	sadd.s32 s1, s10;
	v7 =	vor.u32 v1, v7  }
0x1a6: {  	[tilespmem:s1+$0x1DA00] =	vst.msk vm2, v7  }
0x1a7: {  	[tilespmem:s0+$0x1DA80] =	vst.msk vm1, v7  }
0x1a8: {  	v7 =	vld [tilespmem:s29+$0xFFFFFFF0];
	_ =	sdelay $0x1  }
0x1a9: {  	s10 =	spop (v2sf)  }
0x1aa: {  	s31 =	spop (v2sf)  }
0x1ab: {  	s0 =	sadd.s32 s0, s31  }
0x1ac: {  	vm1 =	vmmov vm0;
	v7 =	vshrl.u32 v7, $0x4;
	p1 =	slt.s32 s0, s25  }
0x1ad: {  	vm2 =	vlt.u32 v7, v6;
	vm3 =	veq.s32 v7, v6;
	vm1 =	vmneg @p1 vm1  }
0x1ae: {  	v8 =	vsel vm2, $0x1, v0;
	vm1 =	vmand vm3, vm1  }
0x1af: {  	(xrf0) =	vadd.scan.msk.s32 $0xffff, v8;
	v8 =	vsel vm1, $0x1, v0  }
0x1b0: {  	(xrf0) =	vadd.scan.msk.s32 $0xffff, v8;
	_ =	sdelay $0x4  }
0x1b1: {  	v8, _, _ =	vpop (xrf0)  }
0x1b2: {  	(v2sf) =	vpush v8, $0xF;
	v8, _, _ =	vpop (xrf0)  }
0x1b3: {  	(v2sf) =	vpush v8, $0xF;
	_ =	sdelay $0x6  }
0x1b4: {  	v7 =	vshll.u32 v7, $0x11;
	s31 =	sor.u32 $0x30, s30  }
0x1b5: {  	v7 =	vadd.s32 s31, v7  }
0x1b6: {  	s1 =	sadd.s32 s1, s10;
	v7 =	vor.u32 v1, v7  }
0x1b7: {  	[tilespmem:s1+$0x1DA00] =	vst.msk vm2, v7  }
0x1b8: {  	[tilespmem:s0+$0x1DA80] =	vst.msk vm1, v7  }
0x1b9: {  	v7 =	vld [tilespmem:s29+$0x0];
	_ =	sdelay $0x1  }
0x1ba: {  	s10 =	spop (v2sf)  }
0x1bb: {  	s31 =	spop (v2sf)  }
0x1bc: {  	s0 =	sadd.s32 s0, s31  }
0x1bd: {  	vm1 =	vmmov vm0;
	v7 =	vshrl.u32 v7, $0x4;
	p1 =	slt.s32 s0, s25  }
0x1be: {  	vm2 =	vlt.u32 v7, v6;
	vm3 =	veq.s32 v7, v6;
	vm1 =	vmneg @p1 vm1  }
0x1bf: {  	v8 =	vsel vm2, $0x1, v0;
	vm1 =	vmand vm3, vm1  }
0x1c0: {  	(xrf0) =	vadd.scan.msk.s32 $0xffff, v8;
	v8 =	vsel vm1, $0x1, v0  }
0x1c1: {  	(xrf0) =	vadd.scan.msk.s32 $0xffff, v8;
	_ =	sdelay $0x4  }
0x1c2: {  	v8, _, _ =	vpop (xrf0)  }
0x1c3: {  	(v2sf) =	vpush v8, $0xF;
	v8, _, _ =	vpop (xrf0)  }
0x1c4: {  	(v2sf) =	vpush v8, $0xF;
	_ =	sdelay $0x6  }
0x1c5: {  	v7 =	vshll.u32 v7, $0x11;
	s31 =	sor.u32 $0x40, s30  }
0x1c6: {  	v7 =	vadd.s32 s31, v7  }
0x1c7: {  	s1 =	sadd.s32 s1, s10;
	v7 =	vor.u32 v1, v7  }
0x1c8: {  	[tilespmem:s1+$0x1DA00] =	vst.msk vm2, v7  }
0x1c9: {  	[tilespmem:s0+$0x1DA80] =	vst.msk vm1, v7  }
0x1ca: {  	v7 =	vld [tilespmem:s29+$0x10];
	_ =	sdelay $0x1  }
0x1cb: {  	s10 =	spop (v2sf)  }
0x1cc: {  	s31 =	spop (v2sf)  }
0x1cd: {  	s0 =	sadd.s32 s0, s31  }
0x1ce: {  	vm1 =	vmmov vm0;
	v7 =	vshrl.u32 v7, $0x4;
	p1 =	slt.s32 s0, s25  }
0x1cf: {  	vm2 =	vlt.u32 v7, v6;
	vm3 =	veq.s32 v7, v6;
	vm1 =	vmneg @p1 vm1  }
0x1d0: {  	v8 =	vsel vm2, $0x1, v0;
	vm1 =	vmand vm3, vm1  }
0x1d1: {  	(xrf0) =	vadd.scan.msk.s32 $0xffff, v8;
	v8 =	vsel vm1, $0x1, v0  }
0x1d2: {  	(xrf0) =	vadd.scan.msk.s32 $0xffff, v8;
	_ =	sdelay $0x4  }
0x1d3: {  	v8, _, _ =	vpop (xrf0)  }
0x1d4: {  	(v2sf) =	vpush v8, $0xF;
	v8, _, _ =	vpop (xrf0)  }
0x1d5: {  	(v2sf) =	vpush v8, $0xF;
	_ =	sdelay $0x6  }
0x1d6: {  	v7 =	vshll.u32 v7, $0x11;
	s31 =	sor.u32 $0x50, s30  }
0x1d7: {  	v7 =	vadd.s32 s31, v7  }
0x1d8: {  	s1 =	sadd.s32 s1, s10;
	v7 =	vor.u32 v1, v7  }
0x1d9: {  	[tilespmem:s1+$0x1DA00] =	vst.msk vm2, v7  }
0x1da: {  	[tilespmem:s0+$0x1DA80] =	vst.msk vm1, v7  }
0x1db: {  	v7 =	vld [tilespmem:s29+$0x20];
	_ =	sdelay $0x1  }
0x1dc: {  	s10 =	spop (v2sf)  }
0x1dd: {  	s31 =	spop (v2sf)  }
0x1de: {  	s0 =	sadd.s32 s0, s31  }
0x1df: {  	vm1 =	vmmov vm0;
	v7 =	vshrl.u32 v7, $0x4;
	p1 =	slt.s32 s0, s25  }
0x1e0: {  	vm2 =	vlt.u32 v7, v6;
	vm3 =	veq.s32 v7, v6;
	vm1 =	vmneg @p1 vm1  }
0x1e1: {  	v8 =	vsel vm2, $0x1, v0;
	vm1 =	vmand vm3, vm1  }
0x1e2: {  	(xrf0) =	vadd.scan.msk.s32 $0xffff, v8;
	v8 =	vsel vm1, $0x1, v0  }
0x1e3: {  	(xrf0) =	vadd.scan.msk.s32 $0xffff, v8;
	_ =	sdelay $0x4  }
0x1e4: {  	v8, _, _ =	vpop (xrf0)  }
0x1e5: {  	(v2sf) =	vpush v8, $0xF;
	v8, _, _ =	vpop (xrf0)  }
0x1e6: {  	(v2sf) =	vpush v8, $0xF;
	_ =	sdelay $0x6  }
0x1e7: {  	v7 =	vshll.u32 v7, $0x11;
	s31 =	sor.u32 $0x60, s30  }
0x1e8: {  	v7 =	vadd.s32 s31, v7  }
0x1e9: {  	s1 =	sadd.s32 s1, s10;
	v7 =	vor.u32 v1, v7  }
0x1ea: {  	[tilespmem:s1+$0x1DA00] =	vst.msk vm2, v7  }
0x1eb: {  	[tilespmem:s0+$0x1DA80] =	vst.msk vm1, v7  }
0x1ec: {  	v7 =	vld [tilespmem:s29+$0x30];
	_ =	sdelay $0x1  }
0x1ed: {  	s9 =	spop (v2sf)  }
0x1ee: {  	s31 =	spop (v2sf)  }
0x1ef: {  	s10 =	sadd.s32 s0, s31  }
0x1f0: {  	vm1 =	vmmov vm0;
	v7 =	vshrl.u32 v7, $0x4;
	p1 =	slt.s32 s10, s25  }
0x1f1: {  	vm2 =	vlt.u32 v7, v6;
	vm3 =	veq.s32 v7, v6;
	vm1 =	vmneg @p1 vm1  }
0x1f2: {  	v8 =	vsel vm2, $0x1, v0;
	vm1 =	vmand vm3, vm1  }
0x1f3: {  	(xrf0) =	vadd.scan.msk.s32 $0xffff, v8;
	v8 =	vsel vm1, $0x1, v0  }
0x1f4: {  	(xrf0) =	vadd.scan.msk.s32 $0xffff, v8;
	_ =	sdelay $0x4  }
0x1f5: {  	v8, _, _ =	vpop (xrf0)  }
0x1f6: {  	(v2sf) =	vpush v8, $0xF;
	v8, _, _ =	vpop (xrf0)  }
0x1f7: {  	(v2sf) =	vpush v8, $0xF;
	_ =	sdelay $0xd  }
0x1f8: {  	s0 =	spop (v2sf)  }
0x1f9: {  	s1 =	sadd.s32 s1, s9;
	s9 =	spop (v2sf)  }
0x1fa: {  	s31 =	sadd.s32 s1, s0;
	s0 =	sadd.s32 s10, s9  }
0x1fb: {  	p2 =	slt.s32 s31, s24;
	p1 =	slt.s32 s0, s25  }
0x1fc: {  	p3 =	sge.s32 s26, s22;
	p2 =	por p2, p1  }
0x1fd: {  	p2 =	por p3, !p2  }
.Ltmp21:
0x1fe: {  	s30 =	sor.u32 $0x70, s30;
	v7 =	vshll.u32 v7, $0x11;
	(pc) =	sbr.rel @!p2 .LBB2_21-.Ltmp21, $4  }
0x1ff: {  	v7 =	vadd.s32 s30, v7  }
0x200: {  	v7 =	vor.u32 v1, v7  }
0x201: {  	[tilespmem:s1+$0x1DA00] =	vst.msk vm2, v7  }
0x202: {  	s26 =	sadd.s32 $0x1, s26;
	s28 =	sadd.s32 $0x1, s28;
	s29 =	sadd.s32 $0x80, s29;
	[tilespmem:s10+$0x1DA80] =	vst.msk vm1, v7  }
.LBB2_22:
.Ltmp22:
0x203: {  	(pc) =	sbr.rel @!p0 .LBB2_26-.Ltmp22, $2  }
0x204: {  	_ =	sdelay $0x2  }
0x205: {  	s22 =	simm.s32 $0x1DA00  }
0x206: {  	p0 =	sne.s32 s24, $0x1  }
.Ltmp23:
0x207: {  	v6 =	vld [tilespmem:s22+$0x0];
	(pc) =	sbr.rel @!p0 .LBB2_25-.Ltmp23, $2  }
0x208: {  	_ =	sdelay $0x2  }
0x209: {  	s26 =	sadd.s32 $0xFFFFFFFF, s24  }
.LBB2_24:
0x20a: {  	p0 =	sne.s32 s26, $0x1;
	_ =	sdelay $0x2  }
0x20b: {  	(v2sf) =	vpush v6, $0x0;
	_ =	sdelay $0xe  }
0x20c: {  	s0 =	spop (v2sf)  }
0x20d: {  	s1 =	sshrl.u32 s0, $0x11  }
0x20e: {  	s9 =	sld [smem:s1+$0x0];
	s10 =	scvt.s32.f32 s1  }
0x20f: {  	_ =	sdelay $0x1  }
0x210: {  	s28 =	sadd.s32 $0x1, s9;
	s9 =	sadd.s32 s21, s9  }
0x211: {  	[smem:s1] =	sst s28;
	v6 =	vmov s9;
	_ =	sdelay $0x2  }
0x212: {  	s0 =	sand.u32 $0x1FFFF, s0  }
.Ltmp24:
0x213: {  	v7 =	vmov s0;
	(pc) =	sbr.rel @p0 .LBB2_24-.Ltmp24, $4  }
0x214: {  	[tilespmem:v6+s16+$0x0] =	vst.idx.msk $0x1, v7;
	v7 =	vmov s10  }
0x215: {  	s22 =	sadd.s32 $0x1, s22;
	[tilespmem:v6+s17+$0x0] =	vst.idx.msk $0x1, v7  }
0x216: {  	v6 =	vld [tilespmem:s22+$0x0]  }
0x217: {  	s26 =	sadd.s32 $0xFFFFFFFF, s26  }
.Ltmp25:
0x218: {  	_ = 	snop;
	(pc) =	sbr.rel .LBB2_25-.Ltmp25, $1  }
0x219: {  	_ =	sdelay $0x3  }
.LBB2_30:
.Ltmp26:
0x21a: {  	(pc) =	sbr.rel .LBB2_41-.Ltmp26, $2  }
0x21b: {  	_ =	sdelay $0x2  }
0x21c: {  	s28 =	simm.s32 $0x40;
	s30 =	simm.s32 $0x40  }
.LBB2_32:
.Ltmp27:
0x21d: {  	(pc) =	sbr.rel .LBB2_41-.Ltmp27, $2  }
0x21e: {  	_ =	sdelay $0x2  }
0x21f: {  	s0 =	simm.s32 $0x40;
	s28 =	simm.s32 $0xC0;
	s30 =	simm.s32 $0xC0  }
.LBB2_34:
.Ltmp28:
0x220: {  	(pc) =	sbr.rel .LBB2_41-.Ltmp28, $2  }
0x221: {  	_ =	sdelay $0x2  }
0x222: {  	s0 =	simm.s32 $0xC0;
	s29 =	simm.s32 $0x40;
	s30 =	simm.s32 $0x140  }
.LBB2_36:
.Ltmp29:
0x223: {  	_ = 	snop;
	(pc) =	sbr.rel .LBB2_41-.Ltmp29, $3  }
0x224: {  	_ =	sdelay $0x1  }
0x225: {  	s0 =	simm.s32 $0x140  }
0x226: {  	s29 =	simm.s32 $0xC0;
	s26 =	simm.s32 $0x40;
	s28 =	simm.s32 $0x1C0;
	v11 =	vmov v10;
	v12 =	vmov v7  }
.LBB2_38:
.Ltmp30:
0x227: {  	(pc) =	sbr.rel .LBB2_41-.Ltmp30, $3  }
0x228: {  	_ =	sdelay $0x1  }
0x229: {  	s0 =	simm.s32 $0x1C0;
	s29 =	simm.s32 $0x140  }
0x22a: {  	s26 =	simm.s32 $0xC0;
	s28 =	simm.s32 $0x240;
	s30 =	simm.s32 $0x240  }
.LBB2_28:
0x22b: {  	_ =	sfence.sel $0x180000  }
0x22c: {  	[bflag:$0x0] =	sbarrier.arrive $0xFFFF  }
0x22d: {  	_ =	strace $0x9000004A  }
0x22e: {  	s0 =	stileid.u32;
	[bflag:$0x2] =	sbarrier.arrive $0xFFFF  }
0x22f: {  	p0 =	sne.s32 s0, $0x0;
	s0 =	rddreg [dreg:$0x2]  }
0x230: {  	s0 =	sadd.s32 @!p0 $0x100000, s0  }
0x231: {  	[sflag:s0] =	ssyncadd.tile.s32 @!p0 $0x1;
	_ =	shalt  }
.Lfunc_end2:
_tile_overlayer_lowered:
.L_overlay_start_2:
0x232: {  	(tag) =	ssettag $0x2  }
0x233: {  	s0 =	rddreg [dreg:$0x0];
	s2 =	stileid.u32  }
0x234: {  	s1 =	rddreg [dreg:$0x1];
	p0 =	sne.s32 s2, $0x0  }
0x235: {  	s3 =	rddreg [dreg:$0x2];
	[bflag:$0x3] =	sbarrier.arrive $0xFFFF;
	s2 =	simm.s32 @!p0 $0x1C02  }
0x236: {  	[timem:s3], [sflag:s2] =	dma.local @!p0 [hbm:s0], s1  }
0x237: {  	s0 =	simm.s32 @!p0 $0x2  }
0x238: {  	_ =	swait.ge @!p0 [sflag:s0], s1  }
0x239: {  	s1 =	ssub.s32 @!p0 $0x0, s1;
	[sflag:s0] =	ssyncset.done @!p0 $0x0  }
0x23a: {  	[sflag:s0] =	ssyncadd.s32 @!p0 s1  }
0x23b: {  	[bflag:$0x3] =	sbarrier.arrive $0xFFFF  }
0x23c: {  	_ =	shalt  }

</sc_bundles>
